<compile_context>
chip_gen: v7x
topology: tpu7x:2x2x1
jax: 0.10.2.dev20260603
libtpu: 0.0.44.dev20260713+nightly
codegen_flags: <defaults>
</compile_context>

<pallas_src>
import functools

import jax
import jax.numpy as jnp
from jax import lax
from jax.experimental import pallas as pl
from jax.experimental.pallas import tpu as pltpu
from jax.experimental.pallas import tpu_sc as plsc

_TIME_INTERVAL = 10000.0
_N_TIME_INTERVAL = 100.0
_B = 4096
_L = 200
_EMB = 64
_NTOK = _B * _L


def _build(nw, ntok):
    tok_pw = ntok // nw
    pair_pw = tok_pw // 2
    chunk = 128
    cpair = chunk // 2
    nchunk = tok_pw // chunk
    nb = 4
    nround = nchunk // nb
    tblk = 1280
    cpb = tblk // chunk

    mesh = plsc.VectorSubcoreMesh(core_axis_name="c", subcore_axis_name="s")

    @functools.partial(
        pl.kernel,
        mesh=mesh,
        out_type=jax.ShapeDtypeStruct((ntok // 2, 2 * _EMB), jnp.float32),
        scratch_types=[
            pltpu.VMEM((tblk,), jnp.int32),
            pltpu.VMEM((tblk,), jnp.int32),
            pltpu.VMEM((chunk,), jnp.int32),
        ] + [pltpu.VMEM((cpair,), jnp.int32) for _ in range(nb)]
          + [pltpu.VMEM((cpair, 2 * _EMB), jnp.float32) for _ in range(nb)]
          + [pltpu.VMEM_SHARED((101 * 101, 2 * _EMB), jnp.float32)]
          + [pltpu.SemaphoreType.DMA for _ in range(2 * nb)],
        compiler_params=pltpu.CompilerParams(use_tc_tiling_on_sc=False,
                                             needs_layout_passes=False),
    )
    def k(ts0_hbm, ts1_hbm, table_hbm, out_hbm, t0_v, t1_v, tix_v,
          p0, p1, p2, p3, r0, r1, r2, r3, table_sh,
          g0, g1, g2, g3, o0, o1, o2, o3):
        pidx = [p0, p1, p2, p3]
        rows = [r0, r1, r2, r3]
        gsem = [g0, g1, g2, g3]
        osem = [o0, o1, o2, o3]

        sid = lax.axis_index("s")
        wid = lax.axis_index("c") * 16 + sid
        tok0 = wid * tok_pw
        pr0 = wid * pair_pw

        @pl.when(sid == 0)
        def _():
            pltpu.sync_copy(table_hbm, table_sh)

        iota2 = lax.iota(jnp.int32, 16) * 2

        def load_ts_block(blk):
            base = tok0 + blk * tblk
            pltpu.sync_copy(ts0_hbm.at[pl.ds(base, tblk)], t0_v)
            pltpu.sync_copy(ts1_hbm.at[pl.ds(base, tblk)], t1_v)

        def compute_pidx(g, pb):
            off = (g % cpb) * chunk
            for i in range(chunk // 16):
                c = off + i * 16
                dt = (t1_v[pl.ds(c, 16)] - t0_v[pl.ds(c, 16)]).astype(jnp.float32)
                bix = (dt / _TIME_INTERVAL * _N_TIME_INTERVAL).astype(jnp.int32)
                tix_v[pl.ds(i * 16, 16)] = jnp.maximum(bix, 0)
            for q in range(cpair // 16):
                e = plsc.load_gather(tix_v, [iota2 + q * 32])
                o = plsc.load_gather(tix_v, [iota2 + (q * 32 + 1)])
                pb[pl.ds(q * 16, 16)] = e * 101 + o

        def gather(sl):
            pltpu.async_copy(table_sh.at[pidx[sl]], rows[sl], gsem[sl])

        def drain_gather(sl):
            pltpu.make_async_copy(out_hbm.at[pl.ds(0, cpair)], rows[sl],
                                  gsem[sl]).wait()

        def write_chunk(g, sl):
            pltpu.async_copy(rows[sl], out_hbm.at[pl.ds(pr0 + g * cpair, cpair)],
                             osem[sl])

        def drain_write(sl):
            pltpu.make_async_copy(rows[sl], out_hbm.at[pl.ds(0, cpair)],
                                  osem[sl]).wait()

        plsc.subcore_barrier()

        load_ts_block(0)
        compute_pidx(0, pidx[0])
        gather(0)
        compute_pidx(1, pidx[1])
        gather(1)

        def loop_body(r, carry):
            c0 = r * nb
            for j in range(nb):
                c = c0 + j
                sl = j
                sl2 = (j + 2) % nb
                c2 = c + 2

                def issue_next(c2=c2, sl2=sl2, j=j):
                    @pl.when((c2 % cpb) == 0)
                    def _():
                        load_ts_block(c2 // cpb)
                    if j >= 2:
                        drain_write(sl2)
                    else:
                        @pl.when(r > 0)
                        def _():
                            drain_write(sl2)
                    compute_pidx(c2, pidx[sl2])
                    gather(sl2)

                if j < 2:
                    issue_next()
                else:
                    @pl.when(r + 1 < nround)
                    def _():
                        issue_next()

                drain_gather(sl)
                write_chunk(c, sl)
            return carry

        lax.fori_loop(0, nround, loop_body, 0)
        drain_write(2)
        drain_write(3)

    return k


def _tc_expand(ts0, ts1, table128):
    ntok = ts0.shape[0]
    tb = 1600

    def tck(ts0_ref, ts1_ref, tbl_ref, out_ref):
        dt = (ts1_ref[...] - ts0_ref[...]).astype(jnp.float32)
        idx = jnp.maximum(
            (dt / _TIME_INTERVAL * _N_TIME_INTERVAL).astype(jnp.int32), 0)
        oh = (idx == lax.broadcasted_iota(
            jnp.int32, (tb, 128), 1)).astype(jnp.float32)
        out_ref[...] = jnp.dot(oh, tbl_ref[...],
                               preferred_element_type=jnp.float32)

    return pl.pallas_call(
        tck,
        grid=(ntok // tb,),
        in_specs=[pl.BlockSpec((tb, 1), lambda i: (i, 0)),
                  pl.BlockSpec((tb, 1), lambda i: (i, 0)),
                  pl.BlockSpec((128, _EMB), lambda i: (0, 0))],
        out_specs=pl.BlockSpec((tb, _EMB), lambda i: (i, 0)),
        out_shape=jax.ShapeDtypeStruct((ntok, _EMB), jnp.float32),
    )(ts0.reshape(ntok, 1), ts1.reshape(ntok, 1), table128)


def kernel(inputs, timestamp, W, b):
    info = plsc.get_sparse_core_info()
    nw = info.num_cores * info.num_subcores
    table = (W.T + b[None, :]).astype(jnp.float32)
    pair_table = jnp.concatenate(
        [jnp.repeat(table, 101, axis=0), jnp.tile(table, (101, 1))], axis=1)
    ts = timestamp.astype(jnp.int32)

    b1 = _B // 2
    ntok1 = b1 * _L
    ts_sc = ts[:b1]
    ts0 = ts_sc[:, :-1].reshape(-1)
    ts1 = ts_sc[:, 1:].reshape(-1)
    out_sc = _build(nw, ntok1)(ts0, ts1, pair_table)

    table128 = jnp.concatenate(
        [table, jnp.zeros((27, _EMB), jnp.float32)], axis=0)
    ts_tc = ts[b1:]
    out_tc = _tc_expand(ts_tc[:, :-1].reshape(-1), ts_tc[:, 1:].reshape(-1),
                        table128)

    out = jnp.concatenate(
        [out_sc.reshape(ntok1, _EMB), out_tc], axis=0)
    return out.reshape(_B, _L, _EMB)

# --- scband reference (transcript-rebuilt; emitter-appended) ---
"""Pipeline reference for scband-interval-time-encoder-42803644072009 (READ-ONLY COPY).

The authoritative reference and input builder live on the scoring server;
editing this copy changes nothing except your own understanding.
"""

import jax, jax.numpy as jnp
import numpy as np

TIME_INTERVAL = 10000
N_TIME_INTERVAL = 100
EMB = 64
B = 4096
L = 200


def setup_inputs(seed: int = 0) -> dict:
    key = jax.random.key(seed)
    k1, k2, k3 = jax.random.split(key, 3)
    inputs = jax.random.randint(k1, (B, L), 0, 100000)
    # sorted per-row timestamps; max delta < TIME_INTERVAL so bucket index <= N_TIME_INTERVAL
    timestamp = jnp.sort(jax.random.randint(k2, (B, L + 1), 0, TIME_INTERVAL), axis=-1)
    fan_in = N_TIME_INTERVAL + 1
    fan_out = EMB
    std = (2.0 / (fan_in + fan_out)) ** 0.5  # xavier_normal_
    W = jax.random.normal(k3, (EMB, N_TIME_INTERVAL + 1), dtype=jnp.float32) * std
    b = jnp.zeros((EMB,), dtype=jnp.float32)
    return {"inputs": inputs, "timestamp": timestamp, "W": W, "b": b}


def reference(inputs, timestamp, W, b):
    batch_size, max_len = inputs.shape
    pass_time = timestamp[:, 1:] - timestamp[:, :-1]
    # (dt / time_interval * n_time_interval).long() then relu
    idx = (pass_time.astype(jnp.float32) / TIME_INTERVAL * N_TIME_INTERVAL).astype(jnp.int32)
    idx = jnp.maximum(idx, 0)
    idx = idx.reshape(batch_size * max_len)
    one_hot = jnp.zeros((batch_size * max_len, N_TIME_INTERVAL + 1), dtype=jnp.float32)
    one_hot = one_hot.at[jnp.arange(batch_size * max_len), idx].set(1.0)
    time_embedding = one_hot @ W.T + b
    return time_embedding.reshape(batch_size, max_len, EMB)

if __name__ == "__main__":
    import jax
    _d = setup_inputs()
    print(jax.jit(kernel)(*tuple(_d.values())))

</pallas_src>

<mosaic_0001>
#map = affine_map<(d0, d1) -> (0)>
#map1 = affine_map<(d0, d1) -> (0, 0)>
module attributes {stable_mosaic.version = 14 : i64} {
  func.func @k(%arg0: i32, %arg1: i32, %arg2: memref<409600xi32, #tpu.memory_space<hbm>>, %arg3: memref<409600xi32, #tpu.memory_space<hbm>>, %arg4: memref<10201x128xf32, #tpu.memory_space<hbm>>, %arg5: memref<204800x128xf32, #tpu.memory_space<hbm>>, %arg6: memref<1280xi32, #tpu.memory_space<vmem>>, %arg7: memref<1280xi32, #tpu.memory_space<vmem>>, %arg8: memref<128xi32, #tpu.memory_space<vmem>>, %arg9: memref<64xi32, #tpu.memory_space<vmem>>, %arg10: memref<64xi32, #tpu.memory_space<vmem>>, %arg11: memref<64xi32, #tpu.memory_space<vmem>>, %arg12: memref<64xi32, #tpu.memory_space<vmem>>, %arg13: memref<64x128xf32, #tpu.memory_space<vmem>>, %arg14: memref<64x128xf32, #tpu.memory_space<vmem>>, %arg15: memref<64x128xf32, #tpu.memory_space<vmem>>, %arg16: memref<64x128xf32, #tpu.memory_space<vmem>>, %arg17: memref<10201x128xf32, #tpu.memory_space<vmem_shared>>, %arg18: memref<!tpu.dma_semaphore, #tpu.memory_space<semaphore_mem>>, %arg19: memref<!tpu.dma_semaphore, #tpu.memory_space<semaphore_mem>>, %arg20: memref<!tpu.dma_semaphore, #tpu.memory_space<semaphore_mem>>, %arg21: memref<!tpu.dma_semaphore, #tpu.memory_space<semaphore_mem>>, %arg22: memref<!tpu.dma_semaphore, #tpu.memory_space<semaphore_mem>>, %arg23: memref<!tpu.dma_semaphore, #tpu.memory_space<semaphore_mem>>, %arg24: memref<!tpu.dma_semaphore, #tpu.memory_space<semaphore_mem>>, %arg25: memref<!tpu.dma_semaphore, #tpu.memory_space<semaphore_mem>>) attributes {dimension_semantics = [#tpu.dimension_semantics<core_parallel>, #tpu.dimension_semantics<subcore_parallel>], iteration_bounds = array<i64: 2, 16>, scalar_prefetch = 0 : i64, scratch_operands = 20 : i64, tpu.core_type = #tpu.core_type<sc_vector_subcore>, window_params = [{transform_indices = #map}, {transform_indices = #map}, {transform_indices = #map1}, {transform_indices = #map1}]} {
    %mul3A = arith.constant 16 : i32
    %mul3A_0 = arith.muli %arg0, %mul3A : i32
    %add3A = arith.addi %mul3A_0, %arg1 : i32
    %mul3A_1 = arith.constant 12800 : i32
    %mul3A_2 = arith.muli %add3A, %mul3A_1 : i32
    %mul3A_3 = arith.constant 6400 : i32
    %mul3A_4 = arith.muli %add3A, %mul3A_3 : i32
    %eq3A = arith.constant 0 : i32
    %eq3A_5 = arith.cmpi eq, %arg1, %eq3A : i32
    %convert_element_type3A = arith.extui %eq3A_5 : i1 to i32
    %cond3A = arith.constant 0 : i32
    %cond3A_6 = arith.cmpi ne, %convert_element_type3A, %cond3A : i32
    scf.if %cond3A_6 {
      "tpu.region"() ({
        %run_scoped3A = tpu.sem_alloc : memref<!tpu.dma_semaphore, #tpu.memory_space<semaphore_mem>>
        tpu.enqueue_dma source(%arg4 : memref<10201x128xf32, #tpu.memory_space<hbm>>) target(%arg17 : memref<10201x128xf32, #tpu.memory_space<vmem_shared>>) target_semaphore(%run_scoped3A : memref<!tpu.dma_semaphore, #tpu.memory_space<semaphore_mem>>)
        tpu.wait_dma2 semaphore(%run_scoped3A : memref<!tpu.dma_semaphore, #tpu.memory_space<semaphore_mem>>) src(%arg4 : memref<10201x128xf32, #tpu.memory_space<hbm>>) dst(%arg17 : memref<10201x128xf32, #tpu.memory_space<vmem_shared>>)
        tpu.yield
      }) : () -> ()
    } else {
    }
    %iota3A = tpu.iota {dimensions = array<i32: 0>} : vector<16xi32>
    %mul3A_7 = arith.constant 2 : i32
    %mul3A_8 = vector.broadcast %mul3A_7 : i32 to vector<16xi32>
    %mul3A_9 = arith.muli %iota3A, %mul3A_8 : vector<16xi32>
    %barrier3A = arith.constant 0 : index
    tpu.barrier barrier_id(%barrier3A)
    %add3A_10 = arith.constant 0 : i32
    %add3A_11 = arith.addi %mul3A_2, %add3A_10 : i32
    "tpu.region"() ({
      %run_scoped3A = tpu.sem_alloc : memref<!tpu.dma_semaphore, #tpu.memory_space<semaphore_mem>>
      %dma_start3A_427 = tpu.memref_slice %arg2[%add3A_11] : memref<409600xi32, #tpu.memory_space<hbm>> -> memref<1280xi32, #tpu.memory_space<hbm>>
      %dma_start3A_428 = tpu.memref_slice %arg2[%add3A_11] : memref<409600xi32, #tpu.memory_space<hbm>> -> memref<1280xi32, #tpu.memory_space<hbm>>
      tpu.enqueue_dma source(%dma_start3A_428 : memref<1280xi32, #tpu.memory_space<hbm>>) target(%arg6 : memref<1280xi32, #tpu.memory_space<vmem>>) target_semaphore(%run_scoped3A : memref<!tpu.dma_semaphore, #tpu.memory_space<semaphore_mem>>)
      %dma_wait3A_429 = tpu.memref_slice %arg2[%add3A_11] : memref<409600xi32, #tpu.memory_space<hbm>> -> memref<1280xi32, #tpu.memory_space<hbm>>
      %dma_wait3A_430 = tpu.memref_slice %arg2[%add3A_11] : memref<409600xi32, #tpu.memory_space<hbm>> -> memref<1280xi32, #tpu.memory_space<hbm>>
      tpu.wait_dma2 semaphore(%run_scoped3A : memref<!tpu.dma_semaphore, #tpu.memory_space<semaphore_mem>>) src(%dma_wait3A_430 : memref<1280xi32, #tpu.memory_space<hbm>>) dst(%arg6 : memref<1280xi32, #tpu.memory_space<vmem>>)
      tpu.yield
    }) : () -> ()
    "tpu.region"() ({
      %run_scoped3A = tpu.sem_alloc : memref<!tpu.dma_semaphore, #tpu.memory_space<semaphore_mem>>
      %dma_start3A_427 = tpu.memref_slice %arg3[%add3A_11] : memref<409600xi32, #tpu.memory_space<hbm>> -> memref<1280xi32, #tpu.memory_space<hbm>>
      %dma_start3A_428 = tpu.memref_slice %arg3[%add3A_11] : memref<409600xi32, #tpu.memory_space<hbm>> -> memref<1280xi32, #tpu.memory_space<hbm>>
      tpu.enqueue_dma source(%dma_start3A_428 : memref<1280xi32, #tpu.memory_space<hbm>>) target(%arg7 : memref<1280xi32, #tpu.memory_space<vmem>>) target_semaphore(%run_scoped3A : memref<!tpu.dma_semaphore, #tpu.memory_space<semaphore_mem>>)
      %dma_wait3A_429 = tpu.memref_slice %arg3[%add3A_11] : memref<409600xi32, #tpu.memory_space<hbm>> -> memref<1280xi32, #tpu.memory_space<hbm>>
      %dma_wait3A_430 = tpu.memref_slice %arg3[%add3A_11] : memref<409600xi32, #tpu.memory_space<hbm>> -> memref<1280xi32, #tpu.memory_space<hbm>>
      tpu.wait_dma2 semaphore(%run_scoped3A : memref<!tpu.dma_semaphore, #tpu.memory_space<semaphore_mem>>) src(%dma_wait3A_430 : memref<1280xi32, #tpu.memory_space<hbm>>) dst(%arg7 : memref<1280xi32, #tpu.memory_space<vmem>>)
      tpu.yield
    }) : () -> ()
    %get3A = arith.constant 0 : index
    %get3A_12 = tpu.vector_load %arg7[%get3A] {strides = array<i32>} : memref<1280xi32, #tpu.memory_space<vmem>>, vector<16xi32>,
    %get3A_13 = arith.constant 0 : index
    %get3A_14 = tpu.vector_load %arg6[%get3A_13] {strides = array<i32>} : memref<1280xi32, #tpu.memory_space<vmem>>, vector<16xi32>,
    %sub3A = arith.subi %get3A_12, %get3A_14 : vector<16xi32>
    %convert_element_type3A_15 = arith.sitofp %sub3A : vector<16xi32> to vector<16xf32>
    %div3A = arith.constant 1.000000e+04 : f32
    %div3A_16 = vector.broadcast %div3A : f32 to vector<16xf32>
    %div3A_17 = arith.divf %convert_element_type3A_15, %div3A_16 : vector<16xf32>
    %mul3A_18 = arith.constant 1.000000e+02 : f32
    %mul3A_19 = vector.broadcast %mul3A_18 : f32 to vector<16xf32>
    %mul3A_20 = arith.mulf %div3A_17, %mul3A_19 : vector<16xf32>
    %convert_element_type3A_21 = arith.fptosi %mul3A_20 : vector<16xf32> to vector<16xi32>
    %max3A = arith.constant 0 : i32
    %max3A_22 = vector.broadcast %max3A : i32 to vector<16xi32>
    %max3A_23 = arith.maxsi %convert_element_type3A_21, %max3A_22 : vector<16xi32>
    %swap3A = arith.constant 0 : index
    %swap3A_24 = tpu.vector_load %arg8[%swap3A] {strides = array<i32>} : memref<128xi32, #tpu.memory_space<vmem>>, vector<16xi32>,
    tpu.vector_store %arg8[%swap3A], %max3A_23 {strides = array<i32>} : memref<128xi32, #tpu.memory_space<vmem>>, vector<16xi32>,
    %get3A_25 = arith.constant 16 : index
    %get3A_26 = tpu.vector_load %arg7[%get3A_25] {strides = array<i32>} : memref<1280xi32, #tpu.memory_space<vmem>>, vector<16xi32>,
    %get3A_27 = arith.constant 16 : index
    %get3A_28 = tpu.vector_load %arg6[%get3A_27] {strides = array<i32>} : memref<1280xi32, #tpu.memory_space<vmem>>, vector<16xi32>,
    %sub3A_29 = arith.subi %get3A_26, %get3A_28 : vector<16xi32>
    %convert_element_type3A_30 = arith.sitofp %sub3A_29 : vector<16xi32> to vector<16xf32>
    %div3A_31 = arith.constant 1.000000e+04 : f32
    %div3A_32 = vector.broadcast %div3A_31 : f32 to vector<16xf32>
    %div3A_33 = arith.divf %convert_element_type3A_30, %div3A_32 : vector<16xf32>
    %mul3A_34 = arith.constant 1.000000e+02 : f32
    %mul3A_35 = vector.broadcast %mul3A_34 : f32 to vector<16xf32>
    %mul3A_36 = arith.mulf %div3A_33, %mul3A_35 : vector<16xf32>
    %convert_element_type3A_37 = arith.fptosi %mul3A_36 : vector<16xf32> to vector<16xi32>
    %max3A_38 = arith.constant 0 : i32
    %max3A_39 = vector.broadcast %max3A_38 : i32 to vector<16xi32>
    %max3A_40 = arith.maxsi %convert_element_type3A_37, %max3A_39 : vector<16xi32>
    %swap3A_41 = arith.constant 16 : index
    %swap3A_42 = tpu.vector_load %arg8[%swap3A_41] {strides = array<i32>} : memref<128xi32, #tpu.memory_space<vmem>>, vector<16xi32>,
    tpu.vector_store %arg8[%swap3A_41], %max3A_40 {strides = array<i32>} : memref<128xi32, #tpu.memory_space<vmem>>, vector<16xi32>,
    %get3A_43 = arith.constant 32 : index
    %get3A_44 = tpu.vector_load %arg7[%get3A_43] {strides = array<i32>} : memref<1280xi32, #tpu.memory_space<vmem>>, vector<16xi32>,
    %get3A_45 = arith.constant 32 : index
    %get3A_46 = tpu.vector_load %arg6[%get3A_45] {strides = array<i32>} : memref<1280xi32, #tpu.memory_space<vmem>>, vector<16xi32>,
    %sub3A_47 = arith.subi %get3A_44, %get3A_46 : vector<16xi32>
    %convert_element_type3A_48 = arith.sitofp %sub3A_47 : vector<16xi32> to vector<16xf32>
    %div3A_49 = arith.constant 1.000000e+04 : f32
    %div3A_50 = vector.broadcast %div3A_49 : f32 to vector<16xf32>
    %div3A_51 = arith.divf %convert_element_type3A_48, %div3A_50 : vector<16xf32>
    %mul3A_52 = arith.constant 1.000000e+02 : f32
    %mul3A_53 = vector.broadcast %mul3A_52 : f32 to vector<16xf32>
    %mul3A_54 = arith.mulf %div3A_51, %mul3A_53 : vector<16xf32>
    %convert_element_type3A_55 = arith.fptosi %mul3A_54 : vector<16xf32> to vector<16xi32>
    %max3A_56 = arith.constant 0 : i32
    %max3A_57 = vector.broadcast %max3A_56 : i32 to vector<16xi32>
    %max3A_58 = arith.maxsi %convert_element_type3A_55, %max3A_57 : vector<16xi32>
    %swap3A_59 = arith.constant 32 : index
    %swap3A_60 = tpu.vector_load %arg8[%swap3A_59] {strides = array<i32>} : memref<128xi32, #tpu.memory_space<vmem>>, vector<16xi32>,
    tpu.vector_store %arg8[%swap3A_59], %max3A_58 {strides = array<i32>} : memref<128xi32, #tpu.memory_space<vmem>>, vector<16xi32>,
    %get3A_61 = arith.constant 48 : index
    %get3A_62 = tpu.vector_load %arg7[%get3A_61] {strides = array<i32>} : memref<1280xi32, #tpu.memory_space<vmem>>, vector<16xi32>,
    %get3A_63 = arith.constant 48 : index
    %get3A_64 = tpu.vector_load %arg6[%get3A_63] {strides = array<i32>} : memref<1280xi32, #tpu.memory_space<vmem>>, vector<16xi32>,
    %sub3A_65 = arith.subi %get3A_62, %get3A_64 : vector<16xi32>
    %convert_element_type3A_66 = arith.sitofp %sub3A_65 : vector<16xi32> to vector<16xf32>
    %div3A_67 = arith.constant 1.000000e+04 : f32
    %div3A_68 = vector.broadcast %div3A_67 : f32 to vector<16xf32>
    %div3A_69 = arith.divf %convert_element_type3A_66, %div3A_68 : vector<16xf32>
    %mul3A_70 = arith.constant 1.000000e+02 : f32
    %mul3A_71 = vector.broadcast %mul3A_70 : f32 to vector<16xf32>
    %mul3A_72 = arith.mulf %div3A_69, %mul3A_71 : vector<16xf32>
    %convert_element_type3A_73 = arith.fptosi %mul3A_72 : vector<16xf32> to vector<16xi32>
    %max3A_74 = arith.constant 0 : i32
    %max3A_75 = vector.broadcast %max3A_74 : i32 to vector<16xi32>
    %max3A_76 = arith.maxsi %convert_element_type3A_73, %max3A_75 : vector<16xi32>
    %swap3A_77 = arith.constant 48 : index
    %swap3A_78 = tpu.vector_load %arg8[%swap3A_77] {strides = array<i32>} : memref<128xi32, #tpu.memory_space<vmem>>, vector<16xi32>,
    tpu.vector_store %arg8[%swap3A_77], %max3A_76 {strides = array<i32>} : memref<128xi32, #tpu.memory_space<vmem>>, vector<16xi32>,
    %get3A_79 = arith.constant 64 : index
    %get3A_80 = tpu.vector_load %arg7[%get3A_79] {strides = array<i32>} : memref<1280xi32, #tpu.memory_space<vmem>>, vector<16xi32>,
    %get3A_81 = arith.constant 64 : index
    %get3A_82 = tpu.vector_load %arg6[%get3A_81] {strides = array<i32>} : memref<1280xi32, #tpu.memory_space<vmem>>, vector<16xi32>,
    %sub3A_83 = arith.subi %get3A_80, %get3A_82 : vector<16xi32>
    %convert_element_type3A_84 = arith.sitofp %sub3A_83 : vector<16xi32> to vector<16xf32>
    %div3A_85 = arith.constant 1.000000e+04 : f32
    %div3A_86 = vector.broadcast %div3A_85 : f32 to vector<16xf32>
    %div3A_87 = arith.divf %convert_element_type3A_84, %div3A_86 : vector<16xf32>
    %mul3A_88 = arith.constant 1.000000e+02 : f32
    %mul3A_89 = vector.broadcast %mul3A_88 : f32 to vector<16xf32>
    %mul3A_90 = arith.mulf %div3A_87, %mul3A_89 : vector<16xf32>
    %convert_element_type3A_91 = arith.fptosi %mul3A_90 : vector<16xf32> to vector<16xi32>
    %max3A_92 = arith.constant 0 : i32
    %max3A_93 = vector.broadcast %max3A_92 : i32 to vector<16xi32>
    %max3A_94 = arith.maxsi %convert_element_type3A_91, %max3A_93 : vector<16xi32>
    %swap3A_95 = arith.constant 64 : index
    %swap3A_96 = tpu.vector_load %arg8[%swap3A_95] {strides = array<i32>} : memref<128xi32, #tpu.memory_space<vmem>>, vector<16xi32>,
    tpu.vector_store %arg8[%swap3A_95], %max3A_94 {strides = array<i32>} : memref<128xi32, #tpu.memory_space<vmem>>, vector<16xi32>,
    %get3A_97 = arith.constant 80 : index
    %get3A_98 = tpu.vector_load %arg7[%get3A_97] {strides = array<i32>} : memref<1280xi32, #tpu.memory_space<vmem>>, vector<16xi32>,
    %get3A_99 = arith.constant 80 : index
    %get3A_100 = tpu.vector_load %arg6[%get3A_99] {strides = array<i32>} : memref<1280xi32, #tpu.memory_space<vmem>>, vector<16xi32>,
    %sub3A_101 = arith.subi %get3A_98, %get3A_100 : vector<16xi32>
    %convert_element_type3A_102 = arith.sitofp %sub3A_101 : vector<16xi32> to vector<16xf32>
    %div3A_103 = arith.constant 1.000000e+04 : f32
    %div3A_104 = vector.broadcast %div3A_103 : f32 to vector<16xf32>
    %div3A_105 = arith.divf %convert_element_type3A_102, %div3A_104 : vector<16xf32>
    %mul3A_106 = arith.constant 1.000000e+02 : f32
    %mul3A_107 = vector.broadcast %mul3A_106 : f32 to vector<16xf32>
    %mul3A_108 = arith.mulf %div3A_105, %mul3A_107 : vector<16xf32>
    %convert_element_type3A_109 = arith.fptosi %mul3A_108 : vector<16xf32> to vector<16xi32>
    %max3A_110 = arith.constant 0 : i32
    %max3A_111 = vector.broadcast %max3A_110 : i32 to vector<16xi32>
    %max3A_112 = arith.maxsi %convert_element_type3A_109, %max3A_111 : vector<16xi32>
    %swap3A_113 = arith.constant 80 : index
    %swap3A_114 = tpu.vector_load %arg8[%swap3A_113] {strides = array<i32>} : memref<128xi32, #tpu.memory_space<vmem>>, vector<16xi32>,
    tpu.vector_store %arg8[%swap3A_113], %max3A_112 {strides = array<i32>} : memref<128xi32, #tpu.memory_space<vmem>>, vector<16xi32>,
    %get3A_115 = arith.constant 96 : index
    %get3A_116 = tpu.vector_load %arg7[%get3A_115] {strides = array<i32>} : memref<1280xi32, #tpu.memory_space<vmem>>, vector<16xi32>,
    %get3A_117 = arith.constant 96 : index
    %get3A_118 = tpu.vector_load %arg6[%get3A_117] {strides = array<i32>} : memref<1280xi32, #tpu.memory_space<vmem>>, vector<16xi32>,
    %sub3A_119 = arith.subi %get3A_116, %get3A_118 : vector<16xi32>
    %convert_element_type3A_120 = arith.sitofp %sub3A_119 : vector<16xi32> to vector<16xf32>
    %div3A_121 = arith.constant 1.000000e+04 : f32
    %div3A_122 = vector.broadcast %div3A_121 : f32 to vector<16xf32>
    %div3A_123 = arith.divf %convert_element_type3A_120, %div3A_122 : vector<16xf32>
    %mul3A_124 = arith.constant 1.000000e+02 : f32
    %mul3A_125 = vector.broadcast %mul3A_124 : f32 to vector<16xf32>
    %mul3A_126 = arith.mulf %div3A_123, %mul3A_125 : vector<16xf32>
    %convert_element_type3A_127 = arith.fptosi %mul3A_126 : vector<16xf32> to vector<16xi32>
    %max3A_128 = arith.constant 0 : i32
    %max3A_129 = vector.broadcast %max3A_128 : i32 to vector<16xi32>
    %max3A_130 = arith.maxsi %convert_element_type3A_127, %max3A_129 : vector<16xi32>
    %swap3A_131 = arith.constant 96 : index
    %swap3A_132 = tpu.vector_load %arg8[%swap3A_131] {strides = array<i32>} : memref<128xi32, #tpu.memory_space<vmem>>, vector<16xi32>,
    tpu.vector_store %arg8[%swap3A_131], %max3A_130 {strides = array<i32>} : memref<128xi32, #tpu.memory_space<vmem>>, vector<16xi32>,
    %get3A_133 = arith.constant 112 : index
    %get3A_134 = tpu.vector_load %arg7[%get3A_133] {strides = array<i32>} : memref<1280xi32, #tpu.memory_space<vmem>>, vector<16xi32>,
    %get3A_135 = arith.constant 112 : index
    %get3A_136 = tpu.vector_load %arg6[%get3A_135] {strides = array<i32>} : memref<1280xi32, #tpu.memory_space<vmem>>, vector<16xi32>,
    %sub3A_137 = arith.subi %get3A_134, %get3A_136 : vector<16xi32>
    %convert_element_type3A_138 = arith.sitofp %sub3A_137 : vector<16xi32> to vector<16xf32>
    %div3A_139 = arith.constant 1.000000e+04 : f32
    %div3A_140 = vector.broadcast %div3A_139 : f32 to vector<16xf32>
    %div3A_141 = arith.divf %convert_element_type3A_138, %div3A_140 : vector<16xf32>
    %mul3A_142 = arith.constant 1.000000e+02 : f32
    %mul3A_143 = vector.broadcast %mul3A_142 : f32 to vector<16xf32>
    %mul3A_144 = arith.mulf %div3A_141, %mul3A_143 : vector<16xf32>
    %convert_element_type3A_145 = arith.fptosi %mul3A_144 : vector<16xf32> to vector<16xi32>
    %max3A_146 = arith.constant 0 : i32
    %max3A_147 = vector.broadcast %max3A_146 : i32 to vector<16xi32>
    %max3A_148 = arith.maxsi %convert_element_type3A_145, %max3A_147 : vector<16xi32>
    %swap3A_149 = arith.constant 112 : index
    %swap3A_150 = tpu.vector_load %arg8[%swap3A_149] {strides = array<i32>} : memref<128xi32, #tpu.memory_space<vmem>>, vector<16xi32>,
    tpu.vector_store %arg8[%swap3A_149], %max3A_148 {strides = array<i32>} : memref<128xi32, #tpu.memory_space<vmem>>, vector<16xi32>,
    %add3A_151 = arith.constant 0 : i32
    %add3A_152 = vector.broadcast %add3A_151 : i32 to vector<16xi32>
    %add3A_153 = arith.addi %mul3A_9, %add3A_152 : vector<16xi32>
    %gather3A = tpu.vector_load_idx %arg8[%add3A_153] : memref<128xi32, #tpu.memory_space<vmem>>[vector<16xi32>], vector<16xi32>,
    %add3A_154 = arith.constant 1 : i32
    %add3A_155 = vector.broadcast %add3A_154 : i32 to vector<16xi32>
    %add3A_156 = arith.addi %mul3A_9, %add3A_155 : vector<16xi32>
    %gather3A_157 = tpu.vector_load_idx %arg8[%add3A_156] : memref<128xi32, #tpu.memory_space<vmem>>[vector<16xi32>], vector<16xi32>,
    %mul3A_158 = arith.constant 101 : i32
    %mul3A_159 = vector.broadcast %mul3A_158 : i32 to vector<16xi32>
    %mul3A_160 = arith.muli %gather3A, %mul3A_159 : vector<16xi32>
    %add3A_161 = arith.addi %mul3A_160, %gather3A_157 : vector<16xi32>
    %swap3A_162 = arith.constant 0 : index
    %swap3A_163 = tpu.vector_load %arg9[%swap3A_162] {strides = array<i32>} : memref<64xi32, #tpu.memory_space<vmem>>, vector<16xi32>,
    tpu.vector_store %arg9[%swap3A_162], %add3A_161 {strides = array<i32>} : memref<64xi32, #tpu.memory_space<vmem>>, vector<16xi32>,
    %add3A_164 = arith.constant 32 : i32
    %add3A_165 = vector.broadcast %add3A_164 : i32 to vector<16xi32>
    %add3A_166 = arith.addi %mul3A_9, %add3A_165 : vector<16xi32>
    %gather3A_167 = tpu.vector_load_idx %arg8[%add3A_166] : memref<128xi32, #tpu.memory_space<vmem>>[vector<16xi32>], vector<16xi32>,
    %add3A_168 = arith.constant 33 : i32
    %add3A_169 = vector.broadcast %add3A_168 : i32 to vector<16xi32>
    %add3A_170 = arith.addi %mul3A_9, %add3A_169 : vector<16xi32>
    %gather3A_171 = tpu.vector_load_idx %arg8[%add3A_170] : memref<128xi32, #tpu.memory_space<vmem>>[vector<16xi32>], vector<16xi32>,
    %mul3A_172 = arith.constant 101 : i32
    %mul3A_173 = vector.broadcast %mul3A_172 : i32 to vector<16xi32>
    %mul3A_174 = arith.muli %gather3A_167, %mul3A_173 : vector<16xi32>
    %add3A_175 = arith.addi %mul3A_174, %gather3A_171 : vector<16xi32>
    %swap3A_176 = arith.constant 16 : index
    %swap3A_177 = tpu.vector_load %arg9[%swap3A_176] {strides = array<i32>} : memref<64xi32, #tpu.memory_space<vmem>>, vector<16xi32>,
    tpu.vector_store %arg9[%swap3A_176], %add3A_175 {strides = array<i32>} : memref<64xi32, #tpu.memory_space<vmem>>, vector<16xi32>,
    %add3A_178 = arith.constant 64 : i32
    %add3A_179 = vector.broadcast %add3A_178 : i32 to vector<16xi32>
    %add3A_180 = arith.addi %mul3A_9, %add3A_179 : vector<16xi32>
    %gather3A_181 = tpu.vector_load_idx %arg8[%add3A_180] : memref<128xi32, #tpu.memory_space<vmem>>[vector<16xi32>], vector<16xi32>,
    %add3A_182 = arith.constant 65 : i32
    %add3A_183 = vector.broadcast %add3A_182 : i32 to vector<16xi32>
    %add3A_184 = arith.addi %mul3A_9, %add3A_183 : vector<16xi32>
    %gather3A_185 = tpu.vector_load_idx %arg8[%add3A_184] : memref<128xi32, #tpu.memory_space<vmem>>[vector<16xi32>], vector<16xi32>,
    %mul3A_186 = arith.constant 101 : i32
    %mul3A_187 = vector.broadcast %mul3A_186 : i32 to vector<16xi32>
    %mul3A_188 = arith.muli %gather3A_181, %mul3A_187 : vector<16xi32>
    %add3A_189 = arith.addi %mul3A_188, %gather3A_185 : vector<16xi32>
    %swap3A_190 = arith.constant 32 : index
    %swap3A_191 = tpu.vector_load %arg9[%swap3A_190] {strides = array<i32>} : memref<64xi32, #tpu.memory_space<vmem>>, vector<16xi32>,
    tpu.vector_store %arg9[%swap3A_190], %add3A_189 {strides = array<i32>} : memref<64xi32, #tpu.memory_space<vmem>>, vector<16xi32>,
    %add3A_192 = arith.constant 96 : i32
    %add3A_193 = vector.broadcast %add3A_192 : i32 to vector<16xi32>
    %add3A_194 = arith.addi %mul3A_9, %add3A_193 : vector<16xi32>
    %gather3A_195 = tpu.vector_load_idx %arg8[%add3A_194] : memref<128xi32, #tpu.memory_space<vmem>>[vector<16xi32>], vector<16xi32>,
    %add3A_196 = arith.constant 97 : i32
    %add3A_197 = vector.broadcast %add3A_196 : i32 to vector<16xi32>
    %add3A_198 = arith.addi %mul3A_9, %add3A_197 : vector<16xi32>
    %gather3A_199 = tpu.vector_load_idx %arg8[%add3A_198] : memref<128xi32, #tpu.memory_space<vmem>>[vector<16xi32>], vector<16xi32>,
    %mul3A_200 = arith.constant 101 : i32
    %mul3A_201 = vector.broadcast %mul3A_200 : i32 to vector<16xi32>
    %mul3A_202 = arith.muli %gather3A_195, %mul3A_201 : vector<16xi32>
    %add3A_203 = arith.addi %mul3A_202, %gather3A_199 : vector<16xi32>
    %swap3A_204 = arith.constant 48 : index
    %swap3A_205 = tpu.vector_load %arg9[%swap3A_204] {strides = array<i32>} : memref<64xi32, #tpu.memory_space<vmem>>, vector<16xi32>,
    tpu.vector_store %arg9[%swap3A_204], %add3A_203 {strides = array<i32>} : memref<64xi32, #tpu.memory_space<vmem>>, vector<16xi32>,
    %dma_start3A = arith.constant 0 : i32
    %dma_start3A_206 = arith.constant 0 : i32
    %dma_start3A_207 = tpu.memref_slice %arg17[%dma_start3A, %dma_start3A_206] : memref<10201x128xf32, #tpu.memory_space<vmem_shared>> -> memref<10201x128xf32, #tpu.memory_space<vmem_shared>>
    tpu.enqueue_indirect_dma source(%dma_start3A_207 : memref<10201x128xf32, #tpu.memory_space<vmem_shared>>) target(%arg13 : memref<64x128xf32, #tpu.memory_space<vmem>>) offsets(%arg9 : memref<64xi32, #tpu.memory_space<vmem>>) semaphore(%arg18 : memref<!tpu.dma_semaphore, #tpu.memory_space<semaphore_mem>>)
    %get3A_208 = arith.constant 128 : index
    %get3A_209 = tpu.vector_load %arg7[%get3A_208] {strides = array<i32>} : memref<1280xi32, #tpu.memory_space<vmem>>, vector<16xi32>,
    %get3A_210 = arith.constant 128 : index
    %get3A_211 = tpu.vector_load %arg6[%get3A_210] {strides = array<i32>} : memref<1280xi32, #tpu.memory_space<vmem>>, vector<16xi32>,
    %sub3A_212 = arith.subi %get3A_209, %get3A_211 : vector<16xi32>
    %convert_element_type3A_213 = arith.sitofp %sub3A_212 : vector<16xi32> to vector<16xf32>
    %div3A_214 = arith.constant 1.000000e+04 : f32
    %div3A_215 = vector.broadcast %div3A_214 : f32 to vector<16xf32>
    %div3A_216 = arith.divf %convert_element_type3A_213, %div3A_215 : vector<16xf32>
    %mul3A_217 = arith.constant 1.000000e+02 : f32
    %mul3A_218 = vector.broadcast %mul3A_217 : f32 to vector<16xf32>
    %mul3A_219 = arith.mulf %div3A_216, %mul3A_218 : vector<16xf32>
    %convert_element_type3A_220 = arith.fptosi %mul3A_219 : vector<16xf32> to vector<16xi32>
    %max3A_221 = arith.constant 0 : i32
    %max3A_222 = vector.broadcast %max3A_221 : i32 to vector<16xi32>
    %max3A_223 = arith.maxsi %convert_element_type3A_220, %max3A_222 : vector<16xi32>
    %swap3A_224 = arith.constant 0 : index
    %swap3A_225 = tpu.vector_load %arg8[%swap3A_224] {strides = array<i32>} : memref<128xi32, #tpu.memory_space<vmem>>, vector<16xi32>,
    tpu.vector_store %arg8[%swap3A_224], %max3A_223 {strides = array<i32>} : memref<128xi32, #tpu.memory_space<vmem>>, vector<16xi32>,
    %get3A_226 = arith.constant 144 : index
    %get3A_227 = tpu.vector_load %arg7[%get3A_226] {strides = array<i32>} : memref<1280xi32, #tpu.memory_space<vmem>>, vector<16xi32>,
    %get3A_228 = arith.constant 144 : index
    %get3A_229 = tpu.vector_load %arg6[%get3A_228] {strides = array<i32>} : memref<1280xi32, #tpu.memory_space<vmem>>, vector<16xi32>,
    %sub3A_230 = arith.subi %get3A_227, %get3A_229 : vector<16xi32>
    %convert_element_type3A_231 = arith.sitofp %sub3A_230 : vector<16xi32> to vector<16xf32>
    %div3A_232 = arith.constant 1.000000e+04 : f32
    %div3A_233 = vector.broadcast %div3A_232 : f32 to vector<16xf32>
    %div3A_234 = arith.divf %convert_element_type3A_231, %div3A_233 : vector<16xf32>
    %mul3A_235 = arith.constant 1.000000e+02 : f32
    %mul3A_236 = vector.broadcast %mul3A_235 : f32 to vector<16xf32>
    %mul3A_237 = arith.mulf %div3A_234, %mul3A_236 : vector<16xf32>
    %convert_element_type3A_238 = arith.fptosi %mul3A_237 : vector<16xf32> to vector<16xi32>
    %max3A_239 = arith.constant 0 : i32
    %max3A_240 = vector.broadcast %max3A_239 : i32 to vector<16xi32>
    %max3A_241 = arith.maxsi %convert_element_type3A_238, %max3A_240 : vector<16xi32>
    %swap3A_242 = arith.constant 16 : index
    %swap3A_243 = tpu.vector_load %arg8[%swap3A_242] {strides = array<i32>} : memref<128xi32, #tpu.memory_space<vmem>>, vector<16xi32>,
    tpu.vector_store %arg8[%swap3A_242], %max3A_241 {strides = array<i32>} : memref<128xi32, #tpu.memory_space<vmem>>, vector<16xi32>,
    %get3A_244 = arith.constant 160 : index
    %get3A_245 = tpu.vector_load %arg7[%get3A_244] {strides = array<i32>} : memref<1280xi32, #tpu.memory_space<vmem>>, vector<16xi32>,
    %get3A_246 = arith.constant 160 : index
    %get3A_247 = tpu.vector_load %arg6[%get3A_246] {strides = array<i32>} : memref<1280xi32, #tpu.memory_space<vmem>>, vector<16xi32>,
    %sub3A_248 = arith.subi %get3A_245, %get3A_247 : vector<16xi32>
    %convert_element_type3A_249 = arith.sitofp %sub3A_248 : vector<16xi32> to vector<16xf32>
    %div3A_250 = arith.constant 1.000000e+04 : f32
    %div3A_251 = vector.broadcast %div3A_250 : f32 to vector<16xf32>
    %div3A_252 = arith.divf %convert_element_type3A_249, %div3A_251 : vector<16xf32>
    %mul3A_253 = arith.constant 1.000000e+02 : f32
    %mul3A_254 = vector.broadcast %mul3A_253 : f32 to vector<16xf32>
    %mul3A_255 = arith.mulf %div3A_252, %mul3A_254 : vector<16xf32>
    %convert_element_type3A_256 = arith.fptosi %mul3A_255 : vector<16xf32> to vector<16xi32>
    %max3A_257 = arith.constant 0 : i32
    %max3A_258 = vector.broadcast %max3A_257 : i32 to vector<16xi32>
    %max3A_259 = arith.maxsi %convert_element_type3A_256, %max3A_258 : vector<16xi32>
    %swap3A_260 = arith.constant 32 : index
    %swap3A_261 = tpu.vector_load %arg8[%swap3A_260] {strides = array<i32>} : memref<128xi32, #tpu.memory_space<vmem>>, vector<16xi32>,
    tpu.vector_store %arg8[%swap3A_260], %max3A_259 {strides = array<i32>} : memref<128xi32, #tpu.memory_space<vmem>>, vector<16xi32>,
    %get3A_262 = arith.constant 176 : index
    %get3A_263 = tpu.vector_load %arg7[%get3A_262] {strides = array<i32>} : memref<1280xi32, #tpu.memory_space<vmem>>, vector<16xi32>,
    %get3A_264 = arith.constant 176 : index
    %get3A_265 = tpu.vector_load %arg6[%get3A_264] {strides = array<i32>} : memref<1280xi32, #tpu.memory_space<vmem>>, vector<16xi32>,
    %sub3A_266 = arith.subi %get3A_263, %get3A_265 : vector<16xi32>
    %convert_element_type3A_267 = arith.sitofp %sub3A_266 : vector<16xi32> to vector<16xf32>
    %div3A_268 = arith.constant 1.000000e+04 : f32
    %div3A_269 = vector.broadcast %div3A_268 : f32 to vector<16xf32>
    %div3A_270 = arith.divf %convert_element_type3A_267, %div3A_269 : vector<16xf32>
    %mul3A_271 = arith.constant 1.000000e+02 : f32
    %mul3A_272 = vector.broadcast %mul3A_271 : f32 to vector<16xf32>
    %mul3A_273 = arith.mulf %div3A_270, %mul3A_272 : vector<16xf32>
    %convert_element_type3A_274 = arith.fptosi %mul3A_273 : vector<16xf32> to vector<16xi32>
    %max3A_275 = arith.constant 0 : i32
    %max3A_276 = vector.broadcast %max3A_275 : i32 to vector<16xi32>
    %max3A_277 = arith.maxsi %convert_element_type3A_274, %max3A_276 : vector<16xi32>
    %swap3A_278 = arith.constant 48 : index
    %swap3A_279 = tpu.vector_load %arg8[%swap3A_278] {strides = array<i32>} : memref<128xi32, #tpu.memory_space<vmem>>, vector<16xi32>,
    tpu.vector_store %arg8[%swap3A_278], %max3A_277 {strides = array<i32>} : memref<128xi32, #tpu.memory_space<vmem>>, vector<16xi32>,
    %get3A_280 = arith.constant 192 : index
    %get3A_281 = tpu.vector_load %arg7[%get3A_280] {strides = array<i32>} : memref<1280xi32, #tpu.memory_space<vmem>>, vector<16xi32>,
    %get3A_282 = arith.constant 192 : index
    %get3A_283 = tpu.vector_load %arg6[%get3A_282] {strides = array<i32>} : memref<1280xi32, #tpu.memory_space<vmem>>, vector<16xi32>,
    %sub3A_284 = arith.subi %get3A_281, %get3A_283 : vector<16xi32>
    %convert_element_type3A_285 = arith.sitofp %sub3A_284 : vector<16xi32> to vector<16xf32>
    %div3A_286 = arith.constant 1.000000e+04 : f32
    %div3A_287 = vector.broadcast %div3A_286 : f32 to vector<16xf32>
    %div3A_288 = arith.divf %convert_element_type3A_285, %div3A_287 : vector<16xf32>
    %mul3A_289 = arith.constant 1.000000e+02 : f32
    %mul3A_290 = vector.broadcast %mul3A_289 : f32 to vector<16xf32>
    %mul3A_291 = arith.mulf %div3A_288, %mul3A_290 : vector<16xf32>
    %convert_element_type3A_292 = arith.fptosi %mul3A_291 : vector<16xf32> to vector<16xi32>
    %max3A_293 = arith.constant 0 : i32
    %max3A_294 = vector.broadcast %max3A_293 : i32 to vector<16xi32>
    %max3A_295 = arith.maxsi %convert_element_type3A_292, %max3A_294 : vector<16xi32>
    %swap3A_296 = arith.constant 64 : index
    %swap3A_297 = tpu.vector_load %arg8[%swap3A_296] {strides = array<i32>} : memref<128xi32, #tpu.memory_space<vmem>>, vector<16xi32>,
    tpu.vector_store %arg8[%swap3A_296], %max3A_295 {strides = array<i32>} : memref<128xi32, #tpu.memory_space<vmem>>, vector<16xi32>,
    %get3A_298 = arith.constant 208 : index
    %get3A_299 = tpu.vector_load %arg7[%get3A_298] {strides = array<i32>} : memref<1280xi32, #tpu.memory_space<vmem>>, vector<16xi32>,
    %get3A_300 = arith.constant 208 : index
    %get3A_301 = tpu.vector_load %arg6[%get3A_300] {strides = array<i32>} : memref<1280xi32, #tpu.memory_space<vmem>>, vector<16xi32>,
    %sub3A_302 = arith.subi %get3A_299, %get3A_301 : vector<16xi32>
    %convert_element_type3A_303 = arith.sitofp %sub3A_302 : vector<16xi32> to vector<16xf32>
    %div3A_304 = arith.constant 1.000000e+04 : f32
    %div3A_305 = vector.broadcast %div3A_304 : f32 to vector<16xf32>
    %div3A_306 = arith.divf %convert_element_type3A_303, %div3A_305 : vector<16xf32>
    %mul3A_307 = arith.constant 1.000000e+02 : f32
    %mul3A_308 = vector.broadcast %mul3A_307 : f32 to vector<16xf32>
    %mul3A_309 = arith.mulf %div3A_306, %mul3A_308 : vector<16xf32>
    %convert_element_type3A_310 = arith.fptosi %mul3A_309 : vector<16xf32> to vector<16xi32>
    %max3A_311 = arith.constant 0 : i32
    %max3A_312 = vector.broadcast %max3A_311 : i32 to vector<16xi32>
    %max3A_313 = arith.maxsi %convert_element_type3A_310, %max3A_312 : vector<16xi32>
    %swap3A_314 = arith.constant 80 : index
    %swap3A_315 = tpu.vector_load %arg8[%swap3A_314] {strides = array<i32>} : memref<128xi32, #tpu.memory_space<vmem>>, vector<16xi32>,
    tpu.vector_store %arg8[%swap3A_314], %max3A_313 {strides = array<i32>} : memref<128xi32, #tpu.memory_space<vmem>>, vector<16xi32>,
    %get3A_316 = arith.constant 224 : index
    %get3A_317 = tpu.vector_load %arg7[%get3A_316] {strides = array<i32>} : memref<1280xi32, #tpu.memory_space<vmem>>, vector<16xi32>,
    %get3A_318 = arith.constant 224 : index
    %get3A_319 = tpu.vector_load %arg6[%get3A_318] {strides = array<i32>} : memref<1280xi32, #tpu.memory_space<vmem>>, vector<16xi32>,
    %sub3A_320 = arith.subi %get3A_317, %get3A_319 : vector<16xi32>
    %convert_element_type3A_321 = arith.sitofp %sub3A_320 : vector<16xi32> to vector<16xf32>
    %div3A_322 = arith.constant 1.000000e+04 : f32
    %div3A_323 = vector.broadcast %div3A_322 : f32 to vector<16xf32>
    %div3A_324 = arith.divf %convert_element_type3A_321, %div3A_323 : vector<16xf32>
    %mul3A_325 = arith.constant 1.000000e+02 : f32
    %mul3A_326 = vector.broadcast %mul3A_325 : f32 to vector<16xf32>
    %mul3A_327 = arith.mulf %div3A_324, %mul3A_326 : vector<16xf32>
    %convert_element_type3A_328 = arith.fptosi %mul3A_327 : vector<16xf32> to vector<16xi32>
    %max3A_329 = arith.constant 0 : i32
    %max3A_330 = vector.broadcast %max3A_329 : i32 to vector<16xi32>
    %max3A_331 = arith.maxsi %convert_element_type3A_328, %max3A_330 : vector<16xi32>
    %swap3A_332 = arith.constant 96 : index
    %swap3A_333 = tpu.vector_load %arg8[%swap3A_332] {strides = array<i32>} : memref<128xi32, #tpu.memory_space<vmem>>, vector<16xi32>,
    tpu.vector_store %arg8[%swap3A_332], %max3A_331 {strides = array<i32>} : memref<128xi32, #tpu.memory_space<vmem>>, vector<16xi32>,
    %get3A_334 = arith.constant 240 : index
    %get3A_335 = tpu.vector_load %arg7[%get3A_334] {strides = array<i32>} : memref<1280xi32, #tpu.memory_space<vmem>>, vector<16xi32>,
    %get3A_336 = arith.constant 240 : index
    %get3A_337 = tpu.vector_load %arg6[%get3A_336] {strides = array<i32>} : memref<1280xi32, #tpu.memory_space<vmem>>, vector<16xi32>,
    %sub3A_338 = arith.subi %get3A_335, %get3A_337 : vector<16xi32>
    %convert_element_type3A_339 = arith.sitofp %sub3A_338 : vector<16xi32> to vector<16xf32>
    %div3A_340 = arith.constant 1.000000e+04 : f32
    %div3A_341 = vector.broadcast %div3A_340 : f32 to vector<16xf32>
    %div3A_342 = arith.divf %convert_element_type3A_339, %div3A_341 : vector<16xf32>
    %mul3A_343 = arith.constant 1.000000e+02 : f32
    %mul3A_344 = vector.broadcast %mul3A_343 : f32 to vector<16xf32>
    %mul3A_345 = arith.mulf %div3A_342, %mul3A_344 : vector<16xf32>
    %convert_element_type3A_346 = arith.fptosi %mul3A_345 : vector<16xf32> to vector<16xi32>
    %max3A_347 = arith.constant 0 : i32
    %max3A_348 = vector.broadcast %max3A_347 : i32 to vector<16xi32>
    %max3A_349 = arith.maxsi %convert_element_type3A_346, %max3A_348 : vector<16xi32>
    %swap3A_350 = arith.constant 112 : index
    %swap3A_351 = tpu.vector_load %arg8[%swap3A_350] {strides = array<i32>} : memref<128xi32, #tpu.memory_space<vmem>>, vector<16xi32>,
    tpu.vector_store %arg8[%swap3A_350], %max3A_349 {strides = array<i32>} : memref<128xi32, #tpu.memory_space<vmem>>, vector<16xi32>,
    %add3A_352 = arith.constant 0 : i32
    %add3A_353 = vector.broadcast %add3A_352 : i32 to vector<16xi32>
    %add3A_354 = arith.addi %mul3A_9, %add3A_353 : vector<16xi32>
    %gather3A_355 = tpu.vector_load_idx %arg8[%add3A_354] : memref<128xi32, #tpu.memory_space<vmem>>[vector<16xi32>], vector<16xi32>,
    %add3A_356 = arith.constant 1 : i32
    %add3A_357 = vector.broadcast %add3A_356 : i32 to vector<16xi32>
    %add3A_358 = arith.addi %mul3A_9, %add3A_357 : vector<16xi32>
    %gather3A_359 = tpu.vector_load_idx %arg8[%add3A_358] : memref<128xi32, #tpu.memory_space<vmem>>[vector<16xi32>], vector<16xi32>,
    %mul3A_360 = arith.constant 101 : i32
    %mul3A_361 = vector.broadcast %mul3A_360 : i32 to vector<16xi32>
    %mul3A_362 = arith.muli %gather3A_355, %mul3A_361 : vector<16xi32>
    %add3A_363 = arith.addi %mul3A_362, %gather3A_359 : vector<16xi32>
    %swap3A_364 = arith.constant 0 : index
    %swap3A_365 = tpu.vector_load %arg10[%swap3A_364] {strides = array<i32>} : memref<64xi32, #tpu.memory_space<vmem>>, vector<16xi32>,
    tpu.vector_store %arg10[%swap3A_364], %add3A_363 {strides = array<i32>} : memref<64xi32, #tpu.memory_space<vmem>>, vector<16xi32>,
    %add3A_366 = arith.constant 32 : i32
    %add3A_367 = vector.broadcast %add3A_366 : i32 to vector<16xi32>
    %add3A_368 = arith.addi %mul3A_9, %add3A_367 : vector<16xi32>
    %gather3A_369 = tpu.vector_load_idx %arg8[%add3A_368] : memref<128xi32, #tpu.memory_space<vmem>>[vector<16xi32>], vector<16xi32>,
    %add3A_370 = arith.constant 33 : i32
    %add3A_371 = vector.broadcast %add3A_370 : i32 to vector<16xi32>
    %add3A_372 = arith.addi %mul3A_9, %add3A_371 : vector<16xi32>
    %gather3A_373 = tpu.vector_load_idx %arg8[%add3A_372] : memref<128xi32, #tpu.memory_space<vmem>>[vector<16xi32>], vector<16xi32>,
    %mul3A_374 = arith.constant 101 : i32
    %mul3A_375 = vector.broadcast %mul3A_374 : i32 to vector<16xi32>
    %mul3A_376 = arith.muli %gather3A_369, %mul3A_375 : vector<16xi32>
    %add3A_377 = arith.addi %mul3A_376, %gather3A_373 : vector<16xi32>
    %swap3A_378 = arith.constant 16 : index
    %swap3A_379 = tpu.vector_load %arg10[%swap3A_378] {strides = array<i32>} : memref<64xi32, #tpu.memory_space<vmem>>, vector<16xi32>,
    tpu.vector_store %arg10[%swap3A_378], %add3A_377 {strides = array<i32>} : memref<64xi32, #tpu.memory_space<vmem>>, vector<16xi32>,
    %add3A_380 = arith.constant 64 : i32
    %add3A_381 = vector.broadcast %add3A_380 : i32 to vector<16xi32>
    %add3A_382 = arith.addi %mul3A_9, %add3A_381 : vector<16xi32>
    %gather3A_383 = tpu.vector_load_idx %arg8[%add3A_382] : memref<128xi32, #tpu.memory_space<vmem>>[vector<16xi32>], vector<16xi32>,
    %add3A_384 = arith.constant 65 : i32
    %add3A_385 = vector.broadcast %add3A_384 : i32 to vector<16xi32>
    %add3A_386 = arith.addi %mul3A_9, %add3A_385 : vector<16xi32>
    %gather3A_387 = tpu.vector_load_idx %arg8[%add3A_386] : memref<128xi32, #tpu.memory_space<vmem>>[vector<16xi32>], vector<16xi32>,
    %mul3A_388 = arith.constant 101 : i32
    %mul3A_389 = vector.broadcast %mul3A_388 : i32 to vector<16xi32>
    %mul3A_390 = arith.muli %gather3A_383, %mul3A_389 : vector<16xi32>
    %add3A_391 = arith.addi %mul3A_390, %gather3A_387 : vector<16xi32>
    %swap3A_392 = arith.constant 32 : index
    %swap3A_393 = tpu.vector_load %arg10[%swap3A_392] {strides = array<i32>} : memref<64xi32, #tpu.memory_space<vmem>>, vector<16xi32>,
    tpu.vector_store %arg10[%swap3A_392], %add3A_391 {strides = array<i32>} : memref<64xi32, #tpu.memory_space<vmem>>, vector<16xi32>,
    %add3A_394 = arith.constant 96 : i32
    %add3A_395 = vector.broadcast %add3A_394 : i32 to vector<16xi32>
    %add3A_396 = arith.addi %mul3A_9, %add3A_395 : vector<16xi32>
    %gather3A_397 = tpu.vector_load_idx %arg8[%add3A_396] : memref<128xi32, #tpu.memory_space<vmem>>[vector<16xi32>], vector<16xi32>,
    %add3A_398 = arith.constant 97 : i32
    %add3A_399 = vector.broadcast %add3A_398 : i32 to vector<16xi32>
    %add3A_400 = arith.addi %mul3A_9, %add3A_399 : vector<16xi32>
    %gather3A_401 = tpu.vector_load_idx %arg8[%add3A_400] : memref<128xi32, #tpu.memory_space<vmem>>[vector<16xi32>], vector<16xi32>,
    %mul3A_402 = arith.constant 101 : i32
    %mul3A_403 = vector.broadcast %mul3A_402 : i32 to vector<16xi32>
    %mul3A_404 = arith.muli %gather3A_397, %mul3A_403 : vector<16xi32>
    %add3A_405 = arith.addi %mul3A_404, %gather3A_401 : vector<16xi32>
    %swap3A_406 = arith.constant 48 : index
    %swap3A_407 = tpu.vector_load %arg10[%swap3A_406] {strides = array<i32>} : memref<64xi32, #tpu.memory_space<vmem>>, vector<16xi32>,
    tpu.vector_store %arg10[%swap3A_406], %add3A_405 {strides = array<i32>} : memref<64xi32, #tpu.memory_space<vmem>>, vector<16xi32>,
    %dma_start3A_408 = arith.constant 0 : i32
    %dma_start3A_409 = arith.constant 0 : i32
    %dma_start3A_410 = tpu.memref_slice %arg17[%dma_start3A_408, %dma_start3A_409] : memref<10201x128xf32, #tpu.memory_space<vmem_shared>> -> memref<10201x128xf32, #tpu.memory_space<vmem_shared>>
    tpu.enqueue_indirect_dma source(%dma_start3A_410 : memref<10201x128xf32, #tpu.memory_space<vmem_shared>>) target(%arg14 : memref<64x128xf32, #tpu.memory_space<vmem>>) offsets(%arg10 : memref<64xi32, #tpu.memory_space<vmem>>) semaphore(%arg19 : memref<!tpu.dma_semaphore, #tpu.memory_space<semaphore_mem>>)
    %scan3A = arith.constant 0 : i32
    %scan3A_411 = arith.constant 0 : i32
    %scan3A_412 = arith.constant 25 : i32
    %scan3A_413 = arith.addi %scan3A_411, %scan3A_412 : i32
    %scan3A_414 = arith.constant 1 : i32
    scf.for %scan3A_427 = %scan3A_411 to %scan3A_413 step %scan3A_414  : i32 {
      %mul3A_428 = arith.constant 4 : i32
      %mul3A_429 = arith.muli %scan3A_427, %mul3A_428 : i32
      %add3A_430 = arith.constant 0 : i32
      %add3A_431 = arith.addi %mul3A_429, %add3A_430 : i32
      %add3A_432 = arith.constant 2 : i32
      %add3A_433 = arith.addi %add3A_431, %add3A_432 : i32
      %jit3A = arith.constant 10 : i32
      %eq3A_434 = arith.constant 0 : i32
      %eq3A_435 = arith.cmpi eq, %jit3A, %eq3A_434 : i32
      %jit3A_436 = arith.constant 1 : i32
      %select_n3A = arith.select %eq3A_435, %jit3A_436, %jit3A : i32
      %rem3A = arith.remsi %add3A_433, %select_n3A : i32
      %ne3A = arith.constant 0 : i32
      %ne3A_437 = arith.cmpi ne, %rem3A, %ne3A : i32
      %lt3A = arith.constant 0 : i32
      %lt3A_438 = arith.cmpi slt, %rem3A, %lt3A : i32
      %lt3A_439 = arith.constant 0 : i32
      %lt3A_440 = arith.cmpi slt, %select_n3A, %lt3A_439 : i32
      %ne3A_441 = arith.xori %lt3A_438, %lt3A_440 : i1
      %and3A = arith.andi %ne3A_441, %ne3A_437 : i1
      %add3A_442 = arith.addi %rem3A, %select_n3A : i32
      %select_n3A_443 = arith.select %and3A, %add3A_442, %rem3A : i32
      %eq3A_444 = arith.constant 0 : i32
      %eq3A_445 = arith.cmpi eq, %select_n3A_443, %eq3A_444 : i32
      %convert_element_type3A_446 = arith.extui %eq3A_445 : i1 to i32
      %cond3A_447 = arith.constant 0 : i32
      %cond3A_448 = arith.cmpi ne, %convert_element_type3A_446, %cond3A_447 : i32
      scf.if %cond3A_448 {
        %jit3A_1031 = arith.constant 10 : i32
        %div3A_1032 = arith.divsi %add3A_433, %jit3A_1031 : i32
        %sign3A = arith.constant 0 : i32
        %sign3A_1033 = arith.cmpi sgt, %add3A_433, %sign3A : i32
        %sign3A_1034 = arith.extui %sign3A_1033 : i1 to i32
        %sign3A_1035 = arith.constant 0 : i32
        %sign3A_1036 = arith.cmpi slt, %add3A_433, %sign3A_1035 : i32
        %sign3A_1037 = arith.extui %sign3A_1036 : i1 to i32
        %sign3A_1038 = arith.subi %sign3A_1034, %sign3A_1037 : i32
        %sign3A_1039 = arith.constant 0 : i32
        %sign3A_1040 = arith.cmpi sgt, %jit3A_1031, %sign3A_1039 : i32
        %sign3A_1041 = arith.extui %sign3A_1040 : i1 to i32
        %sign3A_1042 = arith.constant 0 : i32
        %sign3A_1043 = arith.cmpi slt, %jit3A_1031, %sign3A_1042 : i32
        %sign3A_1044 = arith.extui %sign3A_1043 : i1 to i32
        %sign3A_1045 = arith.subi %sign3A_1041, %sign3A_1044 : i32
        %ne3A_1046 = arith.cmpi ne, %sign3A_1038, %sign3A_1045 : i32
        %rem3A_1047 = arith.remsi %add3A_433, %jit3A_1031 : i32
        %ne3A_1048 = arith.constant 0 : i32
        %ne3A_1049 = arith.cmpi ne, %rem3A_1047, %ne3A_1048 : i32
        %and3A_1050 = arith.andi %ne3A_1046, %ne3A_1049 : i1
        %sub3A_1051 = arith.constant 1 : i32
        %sub3A_1052 = arith.subi %div3A_1032, %sub3A_1051 : i32
        %select_n3A_1053 = arith.select %and3A_1050, %sub3A_1052, %div3A_1032 : i32
        %mul3A_1054 = arith.constant 1280 : i32
        %mul3A_1055 = arith.muli %select_n3A_1053, %mul3A_1054 : i32
        %add3A_1056 = arith.addi %mul3A_2, %mul3A_1055 : i32
        "tpu.region"() ({
          %run_scoped3A = tpu.sem_alloc : memref<!tpu.dma_semaphore, #tpu.memory_space<semaphore_mem>>
          %dma_start3A_1057 = tpu.memref_slice %arg2[%add3A_1056] : memref<409600xi32, #tpu.memory_space<hbm>> -> memref<1280xi32, #tpu.memory_space<hbm>>
          %dma_start3A_1058 = tpu.memref_slice %arg2[%add3A_1056] : memref<409600xi32, #tpu.memory_space<hbm>> -> memref<1280xi32, #tpu.memory_space<hbm>>
          tpu.enqueue_dma source(%dma_start3A_1058 : memref<1280xi32, #tpu.memory_space<hbm>>) target(%arg6 : memref<1280xi32, #tpu.memory_space<vmem>>) target_semaphore(%run_scoped3A : memref<!tpu.dma_semaphore, #tpu.memory_space<semaphore_mem>>)
          %dma_wait3A_1059 = tpu.memref_slice %arg2[%add3A_1056] : memref<409600xi32, #tpu.memory_space<hbm>> -> memref<1280xi32, #tpu.memory_space<hbm>>
          %dma_wait3A_1060 = tpu.memref_slice %arg2[%add3A_1056] : memref<409600xi32, #tpu.memory_space<hbm>> -> memref<1280xi32, #tpu.memory_space<hbm>>
          tpu.wait_dma2 semaphore(%run_scoped3A : memref<!tpu.dma_semaphore, #tpu.memory_space<semaphore_mem>>) src(%dma_wait3A_1060 : memref<1280xi32, #tpu.memory_space<hbm>>) dst(%arg6 : memref<1280xi32, #tpu.memory_space<vmem>>)
          tpu.yield
        }) : () -> ()
        "tpu.region"() ({
          %run_scoped3A = tpu.sem_alloc : memref<!tpu.dma_semaphore, #tpu.memory_space<semaphore_mem>>
          %dma_start3A_1057 = tpu.memref_slice %arg3[%add3A_1056] : memref<409600xi32, #tpu.memory_space<hbm>> -> memref<1280xi32, #tpu.memory_space<hbm>>
          %dma_start3A_1058 = tpu.memref_slice %arg3[%add3A_1056] : memref<409600xi32, #tpu.memory_space<hbm>> -> memref<1280xi32, #tpu.memory_space<hbm>>
          tpu.enqueue_dma source(%dma_start3A_1058 : memref<1280xi32, #tpu.memory_space<hbm>>) target(%arg7 : memref<1280xi32, #tpu.memory_space<vmem>>) target_semaphore(%run_scoped3A : memref<!tpu.dma_semaphore, #tpu.memory_space<semaphore_mem>>)
          %dma_wait3A_1059 = tpu.memref_slice %arg3[%add3A_1056] : memref<409600xi32, #tpu.memory_space<hbm>> -> memref<1280xi32, #tpu.memory_space<hbm>>
          %dma_wait3A_1060 = tpu.memref_slice %arg3[%add3A_1056] : memref<409600xi32, #tpu.memory_space<hbm>> -> memref<1280xi32, #tpu.memory_space<hbm>>
          tpu.wait_dma2 semaphore(%run_scoped3A : memref<!tpu.dma_semaphore, #tpu.memory_space<semaphore_mem>>) src(%dma_wait3A_1060 : memref<1280xi32, #tpu.memory_space<hbm>>) dst(%arg7 : memref<1280xi32, #tpu.memory_space<vmem>>)
          tpu.yield
        }) : () -> ()
      } else {
      }
      %gt3A = arith.constant 0 : i32
      %gt3A_449 = arith.cmpi sgt, %scan3A_427, %gt3A : i32
      %convert_element_type3A_450 = arith.extui %gt3A_449 : i1 to i32
      %cond3A_451 = arith.constant 0 : i32
      %cond3A_452 = arith.cmpi ne, %convert_element_type3A_450, %cond3A_451 : i32
      scf.if %cond3A_452 {
        %dma_wait3A_1031 = arith.constant 0 : i32
        %dma_wait3A_1032 = arith.constant 0 : i32
        %dma_wait3A_1033 = tpu.memref_slice %arg5[%dma_wait3A_1031, %dma_wait3A_1032] : memref<204800x128xf32, #tpu.memory_space<hbm>> -> memref<64x128xf32, #tpu.memory_space<hbm>>
        %dma_wait3A_1034 = arith.constant 0 : i32
        %dma_wait3A_1035 = arith.constant 0 : i32
        %dma_wait3A_1036 = tpu.memref_slice %arg5[%dma_wait3A_1034, %dma_wait3A_1035] : memref<204800x128xf32, #tpu.memory_space<hbm>> -> memref<64x128xf32, #tpu.memory_space<hbm>>
        tpu.wait_dma2 semaphore(%arg24 : memref<!tpu.dma_semaphore, #tpu.memory_space<semaphore_mem>>) src(%arg15 : memref<64x128xf32, #tpu.memory_space<vmem>>) dst(%dma_wait3A_1036 : memref<64x128xf32, #tpu.memory_space<hbm>>)
      } else {
      }
      %jit3A_453 = arith.constant 10 : i32
      %eq3A_454 = arith.constant 0 : i32
      %eq3A_455 = arith.cmpi eq, %jit3A_453, %eq3A_454 : i32
      %jit3A_456 = arith.constant 1 : i32
      %select_n3A_457 = arith.select %eq3A_455, %jit3A_456, %jit3A_453 : i32
      %rem3A_458 = arith.remsi %add3A_433, %select_n3A_457 : i32
      %ne3A_459 = arith.constant 0 : i32
      %ne3A_460 = arith.cmpi ne, %rem3A_458, %ne3A_459 : i32
      %lt3A_461 = arith.constant 0 : i32
      %lt3A_462 = arith.cmpi slt, %rem3A_458, %lt3A_461 : i32
      %lt3A_463 = arith.constant 0 : i32
      %lt3A_464 = arith.cmpi slt, %select_n3A_457, %lt3A_463 : i32
      %ne3A_465 = arith.xori %lt3A_462, %lt3A_464 : i1
      %and3A_466 = arith.andi %ne3A_465, %ne3A_460 : i1
      %add3A_467 = arith.addi %rem3A_458, %select_n3A_457 : i32
      %select_n3A_468 = arith.select %and3A_466, %add3A_467, %rem3A_458 : i32
      %mul3A_469 = arith.constant 128 : i32
      %mul3A_470 = arith.muli %select_n3A_468, %mul3A_469 : i32
      %add3A_471 = arith.constant 0 : i32
      %add3A_472 = arith.addi %mul3A_470, %add3A_471 : i32
      %get3A_473 = arith.index_cast %add3A_472 : i32 to index
      %get3A_474 = tpu.vector_load %arg7[%get3A_473] {strides = array<i32>} : memref<1280xi32, #tpu.memory_space<vmem>>, vector<16xi32>,
      %get3A_475 = arith.index_cast %add3A_472 : i32 to index
      %get3A_476 = tpu.vector_load %arg6[%get3A_475] {strides = array<i32>} : memref<1280xi32, #tpu.memory_space<vmem>>, vector<16xi32>,
      %sub3A_477 = arith.subi %get3A_474, %get3A_476 : vector<16xi32>
      %convert_element_type3A_478 = arith.sitofp %sub3A_477 : vector<16xi32> to vector<16xf32>
      %div3A_479 = arith.constant 1.000000e+04 : f32
      %div3A_480 = vector.broadcast %div3A_479 : f32 to vector<16xf32>
      %div3A_481 = arith.divf %convert_element_type3A_478, %div3A_480 : vector<16xf32>
      %mul3A_482 = arith.constant 1.000000e+02 : f32
      %mul3A_483 = vector.broadcast %mul3A_482 : f32 to vector<16xf32>
      %mul3A_484 = arith.mulf %div3A_481, %mul3A_483 : vector<16xf32>
      %convert_element_type3A_485 = arith.fptosi %mul3A_484 : vector<16xf32> to vector<16xi32>
      %max3A_486 = arith.constant 0 : i32
      %max3A_487 = vector.broadcast %max3A_486 : i32 to vector<16xi32>
      %max3A_488 = arith.maxsi %convert_element_type3A_485, %max3A_487 : vector<16xi32>
      %swap3A_489 = arith.constant 0 : index
      %swap3A_490 = tpu.vector_load %arg8[%swap3A_489] {strides = array<i32>} : memref<128xi32, #tpu.memory_space<vmem>>, vector<16xi32>,
      tpu.vector_store %arg8[%swap3A_489], %max3A_488 {strides = array<i32>} : memref<128xi32, #tpu.memory_space<vmem>>, vector<16xi32>,
      %add3A_491 = arith.constant 16 : i32
      %add3A_492 = arith.addi %mul3A_470, %add3A_491 : i32
      %get3A_493 = arith.index_cast %add3A_492 : i32 to index
      %get3A_494 = tpu.vector_load %arg7[%get3A_493] {strides = array<i32>} : memref<1280xi32, #tpu.memory_space<vmem>>, vector<16xi32>,
      %get3A_495 = arith.index_cast %add3A_492 : i32 to index
      %get3A_496 = tpu.vector_load %arg6[%get3A_495] {strides = array<i32>} : memref<1280xi32, #tpu.memory_space<vmem>>, vector<16xi32>,
      %sub3A_497 = arith.subi %get3A_494, %get3A_496 : vector<16xi32>
      %convert_element_type3A_498 = arith.sitofp %sub3A_497 : vector<16xi32> to vector<16xf32>
      %div3A_499 = arith.constant 1.000000e+04 : f32
      %div3A_500 = vector.broadcast %div3A_499 : f32 to vector<16xf32>
      %div3A_501 = arith.divf %convert_element_type3A_498, %div3A_500 : vector<16xf32>
      %mul3A_502 = arith.constant 1.000000e+02 : f32
      %mul3A_503 = vector.broadcast %mul3A_502 : f32 to vector<16xf32>
      %mul3A_504 = arith.mulf %div3A_501, %mul3A_503 : vector<16xf32>
      %convert_element_type3A_505 = arith.fptosi %mul3A_504 : vector<16xf32> to vector<16xi32>
      %max3A_506 = arith.constant 0 : i32
      %max3A_507 = vector.broadcast %max3A_506 : i32 to vector<16xi32>
      %max3A_508 = arith.maxsi %convert_element_type3A_505, %max3A_507 : vector<16xi32>
      %swap3A_509 = arith.constant 16 : index
      %swap3A_510 = tpu.vector_load %arg8[%swap3A_509] {strides = array<i32>} : memref<128xi32, #tpu.memory_space<vmem>>, vector<16xi32>,
      tpu.vector_store %arg8[%swap3A_509], %max3A_508 {strides = array<i32>} : memref<128xi32, #tpu.memory_space<vmem>>, vector<16xi32>,
      %add3A_511 = arith.constant 32 : i32
      %add3A_512 = arith.addi %mul3A_470, %add3A_511 : i32
      %get3A_513 = arith.index_cast %add3A_512 : i32 to index
      %get3A_514 = tpu.vector_load %arg7[%get3A_513] {strides = array<i32>} : memref<1280xi32, #tpu.memory_space<vmem>>, vector<16xi32>,
      %get3A_515 = arith.index_cast %add3A_512 : i32 to index
      %get3A_516 = tpu.vector_load %arg6[%get3A_515] {strides = array<i32>} : memref<1280xi32, #tpu.memory_space<vmem>>, vector<16xi32>,
      %sub3A_517 = arith.subi %get3A_514, %get3A_516 : vector<16xi32>
      %convert_element_type3A_518 = arith.sitofp %sub3A_517 : vector<16xi32> to vector<16xf32>
      %div3A_519 = arith.constant 1.000000e+04 : f32
      %div3A_520 = vector.broadcast %div3A_519 : f32 to vector<16xf32>
      %div3A_521 = arith.divf %convert_element_type3A_518, %div3A_520 : vector<16xf32>
      %mul3A_522 = arith.constant 1.000000e+02 : f32
      %mul3A_523 = vector.broadcast %mul3A_522 : f32 to vector<16xf32>
      %mul3A_524 = arith.mulf %div3A_521, %mul3A_523 : vector<16xf32>
      %convert_element_type3A_525 = arith.fptosi %mul3A_524 : vector<16xf32> to vector<16xi32>
      %max3A_526 = arith.constant 0 : i32
      %max3A_527 = vector.broadcast %max3A_526 : i32 to vector<16xi32>
      %max3A_528 = arith.maxsi %convert_element_type3A_525, %max3A_527 : vector<16xi32>
      %swap3A_529 = arith.constant 32 : index
      %swap3A_530 = tpu.vector_load %arg8[%swap3A_529] {strides = array<i32>} : memref<128xi32, #tpu.memory_space<vmem>>, vector<16xi32>,
      tpu.vector_store %arg8[%swap3A_529], %max3A_528 {strides = array<i32>} : memref<128xi32, #tpu.memory_space<vmem>>, vector<16xi32>,
      %add3A_531 = arith.constant 48 : i32
      %add3A_532 = arith.addi %mul3A_470, %add3A_531 : i32
      %get3A_533 = arith.index_cast %add3A_532 : i32 to index
      %get3A_534 = tpu.vector_load %arg7[%get3A_533] {strides = array<i32>} : memref<1280xi32, #tpu.memory_space<vmem>>, vector<16xi32>,
      %get3A_535 = arith.index_cast %add3A_532 : i32 to index
      %get3A_536 = tpu.vector_load %arg6[%get3A_535] {strides = array<i32>} : memref<1280xi32, #tpu.memory_space<vmem>>, vector<16xi32>,
      %sub3A_537 = arith.subi %get3A_534, %get3A_536 : vector<16xi32>
      %convert_element_type3A_538 = arith.sitofp %sub3A_537 : vector<16xi32> to vector<16xf32>
      %div3A_539 = arith.constant 1.000000e+04 : f32
      %div3A_540 = vector.broadcast %div3A_539 : f32 to vector<16xf32>
      %div3A_541 = arith.divf %convert_element_type3A_538, %div3A_540 : vector<16xf32>
      %mul3A_542 = arith.constant 1.000000e+02 : f32
      %mul3A_543 = vector.broadcast %mul3A_542 : f32 to vector<16xf32>
      %mul3A_544 = arith.mulf %div3A_541, %mul3A_543 : vector<16xf32>
      %convert_element_type3A_545 = arith.fptosi %mul3A_544 : vector<16xf32> to vector<16xi32>
      %max3A_546 = arith.constant 0 : i32
      %max3A_547 = vector.broadcast %max3A_546 : i32 to vector<16xi32>
      %max3A_548 = arith.maxsi %convert_element_type3A_545, %max3A_547 : vector<16xi32>
      %swap3A_549 = arith.constant 48 : index
      %swap3A_550 = tpu.vector_load %arg8[%swap3A_549] {strides = array<i32>} : memref<128xi32, #tpu.memory_space<vmem>>, vector<16xi32>,
      tpu.vector_store %arg8[%swap3A_549], %max3A_548 {strides = array<i32>} : memref<128xi32, #tpu.memory_space<vmem>>, vector<16xi32>,
      %add3A_551 = arith.constant 64 : i32
      %add3A_552 = arith.addi %mul3A_470, %add3A_551 : i32
      %get3A_553 = arith.index_cast %add3A_552 : i32 to index
      %get3A_554 = tpu.vector_load %arg7[%get3A_553] {strides = array<i32>} : memref<1280xi32, #tpu.memory_space<vmem>>, vector<16xi32>,
      %get3A_555 = arith.index_cast %add3A_552 : i32 to index
      %get3A_556 = tpu.vector_load %arg6[%get3A_555] {strides = array<i32>} : memref<1280xi32, #tpu.memory_space<vmem>>, vector<16xi32>,
      %sub3A_557 = arith.subi %get3A_554, %get3A_556 : vector<16xi32>
      %convert_element_type3A_558 = arith.sitofp %sub3A_557 : vector<16xi32> to vector<16xf32>
      %div3A_559 = arith.constant 1.000000e+04 : f32
      %div3A_560 = vector.broadcast %div3A_559 : f32 to vector<16xf32>
      %div3A_561 = arith.divf %convert_element_type3A_558, %div3A_560 : vector<16xf32>
      %mul3A_562 = arith.constant 1.000000e+02 : f32
      %mul3A_563 = vector.broadcast %mul3A_562 : f32 to vector<16xf32>
      %mul3A_564 = arith.mulf %div3A_561, %mul3A_563 : vector<16xf32>
      %convert_element_type3A_565 = arith.fptosi %mul3A_564 : vector<16xf32> to vector<16xi32>
      %max3A_566 = arith.constant 0 : i32
      %max3A_567 = vector.broadcast %max3A_566 : i32 to vector<16xi32>
      %max3A_568 = arith.maxsi %convert_element_type3A_565, %max3A_567 : vector<16xi32>
      %swap3A_569 = arith.constant 64 : index
      %swap3A_570 = tpu.vector_load %arg8[%swap3A_569] {strides = array<i32>} : memref<128xi32, #tpu.memory_space<vmem>>, vector<16xi32>,
      tpu.vector_store %arg8[%swap3A_569], %max3A_568 {strides = array<i32>} : memref<128xi32, #tpu.memory_space<vmem>>, vector<16xi32>,
      %add3A_571 = arith.constant 80 : i32
      %add3A_572 = arith.addi %mul3A_470, %add3A_571 : i32
      %get3A_573 = arith.index_cast %add3A_572 : i32 to index
      %get3A_574 = tpu.vector_load %arg7[%get3A_573] {strides = array<i32>} : memref<1280xi32, #tpu.memory_space<vmem>>, vector<16xi32>,
      %get3A_575 = arith.index_cast %add3A_572 : i32 to index
      %get3A_576 = tpu.vector_load %arg6[%get3A_575] {strides = array<i32>} : memref<1280xi32, #tpu.memory_space<vmem>>, vector<16xi32>,
      %sub3A_577 = arith.subi %get3A_574, %get3A_576 : vector<16xi32>
      %convert_element_type3A_578 = arith.sitofp %sub3A_577 : vector<16xi32> to vector<16xf32>
      %div3A_579 = arith.constant 1.000000e+04 : f32
      %div3A_580 = vector.broadcast %div3A_579 : f32 to vector<16xf32>
      %div3A_581 = arith.divf %convert_element_type3A_578, %div3A_580 : vector<16xf32>
      %mul3A_582 = arith.constant 1.000000e+02 : f32
      %mul3A_583 = vector.broadcast %mul3A_582 : f32 to vector<16xf32>
      %mul3A_584 = arith.mulf %div3A_581, %mul3A_583 : vector<16xf32>
      %convert_element_type3A_585 = arith.fptosi %mul3A_584 : vector<16xf32> to vector<16xi32>
      %max3A_586 = arith.constant 0 : i32
      %max3A_587 = vector.broadcast %max3A_586 : i32 to vector<16xi32>
      %max3A_588 = arith.maxsi %convert_element_type3A_585, %max3A_587 : vector<16xi32>
      %swap3A_589 = arith.constant 80 : index
      %swap3A_590 = tpu.vector_load %arg8[%swap3A_589] {strides = array<i32>} : memref<128xi32, #tpu.memory_space<vmem>>, vector<16xi32>,
      tpu.vector_store %arg8[%swap3A_589], %max3A_588 {strides = array<i32>} : memref<128xi32, #tpu.memory_space<vmem>>, vector<16xi32>,
      %add3A_591 = arith.constant 96 : i32
      %add3A_592 = arith.addi %mul3A_470, %add3A_591 : i32
      %get3A_593 = arith.index_cast %add3A_592 : i32 to index
      %get3A_594 = tpu.vector_load %arg7[%get3A_593] {strides = array<i32>} : memref<1280xi32, #tpu.memory_space<vmem>>, vector<16xi32>,
      %get3A_595 = arith.index_cast %add3A_592 : i32 to index
      %get3A_596 = tpu.vector_load %arg6[%get3A_595] {strides = array<i32>} : memref<1280xi32, #tpu.memory_space<vmem>>, vector<16xi32>,
      %sub3A_597 = arith.subi %get3A_594, %get3A_596 : vector<16xi32>
      %convert_element_type3A_598 = arith.sitofp %sub3A_597 : vector<16xi32> to vector<16xf32>
      %div3A_599 = arith.constant 1.000000e+04 : f32
      %div3A_600 = vector.broadcast %div3A_599 : f32 to vector<16xf32>
      %div3A_601 = arith.divf %convert_element_type3A_598, %div3A_600 : vector<16xf32>
      %mul3A_602 = arith.constant 1.000000e+02 : f32
      %mul3A_603 = vector.broadcast %mul3A_602 : f32 to vector<16xf32>
      %mul3A_604 = arith.mulf %div3A_601, %mul3A_603 : vector<16xf32>
      %convert_element_type3A_605 = arith.fptosi %mul3A_604 : vector<16xf32> to vector<16xi32>
      %max3A_606 = arith.constant 0 : i32
      %max3A_607 = vector.broadcast %max3A_606 : i32 to vector<16xi32>
      %max3A_608 = arith.maxsi %convert_element_type3A_605, %max3A_607 : vector<16xi32>
      %swap3A_609 = arith.constant 96 : index
      %swap3A_610 = tpu.vector_load %arg8[%swap3A_609] {strides = array<i32>} : memref<128xi32, #tpu.memory_space<vmem>>, vector<16xi32>,
      tpu.vector_store %arg8[%swap3A_609], %max3A_608 {strides = array<i32>} : memref<128xi32, #tpu.memory_space<vmem>>, vector<16xi32>,
      %add3A_611 = arith.constant 112 : i32
      %add3A_612 = arith.addi %mul3A_470, %add3A_611 : i32
      %get3A_613 = arith.index_cast %add3A_612 : i32 to index
      %get3A_614 = tpu.vector_load %arg7[%get3A_613] {strides = array<i32>} : memref<1280xi32, #tpu.memory_space<vmem>>, vector<16xi32>,
      %get3A_615 = arith.index_cast %add3A_612 : i32 to index
      %get3A_616 = tpu.vector_load %arg6[%get3A_615] {strides = array<i32>} : memref<1280xi32, #tpu.memory_space<vmem>>, vector<16xi32>,
      %sub3A_617 = arith.subi %get3A_614, %get3A_616 : vector<16xi32>
      %convert_element_type3A_618 = arith.sitofp %sub3A_617 : vector<16xi32> to vector<16xf32>
      %div3A_619 = arith.constant 1.000000e+04 : f32
      %div3A_620 = vector.broadcast %div3A_619 : f32 to vector<16xf32>
      %div3A_621 = arith.divf %convert_element_type3A_618, %div3A_620 : vector<16xf32>
      %mul3A_622 = arith.constant 1.000000e+02 : f32
      %mul3A_623 = vector.broadcast %mul3A_622 : f32 to vector<16xf32>
      %mul3A_624 = arith.mulf %div3A_621, %mul3A_623 : vector<16xf32>
      %convert_element_type3A_625 = arith.fptosi %mul3A_624 : vector<16xf32> to vector<16xi32>
      %max3A_626 = arith.constant 0 : i32
      %max3A_627 = vector.broadcast %max3A_626 : i32 to vector<16xi32>
      %max3A_628 = arith.maxsi %convert_element_type3A_625, %max3A_627 : vector<16xi32>
      %swap3A_629 = arith.constant 112 : index
      %swap3A_630 = tpu.vector_load %arg8[%swap3A_629] {strides = array<i32>} : memref<128xi32, #tpu.memory_space<vmem>>, vector<16xi32>,
      tpu.vector_store %arg8[%swap3A_629], %max3A_628 {strides = array<i32>} : memref<128xi32, #tpu.memory_space<vmem>>, vector<16xi32>,
      %add3A_631 = arith.constant 0 : i32
      %add3A_632 = vector.broadcast %add3A_631 : i32 to vector<16xi32>
      %add3A_633 = arith.addi %mul3A_9, %add3A_632 : vector<16xi32>
      %gather3A_634 = tpu.vector_load_idx %arg8[%add3A_633] : memref<128xi32, #tpu.memory_space<vmem>>[vector<16xi32>], vector<16xi32>,
      %add3A_635 = arith.constant 1 : i32
      %add3A_636 = vector.broadcast %add3A_635 : i32 to vector<16xi32>
      %add3A_637 = arith.addi %mul3A_9, %add3A_636 : vector<16xi32>
      %gather3A_638 = tpu.vector_load_idx %arg8[%add3A_637] : memref<128xi32, #tpu.memory_space<vmem>>[vector<16xi32>], vector<16xi32>,
      %mul3A_639 = arith.constant 101 : i32
      %mul3A_640 = vector.broadcast %mul3A_639 : i32 to vector<16xi32>
      %mul3A_641 = arith.muli %gather3A_634, %mul3A_640 : vector<16xi32>
      %add3A_642 = arith.addi %mul3A_641, %gather3A_638 : vector<16xi32>
      %swap3A_643 = arith.constant 0 : index
      %swap3A_644 = tpu.vector_load %arg11[%swap3A_643] {strides = array<i32>} : memref<64xi32, #tpu.memory_space<vmem>>, vector<16xi32>,
      tpu.vector_store %arg11[%swap3A_643], %add3A_642 {strides = array<i32>} : memref<64xi32, #tpu.memory_space<vmem>>, vector<16xi32>,
      %add3A_645 = arith.constant 32 : i32
      %add3A_646 = vector.broadcast %add3A_645 : i32 to vector<16xi32>
      %add3A_647 = arith.addi %mul3A_9, %add3A_646 : vector<16xi32>
      %gather3A_648 = tpu.vector_load_idx %arg8[%add3A_647] : memref<128xi32, #tpu.memory_space<vmem>>[vector<16xi32>], vector<16xi32>,
      %add3A_649 = arith.constant 33 : i32
      %add3A_650 = vector.broadcast %add3A_649 : i32 to vector<16xi32>
      %add3A_651 = arith.addi %mul3A_9, %add3A_650 : vector<16xi32>
      %gather3A_652 = tpu.vector_load_idx %arg8[%add3A_651] : memref<128xi32, #tpu.memory_space<vmem>>[vector<16xi32>], vector<16xi32>,
      %mul3A_653 = arith.constant 101 : i32
      %mul3A_654 = vector.broadcast %mul3A_653 : i32 to vector<16xi32>
      %mul3A_655 = arith.muli %gather3A_648, %mul3A_654 : vector<16xi32>
      %add3A_656 = arith.addi %mul3A_655, %gather3A_652 : vector<16xi32>
      %swap3A_657 = arith.constant 16 : index
      %swap3A_658 = tpu.vector_load %arg11[%swap3A_657] {strides = array<i32>} : memref<64xi32, #tpu.memory_space<vmem>>, vector<16xi32>,
      tpu.vector_store %arg11[%swap3A_657], %add3A_656 {strides = array<i32>} : memref<64xi32, #tpu.memory_space<vmem>>, vector<16xi32>,
      %add3A_659 = arith.constant 64 : i32
      %add3A_660 = vector.broadcast %add3A_659 : i32 to vector<16xi32>
      %add3A_661 = arith.addi %mul3A_9, %add3A_660 : vector<16xi32>
      %gather3A_662 = tpu.vector_load_idx %arg8[%add3A_661] : memref<128xi32, #tpu.memory_space<vmem>>[vector<16xi32>], vector<16xi32>,
      %add3A_663 = arith.constant 65 : i32
      %add3A_664 = vector.broadcast %add3A_663 : i32 to vector<16xi32>
      %add3A_665 = arith.addi %mul3A_9, %add3A_664 : vector<16xi32>
      %gather3A_666 = tpu.vector_load_idx %arg8[%add3A_665] : memref<128xi32, #tpu.memory_space<vmem>>[vector<16xi32>], vector<16xi32>,
      %mul3A_667 = arith.constant 101 : i32
      %mul3A_668 = vector.broadcast %mul3A_667 : i32 to vector<16xi32>
      %mul3A_669 = arith.muli %gather3A_662, %mul3A_668 : vector<16xi32>
      %add3A_670 = arith.addi %mul3A_669, %gather3A_666 : vector<16xi32>
      %swap3A_671 = arith.constant 32 : index
      %swap3A_672 = tpu.vector_load %arg11[%swap3A_671] {strides = array<i32>} : memref<64xi32, #tpu.memory_space<vmem>>, vector<16xi32>,
      tpu.vector_store %arg11[%swap3A_671], %add3A_670 {strides = array<i32>} : memref<64xi32, #tpu.memory_space<vmem>>, vector<16xi32>,
      %add3A_673 = arith.constant 96 : i32
      %add3A_674 = vector.broadcast %add3A_673 : i32 to vector<16xi32>
      %add3A_675 = arith.addi %mul3A_9, %add3A_674 : vector<16xi32>
      %gather3A_676 = tpu.vector_load_idx %arg8[%add3A_675] : memref<128xi32, #tpu.memory_space<vmem>>[vector<16xi32>], vector<16xi32>,
      %add3A_677 = arith.constant 97 : i32
      %add3A_678 = vector.broadcast %add3A_677 : i32 to vector<16xi32>
      %add3A_679 = arith.addi %mul3A_9, %add3A_678 : vector<16xi32>
      %gather3A_680 = tpu.vector_load_idx %arg8[%add3A_679] : memref<128xi32, #tpu.memory_space<vmem>>[vector<16xi32>], vector<16xi32>,
      %mul3A_681 = arith.constant 101 : i32
      %mul3A_682 = vector.broadcast %mul3A_681 : i32 to vector<16xi32>
      %mul3A_683 = arith.muli %gather3A_676, %mul3A_682 : vector<16xi32>
      %add3A_684 = arith.addi %mul3A_683, %gather3A_680 : vector<16xi32>
      %swap3A_685 = arith.constant 48 : index
      %swap3A_686 = tpu.vector_load %arg11[%swap3A_685] {strides = array<i32>} : memref<64xi32, #tpu.memory_space<vmem>>, vector<16xi32>,
      tpu.vector_store %arg11[%swap3A_685], %add3A_684 {strides = array<i32>} : memref<64xi32, #tpu.memory_space<vmem>>, vector<16xi32>,
      %dma_start3A_687 = arith.constant 0 : i32
      %dma_start3A_688 = arith.constant 0 : i32
      %dma_start3A_689 = tpu.memref_slice %arg17[%dma_start3A_687, %dma_start3A_688] : memref<10201x128xf32, #tpu.memory_space<vmem_shared>> -> memref<10201x128xf32, #tpu.memory_space<vmem_shared>>
      tpu.enqueue_indirect_dma source(%dma_start3A_689 : memref<10201x128xf32, #tpu.memory_space<vmem_shared>>) target(%arg15 : memref<64x128xf32, #tpu.memory_space<vmem>>) offsets(%arg11 : memref<64xi32, #tpu.memory_space<vmem>>) semaphore(%arg20 : memref<!tpu.dma_semaphore, #tpu.memory_space<semaphore_mem>>)
      %dma_wait3A_690 = arith.constant 0 : i32
      %dma_wait3A_691 = arith.constant 0 : i32
      %dma_wait3A_692 = tpu.memref_slice %arg5[%dma_wait3A_690, %dma_wait3A_691] : memref<204800x128xf32, #tpu.memory_space<hbm>> -> memref<64x128xf32, #tpu.memory_space<hbm>>
      %dma_wait3A_693 = arith.constant 0 : i32
      %dma_wait3A_694 = arith.constant 0 : i32
      %dma_wait3A_695 = tpu.memref_slice %arg5[%dma_wait3A_693, %dma_wait3A_694] : memref<204800x128xf32, #tpu.memory_space<hbm>> -> memref<64x128xf32, #tpu.memory_space<hbm>>
      tpu.wait_dma2 semaphore(%arg18 : memref<!tpu.dma_semaphore, #tpu.memory_space<semaphore_mem>>) src(%dma_wait3A_695 : memref<64x128xf32, #tpu.memory_space<hbm>>) dst(%arg13 : memref<64x128xf32, #tpu.memory_space<vmem>>)
      %mul3A_696 = arith.constant 64 : i32
      %mul3A_697 = arith.muli %add3A_431, %mul3A_696 : i32
      %add3A_698 = arith.addi %mul3A_4, %mul3A_697 : i32
      %dma_start3A_699 = arith.constant 0 : i32
      %dma_start3A_700 = tpu.memref_slice %arg5[%add3A_698, %dma_start3A_699] : memref<204800x128xf32, #tpu.memory_space<hbm>> -> memref<64x128xf32, #tpu.memory_space<hbm>>
      %dma_start3A_701 = arith.constant 0 : i32
      %dma_start3A_702 = tpu.memref_slice %arg5[%add3A_698, %dma_start3A_701] : memref<204800x128xf32, #tpu.memory_space<hbm>> -> memref<64x128xf32, #tpu.memory_space<hbm>>
      tpu.enqueue_dma source(%arg13 : memref<64x128xf32, #tpu.memory_space<vmem>>) target(%dma_start3A_702 : memref<64x128xf32, #tpu.memory_space<hbm>>) target_semaphore(%arg22 : memref<!tpu.dma_semaphore, #tpu.memory_space<semaphore_mem>>)
      %add3A_703 = arith.constant 1 : i32
      %add3A_704 = arith.addi %mul3A_429, %add3A_703 : i32
      %add3A_705 = arith.constant 2 : i32
      %add3A_706 = arith.addi %add3A_704, %add3A_705 : i32
      %jit3A_707 = arith.constant 10 : i32
      %eq3A_708 = arith.constant 0 : i32
      %eq3A_709 = arith.cmpi eq, %jit3A_707, %eq3A_708 : i32
      %jit3A_710 = arith.constant 1 : i32
      %select_n3A_711 = arith.select %eq3A_709, %jit3A_710, %jit3A_707 : i32
      %rem3A_712 = arith.remsi %add3A_706, %select_n3A_711 : i32
      %ne3A_713 = arith.constant 0 : i32
      %ne3A_714 = arith.cmpi ne, %rem3A_712, %ne3A_713 : i32
      %lt3A_715 = arith.constant 0 : i32
      %lt3A_716 = arith.cmpi slt, %rem3A_712, %lt3A_715 : i32
      %lt3A_717 = arith.constant 0 : i32
      %lt3A_718 = arith.cmpi slt, %select_n3A_711, %lt3A_717 : i32
      %ne3A_719 = arith.xori %lt3A_716, %lt3A_718 : i1
      %and3A_720 = arith.andi %ne3A_719, %ne3A_714 : i1
      %add3A_721 = arith.addi %rem3A_712, %select_n3A_711 : i32
      %select_n3A_722 = arith.select %and3A_720, %add3A_721, %rem3A_712 : i32
      %eq3A_723 = arith.constant 0 : i32
      %eq3A_724 = arith.cmpi eq, %select_n3A_722, %eq3A_723 : i32
      %convert_element_type3A_725 = arith.extui %eq3A_724 : i1 to i32
      %cond3A_726 = arith.constant 0 : i32
      %cond3A_727 = arith.cmpi ne, %convert_element_type3A_725, %cond3A_726 : i32
      scf.if %cond3A_727 {
        %jit3A_1031 = arith.constant 10 : i32
        %div3A_1032 = arith.divsi %add3A_706, %jit3A_1031 : i32
        %sign3A = arith.constant 0 : i32
        %sign3A_1033 = arith.cmpi sgt, %add3A_706, %sign3A : i32
        %sign3A_1034 = arith.extui %sign3A_1033 : i1 to i32
        %sign3A_1035 = arith.constant 0 : i32
        %sign3A_1036 = arith.cmpi slt, %add3A_706, %sign3A_1035 : i32
        %sign3A_1037 = arith.extui %sign3A_1036 : i1 to i32
        %sign3A_1038 = arith.subi %sign3A_1034, %sign3A_1037 : i32
        %sign3A_1039 = arith.constant 0 : i32
        %sign3A_1040 = arith.cmpi sgt, %jit3A_1031, %sign3A_1039 : i32
        %sign3A_1041 = arith.extui %sign3A_1040 : i1 to i32
        %sign3A_1042 = arith.constant 0 : i32
        %sign3A_1043 = arith.cmpi slt, %jit3A_1031, %sign3A_1042 : i32
        %sign3A_1044 = arith.extui %sign3A_1043 : i1 to i32
        %sign3A_1045 = arith.subi %sign3A_1041, %sign3A_1044 : i32
        %ne3A_1046 = arith.cmpi ne, %sign3A_1038, %sign3A_1045 : i32
        %rem3A_1047 = arith.remsi %add3A_706, %jit3A_1031 : i32
        %ne3A_1048 = arith.constant 0 : i32
        %ne3A_1049 = arith.cmpi ne, %rem3A_1047, %ne3A_1048 : i32
        %and3A_1050 = arith.andi %ne3A_1046, %ne3A_1049 : i1
        %sub3A_1051 = arith.constant 1 : i32
        %sub3A_1052 = arith.subi %div3A_1032, %sub3A_1051 : i32
        %select_n3A_1053 = arith.select %and3A_1050, %sub3A_1052, %div3A_1032 : i32
        %mul3A_1054 = arith.constant 1280 : i32
        %mul3A_1055 = arith.muli %select_n3A_1053, %mul3A_1054 : i32
        %add3A_1056 = arith.addi %mul3A_2, %mul3A_1055 : i32
        "tpu.region"() ({
          %run_scoped3A = tpu.sem_alloc : memref<!tpu.dma_semaphore, #tpu.memory_space<semaphore_mem>>
          %dma_start3A_1057 = tpu.memref_slice %arg2[%add3A_1056] : memref<409600xi32, #tpu.memory_space<hbm>> -> memref<1280xi32, #tpu.memory_space<hbm>>
          %dma_start3A_1058 = tpu.memref_slice %arg2[%add3A_1056] : memref<409600xi32, #tpu.memory_space<hbm>> -> memref<1280xi32, #tpu.memory_space<hbm>>
          tpu.enqueue_dma source(%dma_start3A_1058 : memref<1280xi32, #tpu.memory_space<hbm>>) target(%arg6 : memref<1280xi32, #tpu.memory_space<vmem>>) target_semaphore(%run_scoped3A : memref<!tpu.dma_semaphore, #tpu.memory_space<semaphore_mem>>)
          %dma_wait3A_1059 = tpu.memref_slice %arg2[%add3A_1056] : memref<409600xi32, #tpu.memory_space<hbm>> -> memref<1280xi32, #tpu.memory_space<hbm>>
          %dma_wait3A_1060 = tpu.memref_slice %arg2[%add3A_1056] : memref<409600xi32, #tpu.memory_space<hbm>> -> memref<1280xi32, #tpu.memory_space<hbm>>
          tpu.wait_dma2 semaphore(%run_scoped3A : memref<!tpu.dma_semaphore, #tpu.memory_space<semaphore_mem>>) src(%dma_wait3A_1060 : memref<1280xi32, #tpu.memory_space<hbm>>) dst(%arg6 : memref<1280xi32, #tpu.memory_space<vmem>>)
          tpu.yield
        }) : () -> ()
        "tpu.region"() ({
          %run_scoped3A = tpu.sem_alloc : memref<!tpu.dma_semaphore, #tpu.memory_space<semaphore_mem>>
          %dma_start3A_1057 = tpu.memref_slice %arg3[%add3A_1056] : memref<409600xi32, #tpu.memory_space<hbm>> -> memref<1280xi32, #tpu.memory_space<hbm>>
          %dma_start3A_1058 = tpu.memref_slice %arg3[%add3A_1056] : memref<409600xi32, #tpu.memory_space<hbm>> -> memref<1280xi32, #tpu.memory_space<hbm>>
          tpu.enqueue_dma source(%dma_start3A_1058 : memref<1280xi32, #tpu.memory_space<hbm>>) target(%arg7 : memref<1280xi32, #tpu.memory_space<vmem>>) target_semaphore(%run_scoped3A : memref<!tpu.dma_semaphore, #tpu.memory_space<semaphore_mem>>)
          %dma_wait3A_1059 = tpu.memref_slice %arg3[%add3A_1056] : memref<409600xi32, #tpu.memory_space<hbm>> -> memref<1280xi32, #tpu.memory_space<hbm>>
          %dma_wait3A_1060 = tpu.memref_slice %arg3[%add3A_1056] : memref<409600xi32, #tpu.memory_space<hbm>> -> memref<1280xi32, #tpu.memory_space<hbm>>
          tpu.wait_dma2 semaphore(%run_scoped3A : memref<!tpu.dma_semaphore, #tpu.memory_space<semaphore_mem>>) src(%dma_wait3A_1060 : memref<1280xi32, #tpu.memory_space<hbm>>) dst(%arg7 : memref<1280xi32, #tpu.memory_space<vmem>>)
          tpu.yield
        }) : () -> ()
      } else {
      }
      %gt3A_728 = arith.constant 0 : i32
      %gt3A_729 = arith.cmpi sgt, %scan3A_427, %gt3A_728 : i32
      %convert_element_type3A_730 = arith.extui %gt3A_729 : i1 to i32
      %cond3A_731 = arith.constant 0 : i32
      %cond3A_732 = arith.cmpi ne, %convert_element_type3A_730, %cond3A_731 : i32
      scf.if %cond3A_732 {
        %dma_wait3A_1031 = arith.constant 0 : i32
        %dma_wait3A_1032 = arith.constant 0 : i32
        %dma_wait3A_1033 = tpu.memref_slice %arg5[%dma_wait3A_1031, %dma_wait3A_1032] : memref<204800x128xf32, #tpu.memory_space<hbm>> -> memref<64x128xf32, #tpu.memory_space<hbm>>
        %dma_wait3A_1034 = arith.constant 0 : i32
        %dma_wait3A_1035 = arith.constant 0 : i32
        %dma_wait3A_1036 = tpu.memref_slice %arg5[%dma_wait3A_1034, %dma_wait3A_1035] : memref<204800x128xf32, #tpu.memory_space<hbm>> -> memref<64x128xf32, #tpu.memory_space<hbm>>
        tpu.wait_dma2 semaphore(%arg25 : memref<!tpu.dma_semaphore, #tpu.memory_space<semaphore_mem>>) src(%arg16 : memref<64x128xf32, #tpu.memory_space<vmem>>) dst(%dma_wait3A_1036 : memref<64x128xf32, #tpu.memory_space<hbm>>)
      } else {
      }
      %jit3A_733 = arith.constant 10 : i32
      %eq3A_734 = arith.constant 0 : i32
      %eq3A_735 = arith.cmpi eq, %jit3A_733, %eq3A_734 : i32
      %jit3A_736 = arith.constant 1 : i32
      %select_n3A_737 = arith.select %eq3A_735, %jit3A_736, %jit3A_733 : i32
      %rem3A_738 = arith.remsi %add3A_706, %select_n3A_737 : i32
      %ne3A_739 = arith.constant 0 : i32
      %ne3A_740 = arith.cmpi ne, %rem3A_738, %ne3A_739 : i32
      %lt3A_741 = arith.constant 0 : i32
      %lt3A_742 = arith.cmpi slt, %rem3A_738, %lt3A_741 : i32
      %lt3A_743 = arith.constant 0 : i32
      %lt3A_744 = arith.cmpi slt, %select_n3A_737, %lt3A_743 : i32
      %ne3A_745 = arith.xori %lt3A_742, %lt3A_744 : i1
      %and3A_746 = arith.andi %ne3A_745, %ne3A_740 : i1
      %add3A_747 = arith.addi %rem3A_738, %select_n3A_737 : i32
      %select_n3A_748 = arith.select %and3A_746, %add3A_747, %rem3A_738 : i32
      %mul3A_749 = arith.constant 128 : i32
      %mul3A_750 = arith.muli %select_n3A_748, %mul3A_749 : i32
      %add3A_751 = arith.constant 0 : i32
      %add3A_752 = arith.addi %mul3A_750, %add3A_751 : i32
      %get3A_753 = arith.index_cast %add3A_752 : i32 to index
      %get3A_754 = tpu.vector_load %arg7[%get3A_753] {strides = array<i32>} : memref<1280xi32, #tpu.memory_space<vmem>>, vector<16xi32>,
      %get3A_755 = arith.index_cast %add3A_752 : i32 to index
      %get3A_756 = tpu.vector_load %arg6[%get3A_755] {strides = array<i32>} : memref<1280xi32, #tpu.memory_space<vmem>>, vector<16xi32>,
      %sub3A_757 = arith.subi %get3A_754, %get3A_756 : vector<16xi32>
      %convert_element_type3A_758 = arith.sitofp %sub3A_757 : vector<16xi32> to vector<16xf32>
      %div3A_759 = arith.constant 1.000000e+04 : f32
      %div3A_760 = vector.broadcast %div3A_759 : f32 to vector<16xf32>
      %div3A_761 = arith.divf %convert_element_type3A_758, %div3A_760 : vector<16xf32>
      %mul3A_762 = arith.constant 1.000000e+02 : f32
      %mul3A_763 = vector.broadcast %mul3A_762 : f32 to vector<16xf32>
      %mul3A_764 = arith.mulf %div3A_761, %mul3A_763 : vector<16xf32>
      %convert_element_type3A_765 = arith.fptosi %mul3A_764 : vector<16xf32> to vector<16xi32>
      %max3A_766 = arith.constant 0 : i32
      %max3A_767 = vector.broadcast %max3A_766 : i32 to vector<16xi32>
      %max3A_768 = arith.maxsi %convert_element_type3A_765, %max3A_767 : vector<16xi32>
      %swap3A_769 = arith.constant 0 : index
      %swap3A_770 = tpu.vector_load %arg8[%swap3A_769] {strides = array<i32>} : memref<128xi32, #tpu.memory_space<vmem>>, vector<16xi32>,
      tpu.vector_store %arg8[%swap3A_769], %max3A_768 {strides = array<i32>} : memref<128xi32, #tpu.memory_space<vmem>>, vector<16xi32>,
      %add3A_771 = arith.constant 16 : i32
      %add3A_772 = arith.addi %mul3A_750, %add3A_771 : i32
      %get3A_773 = arith.index_cast %add3A_772 : i32 to index
      %get3A_774 = tpu.vector_load %arg7[%get3A_773] {strides = array<i32>} : memref<1280xi32, #tpu.memory_space<vmem>>, vector<16xi32>,
      %get3A_775 = arith.index_cast %add3A_772 : i32 to index
      %get3A_776 = tpu.vector_load %arg6[%get3A_775] {strides = array<i32>} : memref<1280xi32, #tpu.memory_space<vmem>>, vector<16xi32>,
      %sub3A_777 = arith.subi %get3A_774, %get3A_776 : vector<16xi32>
      %convert_element_type3A_778 = arith.sitofp %sub3A_777 : vector<16xi32> to vector<16xf32>
      %div3A_779 = arith.constant 1.000000e+04 : f32
      %div3A_780 = vector.broadcast %div3A_779 : f32 to vector<16xf32>
      %div3A_781 = arith.divf %convert_element_type3A_778, %div3A_780 : vector<16xf32>
      %mul3A_782 = arith.constant 1.000000e+02 : f32
      %mul3A_783 = vector.broadcast %mul3A_782 : f32 to vector<16xf32>
      %mul3A_784 = arith.mulf %div3A_781, %mul3A_783 : vector<16xf32>
      %convert_element_type3A_785 = arith.fptosi %mul3A_784 : vector<16xf32> to vector<16xi32>
      %max3A_786 = arith.constant 0 : i32
      %max3A_787 = vector.broadcast %max3A_786 : i32 to vector<16xi32>
      %max3A_788 = arith.maxsi %convert_element_type3A_785, %max3A_787 : vector<16xi32>
      %swap3A_789 = arith.constant 16 : index
      %swap3A_790 = tpu.vector_load %arg8[%swap3A_789] {strides = array<i32>} : memref<128xi32, #tpu.memory_space<vmem>>, vector<16xi32>,
      tpu.vector_store %arg8[%swap3A_789], %max3A_788 {strides = array<i32>} : memref<128xi32, #tpu.memory_space<vmem>>, vector<16xi32>,
      %add3A_791 = arith.constant 32 : i32
      %add3A_792 = arith.addi %mul3A_750, %add3A_791 : i32
      %get3A_793 = arith.index_cast %add3A_792 : i32 to index
      %get3A_794 = tpu.vector_load %arg7[%get3A_793] {strides = array<i32>} : memref<1280xi32, #tpu.memory_space<vmem>>, vector<16xi32>,
      %get3A_795 = arith.index_cast %add3A_792 : i32 to index
      %get3A_796 = tpu.vector_load %arg6[%get3A_795] {strides = array<i32>} : memref<1280xi32, #tpu.memory_space<vmem>>, vector<16xi32>,
      %sub3A_797 = arith.subi %get3A_794, %get3A_796 : vector<16xi32>
      %convert_element_type3A_798 = arith.sitofp %sub3A_797 : vector<16xi32> to vector<16xf32>
      %div3A_799 = arith.constant 1.000000e+04 : f32
      %div3A_800 = vector.broadcast %div3A_799 : f32 to vector<16xf32>
      %div3A_801 = arith.divf %convert_element_type3A_798, %div3A_800 : vector<16xf32>
      %mul3A_802 = arith.constant 1.000000e+02 : f32
      %mul3A_803 = vector.broadcast %mul3A_802 : f32 to vector<16xf32>
      %mul3A_804 = arith.mulf %div3A_801, %mul3A_803 : vector<16xf32>
      %convert_element_type3A_805 = arith.fptosi %mul3A_804 : vector<16xf32> to vector<16xi32>
      %max3A_806 = arith.constant 0 : i32
      %max3A_807 = vector.broadcast %max3A_806 : i32 to vector<16xi32>
      %max3A_808 = arith.maxsi %convert_element_type3A_805, %max3A_807 : vector<16xi32>
      %swap3A_809 = arith.constant 32 : index
      %swap3A_810 = tpu.vector_load %arg8[%swap3A_809] {strides = array<i32>} : memref<128xi32, #tpu.memory_space<vmem>>, vector<16xi32>,
      tpu.vector_store %arg8[%swap3A_809], %max3A_808 {strides = array<i32>} : memref<128xi32, #tpu.memory_space<vmem>>, vector<16xi32>,
      %add3A_811 = arith.constant 48 : i32
      %add3A_812 = arith.addi %mul3A_750, %add3A_811 : i32
      %get3A_813 = arith.index_cast %add3A_812 : i32 to index
      %get3A_814 = tpu.vector_load %arg7[%get3A_813] {strides = array<i32>} : memref<1280xi32, #tpu.memory_space<vmem>>, vector<16xi32>,
      %get3A_815 = arith.index_cast %add3A_812 : i32 to index
      %get3A_816 = tpu.vector_load %arg6[%get3A_815] {strides = array<i32>} : memref<1280xi32, #tpu.memory_space<vmem>>, vector<16xi32>,
      %sub3A_817 = arith.subi %get3A_814, %get3A_816 : vector<16xi32>
      %convert_element_type3A_818 = arith.sitofp %sub3A_817 : vector<16xi32> to vector<16xf32>
      %div3A_819 = arith.constant 1.000000e+04 : f32
      %div3A_820 = vector.broadcast %div3A_819 : f32 to vector<16xf32>
      %div3A_821 = arith.divf %convert_element_type3A_818, %div3A_820 : vector<16xf32>
      %mul3A_822 = arith.constant 1.000000e+02 : f32
      %mul3A_823 = vector.broadcast %mul3A_822 : f32 to vector<16xf32>
      %mul3A_824 = arith.mulf %div3A_821, %mul3A_823 : vector<16xf32>
      %convert_element_type3A_825 = arith.fptosi %mul3A_824 : vector<16xf32> to vector<16xi32>
      %max3A_826 = arith.constant 0 : i32
      %max3A_827 = vector.broadcast %max3A_826 : i32 to vector<16xi32>
      %max3A_828 = arith.maxsi %convert_element_type3A_825, %max3A_827 : vector<16xi32>
      %swap3A_829 = arith.constant 48 : index
      %swap3A_830 = tpu.vector_load %arg8[%swap3A_829] {strides = array<i32>} : memref<128xi32, #tpu.memory_space<vmem>>, vector<16xi32>,
      tpu.vector_store %arg8[%swap3A_829], %max3A_828 {strides = array<i32>} : memref<128xi32, #tpu.memory_space<vmem>>, vector<16xi32>,
      %add3A_831 = arith.constant 64 : i32
      %add3A_832 = arith.addi %mul3A_750, %add3A_831 : i32
      %get3A_833 = arith.index_cast %add3A_832 : i32 to index
      %get3A_834 = tpu.vector_load %arg7[%get3A_833] {strides = array<i32>} : memref<1280xi32, #tpu.memory_space<vmem>>, vector<16xi32>,
      %get3A_835 = arith.index_cast %add3A_832 : i32 to index
      %get3A_836 = tpu.vector_load %arg6[%get3A_835] {strides = array<i32>} : memref<1280xi32, #tpu.memory_space<vmem>>, vector<16xi32>,
      %sub3A_837 = arith.subi %get3A_834, %get3A_836 : vector<16xi32>
      %convert_element_type3A_838 = arith.sitofp %sub3A_837 : vector<16xi32> to vector<16xf32>
      %div3A_839 = arith.constant 1.000000e+04 : f32
      %div3A_840 = vector.broadcast %div3A_839 : f32 to vector<16xf32>
      %div3A_841 = arith.divf %convert_element_type3A_838, %div3A_840 : vector<16xf32>
      %mul3A_842 = arith.constant 1.000000e+02 : f32
      %mul3A_843 = vector.broadcast %mul3A_842 : f32 to vector<16xf32>
      %mul3A_844 = arith.mulf %div3A_841, %mul3A_843 : vector<16xf32>
      %convert_element_type3A_845 = arith.fptosi %mul3A_844 : vector<16xf32> to vector<16xi32>
      %max3A_846 = arith.constant 0 : i32
      %max3A_847 = vector.broadcast %max3A_846 : i32 to vector<16xi32>
      %max3A_848 = arith.maxsi %convert_element_type3A_845, %max3A_847 : vector<16xi32>
      %swap3A_849 = arith.constant 64 : index
      %swap3A_850 = tpu.vector_load %arg8[%swap3A_849] {strides = array<i32>} : memref<128xi32, #tpu.memory_space<vmem>>, vector<16xi32>,
      tpu.vector_store %arg8[%swap3A_849], %max3A_848 {strides = array<i32>} : memref<128xi32, #tpu.memory_space<vmem>>, vector<16xi32>,
      %add3A_851 = arith.constant 80 : i32
      %add3A_852 = arith.addi %mul3A_750, %add3A_851 : i32
      %get3A_853 = arith.index_cast %add3A_852 : i32 to index
      %get3A_854 = tpu.vector_load %arg7[%get3A_853] {strides = array<i32>} : memref<1280xi32, #tpu.memory_space<vmem>>, vector<16xi32>,
      %get3A_855 = arith.index_cast %add3A_852 : i32 to index
      %get3A_856 = tpu.vector_load %arg6[%get3A_855] {strides = array<i32>} : memref<1280xi32, #tpu.memory_space<vmem>>, vector<16xi32>,
      %sub3A_857 = arith.subi %get3A_854, %get3A_856 : vector<16xi32>
      %convert_element_type3A_858 = arith.sitofp %sub3A_857 : vector<16xi32> to vector<16xf32>
      %div3A_859 = arith.constant 1.000000e+04 : f32
      %div3A_860 = vector.broadcast %div3A_859 : f32 to vector<16xf32>
      %div3A_861 = arith.divf %convert_element_type3A_858, %div3A_860 : vector<16xf32>
      %mul3A_862 = arith.constant 1.000000e+02 : f32
      %mul3A_863 = vector.broadcast %mul3A_862 : f32 to vector<16xf32>
      %mul3A_864 = arith.mulf %div3A_861, %mul3A_863 : vector<16xf32>
      %convert_element_type3A_865 = arith.fptosi %mul3A_864 : vector<16xf32> to vector<16xi32>
      %max3A_866 = arith.constant 0 : i32
      %max3A_867 = vector.broadcast %max3A_866 : i32 to vector<16xi32>
      %max3A_868 = arith.maxsi %convert_element_type3A_865, %max3A_867 : vector<16xi32>
      %swap3A_869 = arith.constant 80 : index
      %swap3A_870 = tpu.vector_load %arg8[%swap3A_869] {strides = array<i32>} : memref<128xi32, #tpu.memory_space<vmem>>, vector<16xi32>,
      tpu.vector_store %arg8[%swap3A_869], %max3A_868 {strides = array<i32>} : memref<128xi32, #tpu.memory_space<vmem>>, vector<16xi32>,
      %add3A_871 = arith.constant 96 : i32
      %add3A_872 = arith.addi %mul3A_750, %add3A_871 : i32
      %get3A_873 = arith.index_cast %add3A_872 : i32 to index
      %get3A_874 = tpu.vector_load %arg7[%get3A_873] {strides = array<i32>} : memref<1280xi32, #tpu.memory_space<vmem>>, vector<16xi32>,
      %get3A_875 = arith.index_cast %add3A_872 : i32 to index
      %get3A_876 = tpu.vector_load %arg6[%get3A_875] {strides = array<i32>} : memref<1280xi32, #tpu.memory_space<vmem>>, vector<16xi32>,
      %sub3A_877 = arith.subi %get3A_874, %get3A_876 : vector<16xi32>
      %convert_element_type3A_878 = arith.sitofp %sub3A_877 : vector<16xi32> to vector<16xf32>
      %div3A_879 = arith.constant 1.000000e+04 : f32
      %div3A_880 = vector.broadcast %div3A_879 : f32 to vector<16xf32>
      %div3A_881 = arith.divf %convert_element_type3A_878, %div3A_880 : vector<16xf32>
      %mul3A_882 = arith.constant 1.000000e+02 : f32
      %mul3A_883 = vector.broadcast %mul3A_882 : f32 to vector<16xf32>
      %mul3A_884 = arith.mulf %div3A_881, %mul3A_883 : vector<16xf32>
      %convert_element_type3A_885 = arith.fptosi %mul3A_884 : vector<16xf32> to vector<16xi32>
      %max3A_886 = arith.constant 0 : i32
      %max3A_887 = vector.broadcast %max3A_886 : i32 to vector<16xi32>
      %max3A_888 = arith.maxsi %convert_element_type3A_885, %max3A_887 : vector<16xi32>
      %swap3A_889 = arith.constant 96 : index
      %swap3A_890 = tpu.vector_load %arg8[%swap3A_889] {strides = array<i32>} : memref<128xi32, #tpu.memory_space<vmem>>, vector<16xi32>,
      tpu.vector_store %arg8[%swap3A_889], %max3A_888 {strides = array<i32>} : memref<128xi32, #tpu.memory_space<vmem>>, vector<16xi32>,
      %add3A_891 = arith.constant 112 : i32
      %add3A_892 = arith.addi %mul3A_750, %add3A_891 : i32
      %get3A_893 = arith.index_cast %add3A_892 : i32 to index
      %get3A_894 = tpu.vector_load %arg7[%get3A_893] {strides = array<i32>} : memref<1280xi32, #tpu.memory_space<vmem>>, vector<16xi32>,
      %get3A_895 = arith.index_cast %add3A_892 : i32 to index
      %get3A_896 = tpu.vector_load %arg6[%get3A_895] {strides = array<i32>} : memref<1280xi32, #tpu.memory_space<vmem>>, vector<16xi32>,
      %sub3A_897 = arith.subi %get3A_894, %get3A_896 : vector<16xi32>
      %convert_element_type3A_898 = arith.sitofp %sub3A_897 : vector<16xi32> to vector<16xf32>
      %div3A_899 = arith.constant 1.000000e+04 : f32
      %div3A_900 = vector.broadcast %div3A_899 : f32 to vector<16xf32>
      %div3A_901 = arith.divf %convert_element_type3A_898, %div3A_900 : vector<16xf32>
      %mul3A_902 = arith.constant 1.000000e+02 : f32
      %mul3A_903 = vector.broadcast %mul3A_902 : f32 to vector<16xf32>
      %mul3A_904 = arith.mulf %div3A_901, %mul3A_903 : vector<16xf32>
      %convert_element_type3A_905 = arith.fptosi %mul3A_904 : vector<16xf32> to vector<16xi32>
      %max3A_906 = arith.constant 0 : i32
      %max3A_907 = vector.broadcast %max3A_906 : i32 to vector<16xi32>
      %max3A_908 = arith.maxsi %convert_element_type3A_905, %max3A_907 : vector<16xi32>
      %swap3A_909 = arith.constant 112 : index
      %swap3A_910 = tpu.vector_load %arg8[%swap3A_909] {strides = array<i32>} : memref<128xi32, #tpu.memory_space<vmem>>, vector<16xi32>,
      tpu.vector_store %arg8[%swap3A_909], %max3A_908 {strides = array<i32>} : memref<128xi32, #tpu.memory_space<vmem>>, vector<16xi32>,
      %add3A_911 = arith.constant 0 : i32
      %add3A_912 = vector.broadcast %add3A_911 : i32 to vector<16xi32>
      %add3A_913 = arith.addi %mul3A_9, %add3A_912 : vector<16xi32>
      %gather3A_914 = tpu.vector_load_idx %arg8[%add3A_913] : memref<128xi32, #tpu.memory_space<vmem>>[vector<16xi32>], vector<16xi32>,
      %add3A_915 = arith.constant 1 : i32
      %add3A_916 = vector.broadcast %add3A_915 : i32 to vector<16xi32>
      %add3A_917 = arith.addi %mul3A_9, %add3A_916 : vector<16xi32>
      %gather3A_918 = tpu.vector_load_idx %arg8[%add3A_917] : memref<128xi32, #tpu.memory_space<vmem>>[vector<16xi32>], vector<16xi32>,
      %mul3A_919 = arith.constant 101 : i32
      %mul3A_920 = vector.broadcast %mul3A_919 : i32 to vector<16xi32>
      %mul3A_921 = arith.muli %gather3A_914, %mul3A_920 : vector<16xi32>
      %add3A_922 = arith.addi %mul3A_921, %gather3A_918 : vector<16xi32>
      %swap3A_923 = arith.constant 0 : index
      %swap3A_924 = tpu.vector_load %arg12[%swap3A_923] {strides = array<i32>} : memref<64xi32, #tpu.memory_space<vmem>>, vector<16xi32>,
      tpu.vector_store %arg12[%swap3A_923], %add3A_922 {strides = array<i32>} : memref<64xi32, #tpu.memory_space<vmem>>, vector<16xi32>,
      %add3A_925 = arith.constant 32 : i32
      %add3A_926 = vector.broadcast %add3A_925 : i32 to vector<16xi32>
      %add3A_927 = arith.addi %mul3A_9, %add3A_926 : vector<16xi32>
      %gather3A_928 = tpu.vector_load_idx %arg8[%add3A_927] : memref<128xi32, #tpu.memory_space<vmem>>[vector<16xi32>], vector<16xi32>,
      %add3A_929 = arith.constant 33 : i32
      %add3A_930 = vector.broadcast %add3A_929 : i32 to vector<16xi32>
      %add3A_931 = arith.addi %mul3A_9, %add3A_930 : vector<16xi32>
      %gather3A_932 = tpu.vector_load_idx %arg8[%add3A_931] : memref<128xi32, #tpu.memory_space<vmem>>[vector<16xi32>], vector<16xi32>,
      %mul3A_933 = arith.constant 101 : i32
      %mul3A_934 = vector.broadcast %mul3A_933 : i32 to vector<16xi32>
      %mul3A_935 = arith.muli %gather3A_928, %mul3A_934 : vector<16xi32>
      %add3A_936 = arith.addi %mul3A_935, %gather3A_932 : vector<16xi32>
      %swap3A_937 = arith.constant 16 : index
      %swap3A_938 = tpu.vector_load %arg12[%swap3A_937] {strides = array<i32>} : memref<64xi32, #tpu.memory_space<vmem>>, vector<16xi32>,
      tpu.vector_store %arg12[%swap3A_937], %add3A_936 {strides = array<i32>} : memref<64xi32, #tpu.memory_space<vmem>>, vector<16xi32>,
      %add3A_939 = arith.constant 64 : i32
      %add3A_940 = vector.broadcast %add3A_939 : i32 to vector<16xi32>
      %add3A_941 = arith.addi %mul3A_9, %add3A_940 : vector<16xi32>
      %gather3A_942 = tpu.vector_load_idx %arg8[%add3A_941] : memref<128xi32, #tpu.memory_space<vmem>>[vector<16xi32>], vector<16xi32>,
      %add3A_943 = arith.constant 65 : i32
      %add3A_944 = vector.broadcast %add3A_943 : i32 to vector<16xi32>
      %add3A_945 = arith.addi %mul3A_9, %add3A_944 : vector<16xi32>
      %gather3A_946 = tpu.vector_load_idx %arg8[%add3A_945] : memref<128xi32, #tpu.memory_space<vmem>>[vector<16xi32>], vector<16xi32>,
      %mul3A_947 = arith.constant 101 : i32
      %mul3A_948 = vector.broadcast %mul3A_947 : i32 to vector<16xi32>
      %mul3A_949 = arith.muli %gather3A_942, %mul3A_948 : vector<16xi32>
      %add3A_950 = arith.addi %mul3A_949, %gather3A_946 : vector<16xi32>
      %swap3A_951 = arith.constant 32 : index
      %swap3A_952 = tpu.vector_load %arg12[%swap3A_951] {strides = array<i32>} : memref<64xi32, #tpu.memory_space<vmem>>, vector<16xi32>,
      tpu.vector_store %arg12[%swap3A_951], %add3A_950 {strides = array<i32>} : memref<64xi32, #tpu.memory_space<vmem>>, vector<16xi32>,
      %add3A_953 = arith.constant 96 : i32
      %add3A_954 = vector.broadcast %add3A_953 : i32 to vector<16xi32>
      %add3A_955 = arith.addi %mul3A_9, %add3A_954 : vector<16xi32>
      %gather3A_956 = tpu.vector_load_idx %arg8[%add3A_955] : memref<128xi32, #tpu.memory_space<vmem>>[vector<16xi32>], vector<16xi32>,
      %add3A_957 = arith.constant 97 : i32
      %add3A_958 = vector.broadcast %add3A_957 : i32 to vector<16xi32>
      %add3A_959 = arith.addi %mul3A_9, %add3A_958 : vector<16xi32>
      %gather3A_960 = tpu.vector_load_idx %arg8[%add3A_959] : memref<128xi32, #tpu.memory_space<vmem>>[vector<16xi32>], vector<16xi32>,
      %mul3A_961 = arith.constant 101 : i32
      %mul3A_962 = vector.broadcast %mul3A_961 : i32 to vector<16xi32>
      %mul3A_963 = arith.muli %gather3A_956, %mul3A_962 : vector<16xi32>
      %add3A_964 = arith.addi %mul3A_963, %gather3A_960 : vector<16xi32>
      %swap3A_965 = arith.constant 48 : index
      %swap3A_966 = tpu.vector_load %arg12[%swap3A_965] {strides = array<i32>} : memref<64xi32, #tpu.memory_space<vmem>>, vector<16xi32>,
      tpu.vector_store %arg12[%swap3A_965], %add3A_964 {strides = array<i32>} : memref<64xi32, #tpu.memory_space<vmem>>, vector<16xi32>,
      %dma_start3A_967 = arith.constant 0 : i32
      %dma_start3A_968 = arith.constant 0 : i32
      %dma_start3A_969 = tpu.memref_slice %arg17[%dma_start3A_967, %dma_start3A_968] : memref<10201x128xf32, #tpu.memory_space<vmem_shared>> -> memref<10201x128xf32, #tpu.memory_space<vmem_shared>>
      tpu.enqueue_indirect_dma source(%dma_start3A_969 : memref<10201x128xf32, #tpu.memory_space<vmem_shared>>) target(%arg16 : memref<64x128xf32, #tpu.memory_space<vmem>>) offsets(%arg12 : memref<64xi32, #tpu.memory_space<vmem>>) semaphore(%arg21 : memref<!tpu.dma_semaphore, #tpu.memory_space<semaphore_mem>>)
      %dma_wait3A_970 = arith.constant 0 : i32
      %dma_wait3A_971 = arith.constant 0 : i32
      %dma_wait3A_972 = tpu.memref_slice %arg5[%dma_wait3A_970, %dma_wait3A_971] : memref<204800x128xf32, #tpu.memory_space<hbm>> -> memref<64x128xf32, #tpu.memory_space<hbm>>
      %dma_wait3A_973 = arith.constant 0 : i32
      %dma_wait3A_974 = arith.constant 0 : i32
      %dma_wait3A_975 = tpu.memref_slice %arg5[%dma_wait3A_973, %dma_wait3A_974] : memref<204800x128xf32, #tpu.memory_space<hbm>> -> memref<64x128xf32, #tpu.memory_space<hbm>>
      tpu.wait_dma2 semaphore(%arg19 : memref<!tpu.dma_semaphore, #tpu.memory_space<semaphore_mem>>) src(%dma_wait3A_975 : memref<64x128xf32, #tpu.memory_space<hbm>>) dst(%arg14 : memref<64x128xf32, #tpu.memory_space<vmem>>)
      %mul3A_976 = arith.constant 64 : i32
      %mul3A_977 = arith.muli %add3A_704, %mul3A_976 : i32
      %add3A_978 = arith.addi %mul3A_4, %mul3A_977 : i32
      %dma_start3A_979 = arith.constant 0 : i32
      %dma_start3A_980 = tpu.memref_slice %arg5[%add3A_978, %dma_start3A_979] : memref<204800x128xf32, #tpu.memory_space<hbm>> -> memref<64x128xf32, #tpu.memory_space<hbm>>
      %dma_start3A_981 = arith.constant 0 : i32
      %dma_start3A_982 = tpu.memref_slice %arg5[%add3A_978, %dma_start3A_981] : memref<204800x128xf32, #tpu.memory_space<hbm>> -> memref<64x128xf32, #tpu.memory_space<hbm>>
      tpu.enqueue_dma source(%arg14 : memref<64x128xf32, #tpu.memory_space<vmem>>) target(%dma_start3A_982 : memref<64x128xf32, #tpu.memory_space<hbm>>) target_semaphore(%arg23 : memref<!tpu.dma_semaphore, #tpu.memory_space<semaphore_mem>>)
      %add3A_983 = arith.constant 2 : i32
      %add3A_984 = arith.addi %mul3A_429, %add3A_983 : i32
      %add3A_985 = arith.constant 2 : i32
      %add3A_986 = arith.addi %add3A_984, %add3A_985 : i32
      %add3A_987 = arith.constant 1 : i32
      %add3A_988 = arith.addi %scan3A_427, %add3A_987 : i32
      %lt3A_989 = arith.constant 25 : i32
      %lt3A_990 = arith.cmpi slt, %add3A_988, %lt3A_989 : i32
      %convert_element_type3A_991 = arith.extui %lt3A_990 : i1 to i32
      %cond3A_992 = arith.constant 0 : i32
      %cond3A_993 = arith.cmpi ne, %convert_element_type3A_991, %cond3A_992 : i32
      scf.if %cond3A_993 {
        %jit3A_1031 = arith.constant 10 : i32
        %eq3A_1032 = arith.constant 0 : i32
        %eq3A_1033 = arith.cmpi eq, %jit3A_1031, %eq3A_1032 : i32
        %jit3A_1034 = arith.constant 1 : i32
        %select_n3A_1035 = arith.select %eq3A_1033, %jit3A_1034, %jit3A_1031 : i32
        %rem3A_1036 = arith.remsi %add3A_986, %select_n3A_1035 : i32
        %ne3A_1037 = arith.constant 0 : i32
        %ne3A_1038 = arith.cmpi ne, %rem3A_1036, %ne3A_1037 : i32
        %lt3A_1039 = arith.constant 0 : i32
        %lt3A_1040 = arith.cmpi slt, %rem3A_1036, %lt3A_1039 : i32
        %lt3A_1041 = arith.constant 0 : i32
        %lt3A_1042 = arith.cmpi slt, %select_n3A_1035, %lt3A_1041 : i32
        %ne3A_1043 = arith.xori %lt3A_1040, %lt3A_1042 : i1
        %and3A_1044 = arith.andi %ne3A_1043, %ne3A_1038 : i1
        %add3A_1045 = arith.addi %rem3A_1036, %select_n3A_1035 : i32
        %select_n3A_1046 = arith.select %and3A_1044, %add3A_1045, %rem3A_1036 : i32
        %eq3A_1047 = arith.constant 0 : i32
        %eq3A_1048 = arith.cmpi eq, %select_n3A_1046, %eq3A_1047 : i32
        %convert_element_type3A_1049 = arith.extui %eq3A_1048 : i1 to i32
        %cond3A_1050 = arith.constant 0 : i32
        %cond3A_1051 = arith.cmpi ne, %convert_element_type3A_1049, %cond3A_1050 : i32
        scf.if %cond3A_1051 {
          %jit3A_1295 = arith.constant 10 : i32
          %div3A_1296 = arith.divsi %add3A_986, %jit3A_1295 : i32
          %sign3A = arith.constant 0 : i32
          %sign3A_1297 = arith.cmpi sgt, %add3A_986, %sign3A : i32
          %sign3A_1298 = arith.extui %sign3A_1297 : i1 to i32
          %sign3A_1299 = arith.constant 0 : i32
          %sign3A_1300 = arith.cmpi slt, %add3A_986, %sign3A_1299 : i32
          %sign3A_1301 = arith.extui %sign3A_1300 : i1 to i32
          %sign3A_1302 = arith.subi %sign3A_1298, %sign3A_1301 : i32
          %sign3A_1303 = arith.constant 0 : i32
          %sign3A_1304 = arith.cmpi sgt, %jit3A_1295, %sign3A_1303 : i32
          %sign3A_1305 = arith.extui %sign3A_1304 : i1 to i32
          %sign3A_1306 = arith.constant 0 : i32
          %sign3A_1307 = arith.cmpi slt, %jit3A_1295, %sign3A_1306 : i32
          %sign3A_1308 = arith.extui %sign3A_1307 : i1 to i32
          %sign3A_1309 = arith.subi %sign3A_1305, %sign3A_1308 : i32
          %ne3A_1310 = arith.cmpi ne, %sign3A_1302, %sign3A_1309 : i32
          %rem3A_1311 = arith.remsi %add3A_986, %jit3A_1295 : i32
          %ne3A_1312 = arith.constant 0 : i32
          %ne3A_1313 = arith.cmpi ne, %rem3A_1311, %ne3A_1312 : i32
          %and3A_1314 = arith.andi %ne3A_1310, %ne3A_1313 : i1
          %sub3A_1315 = arith.constant 1 : i32
          %sub3A_1316 = arith.subi %div3A_1296, %sub3A_1315 : i32
          %select_n3A_1317 = arith.select %and3A_1314, %sub3A_1316, %div3A_1296 : i32
          %mul3A_1318 = arith.constant 1280 : i32
          %mul3A_1319 = arith.muli %select_n3A_1317, %mul3A_1318 : i32
          %add3A_1320 = arith.addi %mul3A_2, %mul3A_1319 : i32
          "tpu.region"() ({
            %run_scoped3A = tpu.sem_alloc : memref<!tpu.dma_semaphore, #tpu.memory_space<semaphore_mem>>
            %dma_start3A_1321 = tpu.memref_slice %arg2[%add3A_1320] : memref<409600xi32, #tpu.memory_space<hbm>> -> memref<1280xi32, #tpu.memory_space<hbm>>
            %dma_start3A_1322 = tpu.memref_slice %arg2[%add3A_1320] : memref<409600xi32, #tpu.memory_space<hbm>> -> memref<1280xi32, #tpu.memory_space<hbm>>
            tpu.enqueue_dma source(%dma_start3A_1322 : memref<1280xi32, #tpu.memory_space<hbm>>) target(%arg6 : memref<1280xi32, #tpu.memory_space<vmem>>) target_semaphore(%run_scoped3A : memref<!tpu.dma_semaphore, #tpu.memory_space<semaphore_mem>>)
            %dma_wait3A_1323 = tpu.memref_slice %arg2[%add3A_1320] : memref<409600xi32, #tpu.memory_space<hbm>> -> memref<1280xi32, #tpu.memory_space<hbm>>
            %dma_wait3A_1324 = tpu.memref_slice %arg2[%add3A_1320] : memref<409600xi32, #tpu.memory_space<hbm>> -> memref<1280xi32, #tpu.memory_space<hbm>>
            tpu.wait_dma2 semaphore(%run_scoped3A : memref<!tpu.dma_semaphore, #tpu.memory_space<semaphore_mem>>) src(%dma_wait3A_1324 : memref<1280xi32, #tpu.memory_space<hbm>>) dst(%arg6 : memref<1280xi32, #tpu.memory_space<vmem>>)
            tpu.yield
          }) : () -> ()
          "tpu.region"() ({
            %run_scoped3A = tpu.sem_alloc : memref<!tpu.dma_semaphore, #tpu.memory_space<semaphore_mem>>
            %dma_start3A_1321 = tpu.memref_slice %arg3[%add3A_1320] : memref<409600xi32, #tpu.memory_space<hbm>> -> memref<1280xi32, #tpu.memory_space<hbm>>
            %dma_start3A_1322 = tpu.memref_slice %arg3[%add3A_1320] : memref<409600xi32, #tpu.memory_space<hbm>> -> memref<1280xi32, #tpu.memory_space<hbm>>
            tpu.enqueue_dma source(%dma_start3A_1322 : memref<1280xi32, #tpu.memory_space<hbm>>) target(%arg7 : memref<1280xi32, #tpu.memory_space<vmem>>) target_semaphore(%run_scoped3A : memref<!tpu.dma_semaphore, #tpu.memory_space<semaphore_mem>>)
            %dma_wait3A_1323 = tpu.memref_slice %arg3[%add3A_1320] : memref<409600xi32, #tpu.memory_space<hbm>> -> memref<1280xi32, #tpu.memory_space<hbm>>
            %dma_wait3A_1324 = tpu.memref_slice %arg3[%add3A_1320] : memref<409600xi32, #tpu.memory_space<hbm>> -> memref<1280xi32, #tpu.memory_space<hbm>>
            tpu.wait_dma2 semaphore(%run_scoped3A : memref<!tpu.dma_semaphore, #tpu.memory_space<semaphore_mem>>) src(%dma_wait3A_1324 : memref<1280xi32, #tpu.memory_space<hbm>>) dst(%arg7 : memref<1280xi32, #tpu.memory_space<vmem>>)
            tpu.yield
          }) : () -> ()
        } else {
        }
        %dma_wait3A_1052 = arith.constant 0 : i32
        %dma_wait3A_1053 = arith.constant 0 : i32
        %dma_wait3A_1054 = tpu.memref_slice %arg5[%dma_wait3A_1052, %dma_wait3A_1053] : memref<204800x128xf32, #tpu.memory_space<hbm>> -> memref<64x128xf32, #tpu.memory_space<hbm>>
        %dma_wait3A_1055 = arith.constant 0 : i32
        %dma_wait3A_1056 = arith.constant 0 : i32
        %dma_wait3A_1057 = tpu.memref_slice %arg5[%dma_wait3A_1055, %dma_wait3A_1056] : memref<204800x128xf32, #tpu.memory_space<hbm>> -> memref<64x128xf32, #tpu.memory_space<hbm>>
        tpu.wait_dma2 semaphore(%arg22 : memref<!tpu.dma_semaphore, #tpu.memory_space<semaphore_mem>>) src(%arg13 : memref<64x128xf32, #tpu.memory_space<vmem>>) dst(%dma_wait3A_1057 : memref<64x128xf32, #tpu.memory_space<hbm>>)
        %jit3A_1058 = arith.constant 10 : i32
        %eq3A_1059 = arith.constant 0 : i32
        %eq3A_1060 = arith.cmpi eq, %jit3A_1058, %eq3A_1059 : i32
        %jit3A_1061 = arith.constant 1 : i32
        %select_n3A_1062 = arith.select %eq3A_1060, %jit3A_1061, %jit3A_1058 : i32
        %rem3A_1063 = arith.remsi %add3A_986, %select_n3A_1062 : i32
        %ne3A_1064 = arith.constant 0 : i32
        %ne3A_1065 = arith.cmpi ne, %rem3A_1063, %ne3A_1064 : i32
        %lt3A_1066 = arith.constant 0 : i32
        %lt3A_1067 = arith.cmpi slt, %rem3A_1063, %lt3A_1066 : i32
        %lt3A_1068 = arith.constant 0 : i32
        %lt3A_1069 = arith.cmpi slt, %select_n3A_1062, %lt3A_1068 : i32
        %ne3A_1070 = arith.xori %lt3A_1067, %lt3A_1069 : i1
        %and3A_1071 = arith.andi %ne3A_1070, %ne3A_1065 : i1
        %add3A_1072 = arith.addi %rem3A_1063, %select_n3A_1062 : i32
        %select_n3A_1073 = arith.select %and3A_1071, %add3A_1072, %rem3A_1063 : i32
        %mul3A_1074 = arith.constant 128 : i32
        %mul3A_1075 = arith.muli %select_n3A_1073, %mul3A_1074 : i32
        %add3A_1076 = arith.constant 0 : i32
        %add3A_1077 = arith.addi %mul3A_1075, %add3A_1076 : i32
        %get3A_1078 = arith.index_cast %add3A_1077 : i32 to index
        %get3A_1079 = tpu.vector_load %arg7[%get3A_1078] {strides = array<i32>} : memref<1280xi32, #tpu.memory_space<vmem>>, vector<16xi32>,
        %get3A_1080 = arith.index_cast %add3A_1077 : i32 to index
        %get3A_1081 = tpu.vector_load %arg6[%get3A_1080] {strides = array<i32>} : memref<1280xi32, #tpu.memory_space<vmem>>, vector<16xi32>,
        %sub3A_1082 = arith.subi %get3A_1079, %get3A_1081 : vector<16xi32>
        %convert_element_type3A_1083 = arith.sitofp %sub3A_1082 : vector<16xi32> to vector<16xf32>
        %div3A_1084 = arith.constant 1.000000e+04 : f32
        %div3A_1085 = vector.broadcast %div3A_1084 : f32 to vector<16xf32>
        %div3A_1086 = arith.divf %convert_element_type3A_1083, %div3A_1085 : vector<16xf32>
        %mul3A_1087 = arith.constant 1.000000e+02 : f32
        %mul3A_1088 = vector.broadcast %mul3A_1087 : f32 to vector<16xf32>
        %mul3A_1089 = arith.mulf %div3A_1086, %mul3A_1088 : vector<16xf32>
        %convert_element_type3A_1090 = arith.fptosi %mul3A_1089 : vector<16xf32> to vector<16xi32>
        %max3A_1091 = arith.constant 0 : i32
        %max3A_1092 = vector.broadcast %max3A_1091 : i32 to vector<16xi32>
        %max3A_1093 = arith.maxsi %convert_element_type3A_1090, %max3A_1092 : vector<16xi32>
        %swap3A_1094 = arith.constant 0 : index
        %swap3A_1095 = tpu.vector_load %arg8[%swap3A_1094] {strides = array<i32>} : memref<128xi32, #tpu.memory_space<vmem>>, vector<16xi32>,
        tpu.vector_store %arg8[%swap3A_1094], %max3A_1093 {strides = array<i32>} : memref<128xi32, #tpu.memory_space<vmem>>, vector<16xi32>,
        %add3A_1096 = arith.constant 16 : i32
        %add3A_1097 = arith.addi %mul3A_1075, %add3A_1096 : i32
        %get3A_1098 = arith.index_cast %add3A_1097 : i32 to index
        %get3A_1099 = tpu.vector_load %arg7[%get3A_1098] {strides = array<i32>} : memref<1280xi32, #tpu.memory_space<vmem>>, vector<16xi32>,
        %get3A_1100 = arith.index_cast %add3A_1097 : i32 to index
        %get3A_1101 = tpu.vector_load %arg6[%get3A_1100] {strides = array<i32>} : memref<1280xi32, #tpu.memory_space<vmem>>, vector<16xi32>,
        %sub3A_1102 = arith.subi %get3A_1099, %get3A_1101 : vector<16xi32>
        %convert_element_type3A_1103 = arith.sitofp %sub3A_1102 : vector<16xi32> to vector<16xf32>
        %div3A_1104 = arith.constant 1.000000e+04 : f32
        %div3A_1105 = vector.broadcast %div3A_1104 : f32 to vector<16xf32>
        %div3A_1106 = arith.divf %convert_element_type3A_1103, %div3A_1105 : vector<16xf32>
        %mul3A_1107 = arith.constant 1.000000e+02 : f32
        %mul3A_1108 = vector.broadcast %mul3A_1107 : f32 to vector<16xf32>
        %mul3A_1109 = arith.mulf %div3A_1106, %mul3A_1108 : vector<16xf32>
        %convert_element_type3A_1110 = arith.fptosi %mul3A_1109 : vector<16xf32> to vector<16xi32>
        %max3A_1111 = arith.constant 0 : i32
        %max3A_1112 = vector.broadcast %max3A_1111 : i32 to vector<16xi32>
        %max3A_1113 = arith.maxsi %convert_element_type3A_1110, %max3A_1112 : vector<16xi32>
        %swap3A_1114 = arith.constant 16 : index
        %swap3A_1115 = tpu.vector_load %arg8[%swap3A_1114] {strides = array<i32>} : memref<128xi32, #tpu.memory_space<vmem>>, vector<16xi32>,
        tpu.vector_store %arg8[%swap3A_1114], %max3A_1113 {strides = array<i32>} : memref<128xi32, #tpu.memory_space<vmem>>, vector<16xi32>,
        %add3A_1116 = arith.constant 32 : i32
        %add3A_1117 = arith.addi %mul3A_1075, %add3A_1116 : i32
        %get3A_1118 = arith.index_cast %add3A_1117 : i32 to index
        %get3A_1119 = tpu.vector_load %arg7[%get3A_1118] {strides = array<i32>} : memref<1280xi32, #tpu.memory_space<vmem>>, vector<16xi32>,
        %get3A_1120 = arith.index_cast %add3A_1117 : i32 to index
        %get3A_1121 = tpu.vector_load %arg6[%get3A_1120] {strides = array<i32>} : memref<1280xi32, #tpu.memory_space<vmem>>, vector<16xi32>,
        %sub3A_1122 = arith.subi %get3A_1119, %get3A_1121 : vector<16xi32>
        %convert_element_type3A_1123 = arith.sitofp %sub3A_1122 : vector<16xi32> to vector<16xf32>
        %div3A_1124 = arith.constant 1.000000e+04 : f32
        %div3A_1125 = vector.broadcast %div3A_1124 : f32 to vector<16xf32>
        %div3A_1126 = arith.divf %convert_element_type3A_1123, %div3A_1125 : vector<16xf32>
        %mul3A_1127 = arith.constant 1.000000e+02 : f32
        %mul3A_1128 = vector.broadcast %mul3A_1127 : f32 to vector<16xf32>
        %mul3A_1129 = arith.mulf %div3A_1126, %mul3A_1128 : vector<16xf32>
        %convert_element_type3A_1130 = arith.fptosi %mul3A_1129 : vector<16xf32> to vector<16xi32>
        %max3A_1131 = arith.constant 0 : i32
        %max3A_1132 = vector.broadcast %max3A_1131 : i32 to vector<16xi32>
        %max3A_1133 = arith.maxsi %convert_element_type3A_1130, %max3A_1132 : vector<16xi32>
        %swap3A_1134 = arith.constant 32 : index
        %swap3A_1135 = tpu.vector_load %arg8[%swap3A_1134] {strides = array<i32>} : memref<128xi32, #tpu.memory_space<vmem>>, vector<16xi32>,
        tpu.vector_store %arg8[%swap3A_1134], %max3A_1133 {strides = array<i32>} : memref<128xi32, #tpu.memory_space<vmem>>, vector<16xi32>,
        %add3A_1136 = arith.constant 48 : i32
        %add3A_1137 = arith.addi %mul3A_1075, %add3A_1136 : i32
        %get3A_1138 = arith.index_cast %add3A_1137 : i32 to index
        %get3A_1139 = tpu.vector_load %arg7[%get3A_1138] {strides = array<i32>} : memref<1280xi32, #tpu.memory_space<vmem>>, vector<16xi32>,
        %get3A_1140 = arith.index_cast %add3A_1137 : i32 to index
        %get3A_1141 = tpu.vector_load %arg6[%get3A_1140] {strides = array<i32>} : memref<1280xi32, #tpu.memory_space<vmem>>, vector<16xi32>,
        %sub3A_1142 = arith.subi %get3A_1139, %get3A_1141 : vector<16xi32>
        %convert_element_type3A_1143 = arith.sitofp %sub3A_1142 : vector<16xi32> to vector<16xf32>
        %div3A_1144 = arith.constant 1.000000e+04 : f32
        %div3A_1145 = vector.broadcast %div3A_1144 : f32 to vector<16xf32>
        %div3A_1146 = arith.divf %convert_element_type3A_1143, %div3A_1145 : vector<16xf32>
        %mul3A_1147 = arith.constant 1.000000e+02 : f32
        %mul3A_1148 = vector.broadcast %mul3A_1147 : f32 to vector<16xf32>
        %mul3A_1149 = arith.mulf %div3A_1146, %mul3A_1148 : vector<16xf32>
        %convert_element_type3A_1150 = arith.fptosi %mul3A_1149 : vector<16xf32> to vector<16xi32>
        %max3A_1151 = arith.constant 0 : i32
        %max3A_1152 = vector.broadcast %max3A_1151 : i32 to vector<16xi32>
        %max3A_1153 = arith.maxsi %convert_element_type3A_1150, %max3A_1152 : vector<16xi32>
        %swap3A_1154 = arith.constant 48 : index
        %swap3A_1155 = tpu.vector_load %arg8[%swap3A_1154] {strides = array<i32>} : memref<128xi32, #tpu.memory_space<vmem>>, vector<16xi32>,
        tpu.vector_store %arg8[%swap3A_1154], %max3A_1153 {strides = array<i32>} : memref<128xi32, #tpu.memory_space<vmem>>, vector<16xi32>,
        %add3A_1156 = arith.constant 64 : i32
        %add3A_1157 = arith.addi %mul3A_1075, %add3A_1156 : i32
        %get3A_1158 = arith.index_cast %add3A_1157 : i32 to index
        %get3A_1159 = tpu.vector_load %arg7[%get3A_1158] {strides = array<i32>} : memref<1280xi32, #tpu.memory_space<vmem>>, vector<16xi32>,
        %get3A_1160 = arith.index_cast %add3A_1157 : i32 to index
        %get3A_1161 = tpu.vector_load %arg6[%get3A_1160] {strides = array<i32>} : memref<1280xi32, #tpu.memory_space<vmem>>, vector<16xi32>,
        %sub3A_1162 = arith.subi %get3A_1159, %get3A_1161 : vector<16xi32>
        %convert_element_type3A_1163 = arith.sitofp %sub3A_1162 : vector<16xi32> to vector<16xf32>
        %div3A_1164 = arith.constant 1.000000e+04 : f32
        %div3A_1165 = vector.broadcast %div3A_1164 : f32 to vector<16xf32>
        %div3A_1166 = arith.divf %convert_element_type3A_1163, %div3A_1165 : vector<16xf32>
        %mul3A_1167 = arith.constant 1.000000e+02 : f32
        %mul3A_1168 = vector.broadcast %mul3A_1167 : f32 to vector<16xf32>
        %mul3A_1169 = arith.mulf %div3A_1166, %mul3A_1168 : vector<16xf32>
        %convert_element_type3A_1170 = arith.fptosi %mul3A_1169 : vector<16xf32> to vector<16xi32>
        %max3A_1171 = arith.constant 0 : i32
        %max3A_1172 = vector.broadcast %max3A_1171 : i32 to vector<16xi32>
        %max3A_1173 = arith.maxsi %convert_element_type3A_1170, %max3A_1172 : vector<16xi32>
        %swap3A_1174 = arith.constant 64 : index
        %swap3A_1175 = tpu.vector_load %arg8[%swap3A_1174] {strides = array<i32>} : memref<128xi32, #tpu.memory_space<vmem>>, vector<16xi32>,
        tpu.vector_store %arg8[%swap3A_1174], %max3A_1173 {strides = array<i32>} : memref<128xi32, #tpu.memory_space<vmem>>, vector<16xi32>,
        %add3A_1176 = arith.constant 80 : i32
        %add3A_1177 = arith.addi %mul3A_1075, %add3A_1176 : i32
        %get3A_1178 = arith.index_cast %add3A_1177 : i32 to index
        %get3A_1179 = tpu.vector_load %arg7[%get3A_1178] {strides = array<i32>} : memref<1280xi32, #tpu.memory_space<vmem>>, vector<16xi32>,
        %get3A_1180 = arith.index_cast %add3A_1177 : i32 to index
        %get3A_1181 = tpu.vector_load %arg6[%get3A_1180] {strides = array<i32>} : memref<1280xi32, #tpu.memory_space<vmem>>, vector<16xi32>,
        %sub3A_1182 = arith.subi %get3A_1179, %get3A_1181 : vector<16xi32>
        %convert_element_type3A_1183 = arith.sitofp %sub3A_1182 : vector<16xi32> to vector<16xf32>
        %div3A_1184 = arith.constant 1.000000e+04 : f32
        %div3A_1185 = vector.broadcast %div3A_1184 : f32 to vector<16xf32>
        %div3A_1186 = arith.divf %convert_element_type3A_1183, %div3A_1185 : vector<16xf32>
        %mul3A_1187 = arith.constant 1.000000e+02 : f32
        %mul3A_1188 = vector.broadcast %mul3A_1187 : f32 to vector<16xf32>
        %mul3A_1189 = arith.mulf %div3A_1186, %mul3A_1188 : vector<16xf32>
        %convert_element_type3A_1190 = arith.fptosi %mul3A_1189 : vector<16xf32> to vector<16xi32>
        %max3A_1191 = arith.constant 0 : i32
        %max3A_1192 = vector.broadcast %max3A_1191 : i32 to vector<16xi32>
        %max3A_1193 = arith.maxsi %convert_element_type3A_1190, %max3A_1192 : vector<16xi32>
        %swap3A_1194 = arith.constant 80 : index
        %swap3A_1195 = tpu.vector_load %arg8[%swap3A_1194] {strides = array<i32>} : memref<128xi32, #tpu.memory_space<vmem>>, vector<16xi32>,
        tpu.vector_store %arg8[%swap3A_1194], %max3A_1193 {strides = array<i32>} : memref<128xi32, #tpu.memory_space<vmem>>, vector<16xi32>,
        %add3A_1196 = arith.constant 96 : i32
        %add3A_1197 = arith.addi %mul3A_1075, %add3A_1196 : i32
        %get3A_1198 = arith.index_cast %add3A_1197 : i32 to index
        %get3A_1199 = tpu.vector_load %arg7[%get3A_1198] {strides = array<i32>} : memref<1280xi32, #tpu.memory_space<vmem>>, vector<16xi32>,
        %get3A_1200 = arith.index_cast %add3A_1197 : i32 to index
        %get3A_1201 = tpu.vector_load %arg6[%get3A_1200] {strides = array<i32>} : memref<1280xi32, #tpu.memory_space<vmem>>, vector<16xi32>,
        %sub3A_1202 = arith.subi %get3A_1199, %get3A_1201 : vector<16xi32>
        %convert_element_type3A_1203 = arith.sitofp %sub3A_1202 : vector<16xi32> to vector<16xf32>
        %div3A_1204 = arith.constant 1.000000e+04 : f32
        %div3A_1205 = vector.broadcast %div3A_1204 : f32 to vector<16xf32>
        %div3A_1206 = arith.divf %convert_element_type3A_1203, %div3A_1205 : vector<16xf32>
        %mul3A_1207 = arith.constant 1.000000e+02 : f32
        %mul3A_1208 = vector.broadcast %mul3A_1207 : f32 to vector<16xf32>
        %mul3A_1209 = arith.mulf %div3A_1206, %mul3A_1208 : vector<16xf32>
        %convert_element_type3A_1210 = arith.fptosi %mul3A_1209 : vector<16xf32> to vector<16xi32>
        %max3A_1211 = arith.constant 0 : i32
        %max3A_1212 = vector.broadcast %max3A_1211 : i32 to vector<16xi32>
        %max3A_1213 = arith.maxsi %convert_element_type3A_1210, %max3A_1212 : vector<16xi32>
        %swap3A_1214 = arith.constant 96 : index
        %swap3A_1215 = tpu.vector_load %arg8[%swap3A_1214] {strides = array<i32>} : memref<128xi32, #tpu.memory_space<vmem>>, vector<16xi32>,
        tpu.vector_store %arg8[%swap3A_1214], %max3A_1213 {strides = array<i32>} : memref<128xi32, #tpu.memory_space<vmem>>, vector<16xi32>,
        %add3A_1216 = arith.constant 112 : i32
        %add3A_1217 = arith.addi %mul3A_1075, %add3A_1216 : i32
        %get3A_1218 = arith.index_cast %add3A_1217 : i32 to index
        %get3A_1219 = tpu.vector_load %arg7[%get3A_1218] {strides = array<i32>} : memref<1280xi32, #tpu.memory_space<vmem>>, vector<16xi32>,
        %get3A_1220 = arith.index_cast %add3A_1217 : i32 to index
        %get3A_1221 = tpu.vector_load %arg6[%get3A_1220] {strides = array<i32>} : memref<1280xi32, #tpu.memory_space<vmem>>, vector<16xi32>,
        %sub3A_1222 = arith.subi %get3A_1219, %get3A_1221 : vector<16xi32>
        %convert_element_type3A_1223 = arith.sitofp %sub3A_1222 : vector<16xi32> to vector<16xf32>
        %div3A_1224 = arith.constant 1.000000e+04 : f32
        %div3A_1225 = vector.broadcast %div3A_1224 : f32 to vector<16xf32>
        %div3A_1226 = arith.divf %convert_element_type3A_1223, %div3A_1225 : vector<16xf32>
        %mul3A_1227 = arith.constant 1.000000e+02 : f32
        %mul3A_1228 = vector.broadcast %mul3A_1227 : f32 to vector<16xf32>
        %mul3A_1229 = arith.mulf %div3A_1226, %mul3A_1228 : vector<16xf32>
        %convert_element_type3A_1230 = arith.fptosi %mul3A_1229 : vector<16xf32> to vector<16xi32>
        %max3A_1231 = arith.constant 0 : i32
        %max3A_1232 = vector.broadcast %max3A_1231 : i32 to vector<16xi32>
        %max3A_1233 = arith.maxsi %convert_element_type3A_1230, %max3A_1232 : vector<16xi32>
        %swap3A_1234 = arith.constant 112 : index
        %swap3A_1235 = tpu.vector_load %arg8[%swap3A_1234] {strides = array<i32>} : memref<128xi32, #tpu.memory_space<vmem>>, vector<16xi32>,
        tpu.vector_store %arg8[%swap3A_1234], %max3A_1233 {strides = array<i32>} : memref<128xi32, #tpu.memory_space<vmem>>, vector<16xi32>,
        %add3A_1236 = arith.constant 0 : i32
        %add3A_1237 = vector.broadcast %add3A_1236 : i32 to vector<16xi32>
        %add3A_1238 = arith.addi %mul3A_9, %add3A_1237 : vector<16xi32>
        %gather3A_1239 = tpu.vector_load_idx %arg8[%add3A_1238] : memref<128xi32, #tpu.memory_space<vmem>>[vector<16xi32>], vector<16xi32>,
        %add3A_1240 = arith.constant 1 : i32
        %add3A_1241 = vector.broadcast %add3A_1240 : i32 to vector<16xi32>
        %add3A_1242 = arith.addi %mul3A_9, %add3A_1241 : vector<16xi32>
        %gather3A_1243 = tpu.vector_load_idx %arg8[%add3A_1242] : memref<128xi32, #tpu.memory_space<vmem>>[vector<16xi32>], vector<16xi32>,
        %mul3A_1244 = arith.constant 101 : i32
        %mul3A_1245 = vector.broadcast %mul3A_1244 : i32 to vector<16xi32>
        %mul3A_1246 = arith.muli %gather3A_1239, %mul3A_1245 : vector<16xi32>
        %add3A_1247 = arith.addi %mul3A_1246, %gather3A_1243 : vector<16xi32>
        %swap3A_1248 = arith.constant 0 : index
        %swap3A_1249 = tpu.vector_load %arg9[%swap3A_1248] {strides = array<i32>} : memref<64xi32, #tpu.memory_space<vmem>>, vector<16xi32>,
        tpu.vector_store %arg9[%swap3A_1248], %add3A_1247 {strides = array<i32>} : memref<64xi32, #tpu.memory_space<vmem>>, vector<16xi32>,
        %add3A_1250 = arith.constant 32 : i32
        %add3A_1251 = vector.broadcast %add3A_1250 : i32 to vector<16xi32>
        %add3A_1252 = arith.addi %mul3A_9, %add3A_1251 : vector<16xi32>
        %gather3A_1253 = tpu.vector_load_idx %arg8[%add3A_1252] : memref<128xi32, #tpu.memory_space<vmem>>[vector<16xi32>], vector<16xi32>,
        %add3A_1254 = arith.constant 33 : i32
        %add3A_1255 = vector.broadcast %add3A_1254 : i32 to vector<16xi32>
        %add3A_1256 = arith.addi %mul3A_9, %add3A_1255 : vector<16xi32>
        %gather3A_1257 = tpu.vector_load_idx %arg8[%add3A_1256] : memref<128xi32, #tpu.memory_space<vmem>>[vector<16xi32>], vector<16xi32>,
        %mul3A_1258 = arith.constant 101 : i32
        %mul3A_1259 = vector.broadcast %mul3A_1258 : i32 to vector<16xi32>
        %mul3A_1260 = arith.muli %gather3A_1253, %mul3A_1259 : vector<16xi32>
        %add3A_1261 = arith.addi %mul3A_1260, %gather3A_1257 : vector<16xi32>
        %swap3A_1262 = arith.constant 16 : index
        %swap3A_1263 = tpu.vector_load %arg9[%swap3A_1262] {strides = array<i32>} : memref<64xi32, #tpu.memory_space<vmem>>, vector<16xi32>,
        tpu.vector_store %arg9[%swap3A_1262], %add3A_1261 {strides = array<i32>} : memref<64xi32, #tpu.memory_space<vmem>>, vector<16xi32>,
        %add3A_1264 = arith.constant 64 : i32
        %add3A_1265 = vector.broadcast %add3A_1264 : i32 to vector<16xi32>
        %add3A_1266 = arith.addi %mul3A_9, %add3A_1265 : vector<16xi32>
        %gather3A_1267 = tpu.vector_load_idx %arg8[%add3A_1266] : memref<128xi32, #tpu.memory_space<vmem>>[vector<16xi32>], vector<16xi32>,
        %add3A_1268 = arith.constant 65 : i32
        %add3A_1269 = vector.broadcast %add3A_1268 : i32 to vector<16xi32>
        %add3A_1270 = arith.addi %mul3A_9, %add3A_1269 : vector<16xi32>
        %gather3A_1271 = tpu.vector_load_idx %arg8[%add3A_1270] : memref<128xi32, #tpu.memory_space<vmem>>[vector<16xi32>], vector<16xi32>,
        %mul3A_1272 = arith.constant 101 : i32
        %mul3A_1273 = vector.broadcast %mul3A_1272 : i32 to vector<16xi32>
        %mul3A_1274 = arith.muli %gather3A_1267, %mul3A_1273 : vector<16xi32>
        %add3A_1275 = arith.addi %mul3A_1274, %gather3A_1271 : vector<16xi32>
        %swap3A_1276 = arith.constant 32 : index
        %swap3A_1277 = tpu.vector_load %arg9[%swap3A_1276] {strides = array<i32>} : memref<64xi32, #tpu.memory_space<vmem>>, vector<16xi32>,
        tpu.vector_store %arg9[%swap3A_1276], %add3A_1275 {strides = array<i32>} : memref<64xi32, #tpu.memory_space<vmem>>, vector<16xi32>,
        %add3A_1278 = arith.constant 96 : i32
        %add3A_1279 = vector.broadcast %add3A_1278 : i32 to vector<16xi32>
        %add3A_1280 = arith.addi %mul3A_9, %add3A_1279 : vector<16xi32>
        %gather3A_1281 = tpu.vector_load_idx %arg8[%add3A_1280] : memref<128xi32, #tpu.memory_space<vmem>>[vector<16xi32>], vector<16xi32>,
        %add3A_1282 = arith.constant 97 : i32
        %add3A_1283 = vector.broadcast %add3A_1282 : i32 to vector<16xi32>
        %add3A_1284 = arith.addi %mul3A_9, %add3A_1283 : vector<16xi32>
        %gather3A_1285 = tpu.vector_load_idx %arg8[%add3A_1284] : memref<128xi32, #tpu.memory_space<vmem>>[vector<16xi32>], vector<16xi32>,
        %mul3A_1286 = arith.constant 101 : i32
        %mul3A_1287 = vector.broadcast %mul3A_1286 : i32 to vector<16xi32>
        %mul3A_1288 = arith.muli %gather3A_1281, %mul3A_1287 : vector<16xi32>
        %add3A_1289 = arith.addi %mul3A_1288, %gather3A_1285 : vector<16xi32>
        %swap3A_1290 = arith.constant 48 : index
        %swap3A_1291 = tpu.vector_load %arg9[%swap3A_1290] {strides = array<i32>} : memref<64xi32, #tpu.memory_space<vmem>>, vector<16xi32>,
        tpu.vector_store %arg9[%swap3A_1290], %add3A_1289 {strides = array<i32>} : memref<64xi32, #tpu.memory_space<vmem>>, vector<16xi32>,
        %dma_start3A_1292 = arith.constant 0 : i32
        %dma_start3A_1293 = arith.constant 0 : i32
        %dma_start3A_1294 = tpu.memref_slice %arg17[%dma_start3A_1292, %dma_start3A_1293] : memref<10201x128xf32, #tpu.memory_space<vmem_shared>> -> memref<10201x128xf32, #tpu.memory_space<vmem_shared>>
        tpu.enqueue_indirect_dma source(%dma_start3A_1294 : memref<10201x128xf32, #tpu.memory_space<vmem_shared>>) target(%arg13 : memref<64x128xf32, #tpu.memory_space<vmem>>) offsets(%arg9 : memref<64xi32, #tpu.memory_space<vmem>>) semaphore(%arg18 : memref<!tpu.dma_semaphore, #tpu.memory_space<semaphore_mem>>)
      } else {
      }
      %dma_wait3A_994 = arith.constant 0 : i32
      %dma_wait3A_995 = arith.constant 0 : i32
      %dma_wait3A_996 = tpu.memref_slice %arg5[%dma_wait3A_994, %dma_wait3A_995] : memref<204800x128xf32, #tpu.memory_space<hbm>> -> memref<64x128xf32, #tpu.memory_space<hbm>>
      %dma_wait3A_997 = arith.constant 0 : i32
      %dma_wait3A_998 = arith.constant 0 : i32
      %dma_wait3A_999 = tpu.memref_slice %arg5[%dma_wait3A_997, %dma_wait3A_998] : memref<204800x128xf32, #tpu.memory_space<hbm>> -> memref<64x128xf32, #tpu.memory_space<hbm>>
      tpu.wait_dma2 semaphore(%arg20 : memref<!tpu.dma_semaphore, #tpu.memory_space<semaphore_mem>>) src(%dma_wait3A_999 : memref<64x128xf32, #tpu.memory_space<hbm>>) dst(%arg15 : memref<64x128xf32, #tpu.memory_space<vmem>>)
      %mul3A_1000 = arith.constant 64 : i32
      %mul3A_1001 = arith.muli %add3A_984, %mul3A_1000 : i32
      %add3A_1002 = arith.addi %mul3A_4, %mul3A_1001 : i32
      %dma_start3A_1003 = arith.constant 0 : i32
      %dma_start3A_1004 = tpu.memref_slice %arg5[%add3A_1002, %dma_start3A_1003] : memref<204800x128xf32, #tpu.memory_space<hbm>> -> memref<64x128xf32, #tpu.memory_space<hbm>>
      %dma_start3A_1005 = arith.constant 0 : i32
      %dma_start3A_1006 = tpu.memref_slice %arg5[%add3A_1002, %dma_start3A_1005] : memref<204800x128xf32, #tpu.memory_space<hbm>> -> memref<64x128xf32, #tpu.memory_space<hbm>>
      tpu.enqueue_dma source(%arg15 : memref<64x128xf32, #tpu.memory_space<vmem>>) target(%dma_start3A_1006 : memref<64x128xf32, #tpu.memory_space<hbm>>) target_semaphore(%arg24 : memref<!tpu.dma_semaphore, #tpu.memory_space<semaphore_mem>>)
      %add3A_1007 = arith.constant 3 : i32
      %add3A_1008 = arith.addi %mul3A_429, %add3A_1007 : i32
      %add3A_1009 = arith.constant 2 : i32
      %add3A_1010 = arith.addi %add3A_1008, %add3A_1009 : i32
      %add3A_1011 = arith.constant 1 : i32
      %add3A_1012 = arith.addi %scan3A_427, %add3A_1011 : i32
      %lt3A_1013 = arith.constant 25 : i32
      %lt3A_1014 = arith.cmpi slt, %add3A_1012, %lt3A_1013 : i32
      %convert_element_type3A_1015 = arith.extui %lt3A_1014 : i1 to i32
      %cond3A_1016 = arith.constant 0 : i32
      %cond3A_1017 = arith.cmpi ne, %convert_element_type3A_1015, %cond3A_1016 : i32
      scf.if %cond3A_1017 {
        %jit3A_1031 = arith.constant 10 : i32
        %eq3A_1032 = arith.constant 0 : i32
        %eq3A_1033 = arith.cmpi eq, %jit3A_1031, %eq3A_1032 : i32
        %jit3A_1034 = arith.constant 1 : i32
        %select_n3A_1035 = arith.select %eq3A_1033, %jit3A_1034, %jit3A_1031 : i32
        %rem3A_1036 = arith.remsi %add3A_1010, %select_n3A_1035 : i32
        %ne3A_1037 = arith.constant 0 : i32
        %ne3A_1038 = arith.cmpi ne, %rem3A_1036, %ne3A_1037 : i32
        %lt3A_1039 = arith.constant 0 : i32
        %lt3A_1040 = arith.cmpi slt, %rem3A_1036, %lt3A_1039 : i32
        %lt3A_1041 = arith.constant 0 : i32
        %lt3A_1042 = arith.cmpi slt, %select_n3A_1035, %lt3A_1041 : i32
        %ne3A_1043 = arith.xori %lt3A_1040, %lt3A_1042 : i1
        %and3A_1044 = arith.andi %ne3A_1043, %ne3A_1038 : i1
        %add3A_1045 = arith.addi %rem3A_1036, %select_n3A_1035 : i32
        %select_n3A_1046 = arith.select %and3A_1044, %add3A_1045, %rem3A_1036 : i32
        %eq3A_1047 = arith.constant 0 : i32
        %eq3A_1048 = arith.cmpi eq, %select_n3A_1046, %eq3A_1047 : i32
        %convert_element_type3A_1049 = arith.extui %eq3A_1048 : i1 to i32
        %cond3A_1050 = arith.constant 0 : i32
        %cond3A_1051 = arith.cmpi ne, %convert_element_type3A_1049, %cond3A_1050 : i32
        scf.if %cond3A_1051 {
          %jit3A_1295 = arith.constant 10 : i32
          %div3A_1296 = arith.divsi %add3A_1010, %jit3A_1295 : i32
          %sign3A = arith.constant 0 : i32
          %sign3A_1297 = arith.cmpi sgt, %add3A_1010, %sign3A : i32
          %sign3A_1298 = arith.extui %sign3A_1297 : i1 to i32
          %sign3A_1299 = arith.constant 0 : i32
          %sign3A_1300 = arith.cmpi slt, %add3A_1010, %sign3A_1299 : i32
          %sign3A_1301 = arith.extui %sign3A_1300 : i1 to i32
          %sign3A_1302 = arith.subi %sign3A_1298, %sign3A_1301 : i32
          %sign3A_1303 = arith.constant 0 : i32
          %sign3A_1304 = arith.cmpi sgt, %jit3A_1295, %sign3A_1303 : i32
          %sign3A_1305 = arith.extui %sign3A_1304 : i1 to i32
          %sign3A_1306 = arith.constant 0 : i32
          %sign3A_1307 = arith.cmpi slt, %jit3A_1295, %sign3A_1306 : i32
          %sign3A_1308 = arith.extui %sign3A_1307 : i1 to i32
          %sign3A_1309 = arith.subi %sign3A_1305, %sign3A_1308 : i32
          %ne3A_1310 = arith.cmpi ne, %sign3A_1302, %sign3A_1309 : i32
          %rem3A_1311 = arith.remsi %add3A_1010, %jit3A_1295 : i32
          %ne3A_1312 = arith.constant 0 : i32
          %ne3A_1313 = arith.cmpi ne, %rem3A_1311, %ne3A_1312 : i32
          %and3A_1314 = arith.andi %ne3A_1310, %ne3A_1313 : i1
          %sub3A_1315 = arith.constant 1 : i32
          %sub3A_1316 = arith.subi %div3A_1296, %sub3A_1315 : i32
          %select_n3A_1317 = arith.select %and3A_1314, %sub3A_1316, %div3A_1296 : i32
          %mul3A_1318 = arith.constant 1280 : i32
          %mul3A_1319 = arith.muli %select_n3A_1317, %mul3A_1318 : i32
          %add3A_1320 = arith.addi %mul3A_2, %mul3A_1319 : i32
          "tpu.region"() ({
            %run_scoped3A = tpu.sem_alloc : memref<!tpu.dma_semaphore, #tpu.memory_space<semaphore_mem>>
            %dma_start3A_1321 = tpu.memref_slice %arg2[%add3A_1320] : memref<409600xi32, #tpu.memory_space<hbm>> -> memref<1280xi32, #tpu.memory_space<hbm>>
            %dma_start3A_1322 = tpu.memref_slice %arg2[%add3A_1320] : memref<409600xi32, #tpu.memory_space<hbm>> -> memref<1280xi32, #tpu.memory_space<hbm>>
            tpu.enqueue_dma source(%dma_start3A_1322 : memref<1280xi32, #tpu.memory_space<hbm>>) target(%arg6 : memref<1280xi32, #tpu.memory_space<vmem>>) target_semaphore(%run_scoped3A : memref<!tpu.dma_semaphore, #tpu.memory_space<semaphore_mem>>)
            %dma_wait3A_1323 = tpu.memref_slice %arg2[%add3A_1320] : memref<409600xi32, #tpu.memory_space<hbm>> -> memref<1280xi32, #tpu.memory_space<hbm>>
            %dma_wait3A_1324 = tpu.memref_slice %arg2[%add3A_1320] : memref<409600xi32, #tpu.memory_space<hbm>> -> memref<1280xi32, #tpu.memory_space<hbm>>
            tpu.wait_dma2 semaphore(%run_scoped3A : memref<!tpu.dma_semaphore, #tpu.memory_space<semaphore_mem>>) src(%dma_wait3A_1324 : memref<1280xi32, #tpu.memory_space<hbm>>) dst(%arg6 : memref<1280xi32, #tpu.memory_space<vmem>>)
            tpu.yield
          }) : () -> ()
          "tpu.region"() ({
            %run_scoped3A = tpu.sem_alloc : memref<!tpu.dma_semaphore, #tpu.memory_space<semaphore_mem>>
            %dma_start3A_1321 = tpu.memref_slice %arg3[%add3A_1320] : memref<409600xi32, #tpu.memory_space<hbm>> -> memref<1280xi32, #tpu.memory_space<hbm>>
            %dma_start3A_1322 = tpu.memref_slice %arg3[%add3A_1320] : memref<409600xi32, #tpu.memory_space<hbm>> -> memref<1280xi32, #tpu.memory_space<hbm>>
            tpu.enqueue_dma source(%dma_start3A_1322 : memref<1280xi32, #tpu.memory_space<hbm>>) target(%arg7 : memref<1280xi32, #tpu.memory_space<vmem>>) target_semaphore(%run_scoped3A : memref<!tpu.dma_semaphore, #tpu.memory_space<semaphore_mem>>)
            %dma_wait3A_1323 = tpu.memref_slice %arg3[%add3A_1320] : memref<409600xi32, #tpu.memory_space<hbm>> -> memref<1280xi32, #tpu.memory_space<hbm>>
            %dma_wait3A_1324 = tpu.memref_slice %arg3[%add3A_1320] : memref<409600xi32, #tpu.memory_space<hbm>> -> memref<1280xi32, #tpu.memory_space<hbm>>
            tpu.wait_dma2 semaphore(%run_scoped3A : memref<!tpu.dma_semaphore, #tpu.memory_space<semaphore_mem>>) src(%dma_wait3A_1324 : memref<1280xi32, #tpu.memory_space<hbm>>) dst(%arg7 : memref<1280xi32, #tpu.memory_space<vmem>>)
            tpu.yield
          }) : () -> ()
        } else {
        }
        %dma_wait3A_1052 = arith.constant 0 : i32
        %dma_wait3A_1053 = arith.constant 0 : i32
        %dma_wait3A_1054 = tpu.memref_slice %arg5[%dma_wait3A_1052, %dma_wait3A_1053] : memref<204800x128xf32, #tpu.memory_space<hbm>> -> memref<64x128xf32, #tpu.memory_space<hbm>>
        %dma_wait3A_1055 = arith.constant 0 : i32
        %dma_wait3A_1056 = arith.constant 0 : i32
        %dma_wait3A_1057 = tpu.memref_slice %arg5[%dma_wait3A_1055, %dma_wait3A_1056] : memref<204800x128xf32, #tpu.memory_space<hbm>> -> memref<64x128xf32, #tpu.memory_space<hbm>>
        tpu.wait_dma2 semaphore(%arg23 : memref<!tpu.dma_semaphore, #tpu.memory_space<semaphore_mem>>) src(%arg14 : memref<64x128xf32, #tpu.memory_space<vmem>>) dst(%dma_wait3A_1057 : memref<64x128xf32, #tpu.memory_space<hbm>>)
        %jit3A_1058 = arith.constant 10 : i32
        %eq3A_1059 = arith.constant 0 : i32
        %eq3A_1060 = arith.cmpi eq, %jit3A_1058, %eq3A_1059 : i32
        %jit3A_1061 = arith.constant 1 : i32
        %select_n3A_1062 = arith.select %eq3A_1060, %jit3A_1061, %jit3A_1058 : i32
        %rem3A_1063 = arith.remsi %add3A_1010, %select_n3A_1062 : i32
        %ne3A_1064 = arith.constant 0 : i32
        %ne3A_1065 = arith.cmpi ne, %rem3A_1063, %ne3A_1064 : i32
        %lt3A_1066 = arith.constant 0 : i32
        %lt3A_1067 = arith.cmpi slt, %rem3A_1063, %lt3A_1066 : i32
        %lt3A_1068 = arith.constant 0 : i32
        %lt3A_1069 = arith.cmpi slt, %select_n3A_1062, %lt3A_1068 : i32
        %ne3A_1070 = arith.xori %lt3A_1067, %lt3A_1069 : i1
        %and3A_1071 = arith.andi %ne3A_1070, %ne3A_1065 : i1
        %add3A_1072 = arith.addi %rem3A_1063, %select_n3A_1062 : i32
        %select_n3A_1073 = arith.select %and3A_1071, %add3A_1072, %rem3A_1063 : i32
        %mul3A_1074 = arith.constant 128 : i32
        %mul3A_1075 = arith.muli %select_n3A_1073, %mul3A_1074 : i32
        %add3A_1076 = arith.constant 0 : i32
        %add3A_1077 = arith.addi %mul3A_1075, %add3A_1076 : i32
        %get3A_1078 = arith.index_cast %add3A_1077 : i32 to index
        %get3A_1079 = tpu.vector_load %arg7[%get3A_1078] {strides = array<i32>} : memref<1280xi32, #tpu.memory_space<vmem>>, vector<16xi32>,
        %get3A_1080 = arith.index_cast %add3A_1077 : i32 to index
        %get3A_1081 = tpu.vector_load %arg6[%get3A_1080] {strides = array<i32>} : memref<1280xi32, #tpu.memory_space<vmem>>, vector<16xi32>,
        %sub3A_1082 = arith.subi %get3A_1079, %get3A_1081 : vector<16xi32>
        %convert_element_type3A_1083 = arith.sitofp %sub3A_1082 : vector<16xi32> to vector<16xf32>
        %div3A_1084 = arith.constant 1.000000e+04 : f32
        %div3A_1085 = vector.broadcast %div3A_1084 : f32 to vector<16xf32>
        %div3A_1086 = arith.divf %convert_element_type3A_1083, %div3A_1085 : vector<16xf32>
        %mul3A_1087 = arith.constant 1.000000e+02 : f32
        %mul3A_1088 = vector.broadcast %mul3A_1087 : f32 to vector<16xf32>
        %mul3A_1089 = arith.mulf %div3A_1086, %mul3A_1088 : vector<16xf32>
        %convert_element_type3A_1090 = arith.fptosi %mul3A_1089 : vector<16xf32> to vector<16xi32>
        %max3A_1091 = arith.constant 0 : i32
        %max3A_1092 = vector.broadcast %max3A_1091 : i32 to vector<16xi32>
        %max3A_1093 = arith.maxsi %convert_element_type3A_1090, %max3A_1092 : vector<16xi32>
        %swap3A_1094 = arith.constant 0 : index
        %swap3A_1095 = tpu.vector_load %arg8[%swap3A_1094] {strides = array<i32>} : memref<128xi32, #tpu.memory_space<vmem>>, vector<16xi32>,
        tpu.vector_store %arg8[%swap3A_1094], %max3A_1093 {strides = array<i32>} : memref<128xi32, #tpu.memory_space<vmem>>, vector<16xi32>,
        %add3A_1096 = arith.constant 16 : i32
        %add3A_1097 = arith.addi %mul3A_1075, %add3A_1096 : i32
        %get3A_1098 = arith.index_cast %add3A_1097 : i32 to index
        %get3A_1099 = tpu.vector_load %arg7[%get3A_1098] {strides = array<i32>} : memref<1280xi32, #tpu.memory_space<vmem>>, vector<16xi32>,
        %get3A_1100 = arith.index_cast %add3A_1097 : i32 to index
        %get3A_1101 = tpu.vector_load %arg6[%get3A_1100] {strides = array<i32>} : memref<1280xi32, #tpu.memory_space<vmem>>, vector<16xi32>,
        %sub3A_1102 = arith.subi %get3A_1099, %get3A_1101 : vector<16xi32>
        %convert_element_type3A_1103 = arith.sitofp %sub3A_1102 : vector<16xi32> to vector<16xf32>
        %div3A_1104 = arith.constant 1.000000e+04 : f32
        %div3A_1105 = vector.broadcast %div3A_1104 : f32 to vector<16xf32>
        %div3A_1106 = arith.divf %convert_element_type3A_1103, %div3A_1105 : vector<16xf32>
        %mul3A_1107 = arith.constant 1.000000e+02 : f32
        %mul3A_1108 = vector.broadcast %mul3A_1107 : f32 to vector<16xf32>
        %mul3A_1109 = arith.mulf %div3A_1106, %mul3A_1108 : vector<16xf32>
        %convert_element_type3A_1110 = arith.fptosi %mul3A_1109 : vector<16xf32> to vector<16xi32>
        %max3A_1111 = arith.constant 0 : i32
        %max3A_1112 = vector.broadcast %max3A_1111 : i32 to vector<16xi32>
        %max3A_1113 = arith.maxsi %convert_element_type3A_1110, %max3A_1112 : vector<16xi32>
        %swap3A_1114 = arith.constant 16 : index
        %swap3A_1115 = tpu.vector_load %arg8[%swap3A_1114] {strides = array<i32>} : memref<128xi32, #tpu.memory_space<vmem>>, vector<16xi32>,
        tpu.vector_store %arg8[%swap3A_1114], %max3A_1113 {strides = array<i32>} : memref<128xi32, #tpu.memory_space<vmem>>, vector<16xi32>,
        %add3A_1116 = arith.constant 32 : i32
        %add3A_1117 = arith.addi %mul3A_1075, %add3A_1116 : i32
        %get3A_1118 = arith.index_cast %add3A_1117 : i32 to index
        %get3A_1119 = tpu.vector_load %arg7[%get3A_1118] {strides = array<i32>} : memref<1280xi32, #tpu.memory_space<vmem>>, vector<16xi32>,
        %get3A_1120 = arith.index_cast %add3A_1117 : i32 to index
        %get3A_1121 = tpu.vector_load %arg6[%get3A_1120] {strides = array<i32>} : memref<1280xi32, #tpu.memory_space<vmem>>, vector<16xi32>,
        %sub3A_1122 = arith.subi %get3A_1119, %get3A_1121 : vector<16xi32>
        %convert_element_type3A_1123 = arith.sitofp %sub3A_1122 : vector<16xi32> to vector<16xf32>
        %div3A_1124 = arith.constant 1.000000e+04 : f32
        %div3A_1125 = vector.broadcast %div3A_1124 : f32 to vector<16xf32>
        %div3A_1126 = arith.divf %convert_element_type3A_1123, %div3A_1125 : vector<16xf32>
        %mul3A_1127 = arith.constant 1.000000e+02 : f32
        %mul3A_1128 = vector.broadcast %mul3A_1127 : f32 to vector<16xf32>
        %mul3A_1129 = arith.mulf %div3A_1126, %mul3A_1128 : vector<16xf32>
        %convert_element_type3A_1130 = arith.fptosi %mul3A_1129 : vector<16xf32> to vector<16xi32>
        %max3A_1131 = arith.constant 0 : i32
        %max3A_1132 = vector.broadcast %max3A_1131 : i32 to vector<16xi32>
        %max3A_1133 = arith.maxsi %convert_element_type3A_1130, %max3A_1132 : vector<16xi32>
        %swap3A_1134 = arith.constant 32 : index
        %swap3A_1135 = tpu.vector_load %arg8[%swap3A_1134] {strides = array<i32>} : memref<128xi32, #tpu.memory_space<vmem>>, vector<16xi32>,
        tpu.vector_store %arg8[%swap3A_1134], %max3A_1133 {strides = array<i32>} : memref<128xi32, #tpu.memory_space<vmem>>, vector<16xi32>,
        %add3A_1136 = arith.constant 48 : i32
        %add3A_1137 = arith.addi %mul3A_1075, %add3A_1136 : i32
        %get3A_1138 = arith.index_cast %add3A_1137 : i32 to index
        %get3A_1139 = tpu.vector_load %arg7[%get3A_1138] {strides = array<i32>} : memref<1280xi32, #tpu.memory_space<vmem>>, vector<16xi32>,
        %get3A_1140 = arith.index_cast %add3A_1137 : i32 to index
        %get3A_1141 = tpu.vector_load %arg6[%get3A_1140] {strides = array<i32>} : memref<1280xi32, #tpu.memory_space<vmem>>, vector<16xi32>,
        %sub3A_1142 = arith.subi %get3A_1139, %get3A_1141 : vector<16xi32>
        %convert_element_type3A_1143 = arith.sitofp %sub3A_1142 : vector<16xi32> to vector<16xf32>
        %div3A_1144 = arith.constant 1.000000e+04 : f32
        %div3A_1145 = vector.broadcast %div3A_1144 : f32 to vector<16xf32>
        %div3A_1146 = arith.divf %convert_element_type3A_1143, %div3A_1145 : vector<16xf32>
        %mul3A_1147 = arith.constant 1.000000e+02 : f32
        %mul3A_1148 = vector.broadcast %mul3A_1147 : f32 to vector<16xf32>
        %mul3A_1149 = arith.mulf %div3A_1146, %mul3A_1148 : vector<16xf32>
        %convert_element_type3A_1150 = arith.fptosi %mul3A_1149 : vector<16xf32> to vector<16xi32>
        %max3A_1151 = arith.constant 0 : i32
        %max3A_1152 = vector.broadcast %max3A_1151 : i32 to vector<16xi32>
        %max3A_1153 = arith.maxsi %convert_element_type3A_1150, %max3A_1152 : vector<16xi32>
        %swap3A_1154 = arith.constant 48 : index
        %swap3A_1155 = tpu.vector_load %arg8[%swap3A_1154] {strides = array<i32>} : memref<128xi32, #tpu.memory_space<vmem>>, vector<16xi32>,
        tpu.vector_store %arg8[%swap3A_1154], %max3A_1153 {strides = array<i32>} : memref<128xi32, #tpu.memory_space<vmem>>, vector<16xi32>,
        %add3A_1156 = arith.constant 64 : i32
        %add3A_1157 = arith.addi %mul3A_1075, %add3A_1156 : i32
        %get3A_1158 = arith.index_cast %add3A_1157 : i32 to index
        %get3A_1159 = tpu.vector_load %arg7[%get3A_1158] {strides = array<i32>} : memref<1280xi32, #tpu.memory_space<vmem>>, vector<16xi32>,
        %get3A_1160 = arith.index_cast %add3A_1157 : i32 to index
        %get3A_1161 = tpu.vector_load %arg6[%get3A_1160] {strides = array<i32>} : memref<1280xi32, #tpu.memory_space<vmem>>, vector<16xi32>,
        %sub3A_1162 = arith.subi %get3A_1159, %get3A_1161 : vector<16xi32>
        %convert_element_type3A_1163 = arith.sitofp %sub3A_1162 : vector<16xi32> to vector<16xf32>
        %div3A_1164 = arith.constant 1.000000e+04 : f32
        %div3A_1165 = vector.broadcast %div3A_1164 : f32 to vector<16xf32>
        %div3A_1166 = arith.divf %convert_element_type3A_1163, %div3A_1165 : vector<16xf32>
        %mul3A_1167 = arith.constant 1.000000e+02 : f32
        %mul3A_1168 = vector.broadcast %mul3A_1167 : f32 to vector<16xf32>
        %mul3A_1169 = arith.mulf %div3A_1166, %mul3A_1168 : vector<16xf32>
        %convert_element_type3A_1170 = arith.fptosi %mul3A_1169 : vector<16xf32> to vector<16xi32>
        %max3A_1171 = arith.constant 0 : i32
        %max3A_1172 = vector.broadcast %max3A_1171 : i32 to vector<16xi32>
        %max3A_1173 = arith.maxsi %convert_element_type3A_1170, %max3A_1172 : vector<16xi32>
        %swap3A_1174 = arith.constant 64 : index
        %swap3A_1175 = tpu.vector_load %arg8[%swap3A_1174] {strides = array<i32>} : memref<128xi32, #tpu.memory_space<vmem>>, vector<16xi32>,
        tpu.vector_store %arg8[%swap3A_1174], %max3A_1173 {strides = array<i32>} : memref<128xi32, #tpu.memory_space<vmem>>, vector<16xi32>,
        %add3A_1176 = arith.constant 80 : i32
        %add3A_1177 = arith.addi %mul3A_1075, %add3A_1176 : i32
        %get3A_1178 = arith.index_cast %add3A_1177 : i32 to index
        %get3A_1179 = tpu.vector_load %arg7[%get3A_1178] {strides = array<i32>} : memref<1280xi32, #tpu.memory_space<vmem>>, vector<16xi32>,
        %get3A_1180 = arith.index_cast %add3A_1177 : i32 to index
        %get3A_1181 = tpu.vector_load %arg6[%get3A_1180] {strides = array<i32>} : memref<1280xi32, #tpu.memory_space<vmem>>, vector<16xi32>,
        %sub3A_1182 = arith.subi %get3A_1179, %get3A_1181 : vector<16xi32>
        %convert_element_type3A_1183 = arith.sitofp %sub3A_1182 : vector<16xi32> to vector<16xf32>
        %div3A_1184 = arith.constant 1.000000e+04 : f32
        %div3A_1185 = vector.broadcast %div3A_1184 : f32 to vector<16xf32>
        %div3A_1186 = arith.divf %convert_element_type3A_1183, %div3A_1185 : vector<16xf32>
        %mul3A_1187 = arith.constant 1.000000e+02 : f32
        %mul3A_1188 = vector.broadcast %mul3A_1187 : f32 to vector<16xf32>
        %mul3A_1189 = arith.mulf %div3A_1186, %mul3A_1188 : vector<16xf32>
        %convert_element_type3A_1190 = arith.fptosi %mul3A_1189 : vector<16xf32> to vector<16xi32>
        %max3A_1191 = arith.constant 0 : i32
        %max3A_1192 = vector.broadcast %max3A_1191 : i32 to vector<16xi32>
        %max3A_1193 = arith.maxsi %convert_element_type3A_1190, %max3A_1192 : vector<16xi32>
        %swap3A_1194 = arith.constant 80 : index
        %swap3A_1195 = tpu.vector_load %arg8[%swap3A_1194] {strides = array<i32>} : memref<128xi32, #tpu.memory_space<vmem>>, vector<16xi32>,
        tpu.vector_store %arg8[%swap3A_1194], %max3A_1193 {strides = array<i32>} : memref<128xi32, #tpu.memory_space<vmem>>, vector<16xi32>,
        %add3A_1196 = arith.constant 96 : i32
        %add3A_1197 = arith.addi %mul3A_1075, %add3A_1196 : i32
        %get3A_1198 = arith.index_cast %add3A_1197 : i32 to index
        %get3A_1199 = tpu.vector_load %arg7[%get3A_1198] {strides = array<i32>} : memref<1280xi32, #tpu.memory_space<vmem>>, vector<16xi32>,
        %get3A_1200 = arith.index_cast %add3A_1197 : i32 to index
        %get3A_1201 = tpu.vector_load %arg6[%get3A_1200] {strides = array<i32>} : memref<1280xi32, #tpu.memory_space<vmem>>, vector<16xi32>,
        %sub3A_1202 = arith.subi %get3A_1199, %get3A_1201 : vector<16xi32>
        %convert_element_type3A_1203 = arith.sitofp %sub3A_1202 : vector<16xi32> to vector<16xf32>
        %div3A_1204 = arith.constant 1.000000e+04 : f32
        %div3A_1205 = vector.broadcast %div3A_1204 : f32 to vector<16xf32>
        %div3A_1206 = arith.divf %convert_element_type3A_1203, %div3A_1205 : vector<16xf32>
        %mul3A_1207 = arith.constant 1.000000e+02 : f32
        %mul3A_1208 = vector.broadcast %mul3A_1207 : f32 to vector<16xf32>
        %mul3A_1209 = arith.mulf %div3A_1206, %mul3A_1208 : vector<16xf32>
        %convert_element_type3A_1210 = arith.fptosi %mul3A_1209 : vector<16xf32> to vector<16xi32>
        %max3A_1211 = arith.constant 0 : i32
        %max3A_1212 = vector.broadcast %max3A_1211 : i32 to vector<16xi32>
        %max3A_1213 = arith.maxsi %convert_element_type3A_1210, %max3A_1212 : vector<16xi32>
        %swap3A_1214 = arith.constant 96 : index
        %swap3A_1215 = tpu.vector_load %arg8[%swap3A_1214] {strides = array<i32>} : memref<128xi32, #tpu.memory_space<vmem>>, vector<16xi32>,
        tpu.vector_store %arg8[%swap3A_1214], %max3A_1213 {strides = array<i32>} : memref<128xi32, #tpu.memory_space<vmem>>, vector<16xi32>,
        %add3A_1216 = arith.constant 112 : i32
        %add3A_1217 = arith.addi %mul3A_1075, %add3A_1216 : i32
        %get3A_1218 = arith.index_cast %add3A_1217 : i32 to index
        %get3A_1219 = tpu.vector_load %arg7[%get3A_1218] {strides = array<i32>} : memref<1280xi32, #tpu.memory_space<vmem>>, vector<16xi32>,
        %get3A_1220 = arith.index_cast %add3A_1217 : i32 to index
        %get3A_1221 = tpu.vector_load %arg6[%get3A_1220] {strides = array<i32>} : memref<1280xi32, #tpu.memory_space<vmem>>, vector<16xi32>,
        %sub3A_1222 = arith.subi %get3A_1219, %get3A_1221 : vector<16xi32>
        %convert_element_type3A_1223 = arith.sitofp %sub3A_1222 : vector<16xi32> to vector<16xf32>
        %div3A_1224 = arith.constant 1.000000e+04 : f32
        %div3A_1225 = vector.broadcast %div3A_1224 : f32 to vector<16xf32>
        %div3A_1226 = arith.divf %convert_element_type3A_1223, %div3A_1225 : vector<16xf32>
        %mul3A_1227 = arith.constant 1.000000e+02 : f32
        %mul3A_1228 = vector.broadcast %mul3A_1227 : f32 to vector<16xf32>
        %mul3A_1229 = arith.mulf %div3A_1226, %mul3A_1228 : vector<16xf32>
        %convert_element_type3A_1230 = arith.fptosi %mul3A_1229 : vector<16xf32> to vector<16xi32>
        %max3A_1231 = arith.constant 0 : i32
        %max3A_1232 = vector.broadcast %max3A_1231 : i32 to vector<16xi32>
        %max3A_1233 = arith.maxsi %convert_element_type3A_1230, %max3A_1232 : vector<16xi32>
        %swap3A_1234 = arith.constant 112 : index
        %swap3A_1235 = tpu.vector_load %arg8[%swap3A_1234] {strides = array<i32>} : memref<128xi32, #tpu.memory_space<vmem>>, vector<16xi32>,
        tpu.vector_store %arg8[%swap3A_1234], %max3A_1233 {strides = array<i32>} : memref<128xi32, #tpu.memory_space<vmem>>, vector<16xi32>,
        %add3A_1236 = arith.constant 0 : i32
        %add3A_1237 = vector.broadcast %add3A_1236 : i32 to vector<16xi32>
        %add3A_1238 = arith.addi %mul3A_9, %add3A_1237 : vector<16xi32>
        %gather3A_1239 = tpu.vector_load_idx %arg8[%add3A_1238] : memref<128xi32, #tpu.memory_space<vmem>>[vector<16xi32>], vector<16xi32>,
        %add3A_1240 = arith.constant 1 : i32
        %add3A_1241 = vector.broadcast %add3A_1240 : i32 to vector<16xi32>
        %add3A_1242 = arith.addi %mul3A_9, %add3A_1241 : vector<16xi32>
        %gather3A_1243 = tpu.vector_load_idx %arg8[%add3A_1242] : memref<128xi32, #tpu.memory_space<vmem>>[vector<16xi32>], vector<16xi32>,
        %mul3A_1244 = arith.constant 101 : i32
        %mul3A_1245 = vector.broadcast %mul3A_1244 : i32 to vector<16xi32>
        %mul3A_1246 = arith.muli %gather3A_1239, %mul3A_1245 : vector<16xi32>
        %add3A_1247 = arith.addi %mul3A_1246, %gather3A_1243 : vector<16xi32>
        %swap3A_1248 = arith.constant 0 : index
        %swap3A_1249 = tpu.vector_load %arg10[%swap3A_1248] {strides = array<i32>} : memref<64xi32, #tpu.memory_space<vmem>>, vector<16xi32>,
        tpu.vector_store %arg10[%swap3A_1248], %add3A_1247 {strides = array<i32>} : memref<64xi32, #tpu.memory_space<vmem>>, vector<16xi32>,
        %add3A_1250 = arith.constant 32 : i32
        %add3A_1251 = vector.broadcast %add3A_1250 : i32 to vector<16xi32>
        %add3A_1252 = arith.addi %mul3A_9, %add3A_1251 : vector<16xi32>
        %gather3A_1253 = tpu.vector_load_idx %arg8[%add3A_1252] : memref<128xi32, #tpu.memory_space<vmem>>[vector<16xi32>], vector<16xi32>,
        %add3A_1254 = arith.constant 33 : i32
        %add3A_1255 = vector.broadcast %add3A_1254 : i32 to vector<16xi32>
        %add3A_1256 = arith.addi %mul3A_9, %add3A_1255 : vector<16xi32>
        %gather3A_1257 = tpu.vector_load_idx %arg8[%add3A_1256] : memref<128xi32, #tpu.memory_space<vmem>>[vector<16xi32>], vector<16xi32>,
        %mul3A_1258 = arith.constant 101 : i32
        %mul3A_1259 = vector.broadcast %mul3A_1258 : i32 to vector<16xi32>
        %mul3A_1260 = arith.muli %gather3A_1253, %mul3A_1259 : vector<16xi32>
        %add3A_1261 = arith.addi %mul3A_1260, %gather3A_1257 : vector<16xi32>
        %swap3A_1262 = arith.constant 16 : index
        %swap3A_1263 = tpu.vector_load %arg10[%swap3A_1262] {strides = array<i32>} : memref<64xi32, #tpu.memory_space<vmem>>, vector<16xi32>,
        tpu.vector_store %arg10[%swap3A_1262], %add3A_1261 {strides = array<i32>} : memref<64xi32, #tpu.memory_space<vmem>>, vector<16xi32>,
        %add3A_1264 = arith.constant 64 : i32
        %add3A_1265 = vector.broadcast %add3A_1264 : i32 to vector<16xi32>
        %add3A_1266 = arith.addi %mul3A_9, %add3A_1265 : vector<16xi32>
        %gather3A_1267 = tpu.vector_load_idx %arg8[%add3A_1266] : memref<128xi32, #tpu.memory_space<vmem>>[vector<16xi32>], vector<16xi32>,
        %add3A_1268 = arith.constant 65 : i32
        %add3A_1269 = vector.broadcast %add3A_1268 : i32 to vector<16xi32>
        %add3A_1270 = arith.addi %mul3A_9, %add3A_1269 : vector<16xi32>
        %gather3A_1271 = tpu.vector_load_idx %arg8[%add3A_1270] : memref<128xi32, #tpu.memory_space<vmem>>[vector<16xi32>], vector<16xi32>,
        %mul3A_1272 = arith.constant 101 : i32
        %mul3A_1273 = vector.broadcast %mul3A_1272 : i32 to vector<16xi32>
        %mul3A_1274 = arith.muli %gather3A_1267, %mul3A_1273 : vector<16xi32>
        %add3A_1275 = arith.addi %mul3A_1274, %gather3A_1271 : vector<16xi32>
        %swap3A_1276 = arith.constant 32 : index
        %swap3A_1277 = tpu.vector_load %arg10[%swap3A_1276] {strides = array<i32>} : memref<64xi32, #tpu.memory_space<vmem>>, vector<16xi32>,
        tpu.vector_store %arg10[%swap3A_1276], %add3A_1275 {strides = array<i32>} : memref<64xi32, #tpu.memory_space<vmem>>, vector<16xi32>,
        %add3A_1278 = arith.constant 96 : i32
        %add3A_1279 = vector.broadcast %add3A_1278 : i32 to vector<16xi32>
        %add3A_1280 = arith.addi %mul3A_9, %add3A_1279 : vector<16xi32>
        %gather3A_1281 = tpu.vector_load_idx %arg8[%add3A_1280] : memref<128xi32, #tpu.memory_space<vmem>>[vector<16xi32>], vector<16xi32>,
        %add3A_1282 = arith.constant 97 : i32
        %add3A_1283 = vector.broadcast %add3A_1282 : i32 to vector<16xi32>
        %add3A_1284 = arith.addi %mul3A_9, %add3A_1283 : vector<16xi32>
        %gather3A_1285 = tpu.vector_load_idx %arg8[%add3A_1284] : memref<128xi32, #tpu.memory_space<vmem>>[vector<16xi32>], vector<16xi32>,
        %mul3A_1286 = arith.constant 101 : i32
        %mul3A_1287 = vector.broadcast %mul3A_1286 : i32 to vector<16xi32>
        %mul3A_1288 = arith.muli %gather3A_1281, %mul3A_1287 : vector<16xi32>
        %add3A_1289 = arith.addi %mul3A_1288, %gather3A_1285 : vector<16xi32>
        %swap3A_1290 = arith.constant 48 : index
        %swap3A_1291 = tpu.vector_load %arg10[%swap3A_1290] {strides = array<i32>} : memref<64xi32, #tpu.memory_space<vmem>>, vector<16xi32>,
        tpu.vector_store %arg10[%swap3A_1290], %add3A_1289 {strides = array<i32>} : memref<64xi32, #tpu.memory_space<vmem>>, vector<16xi32>,
        %dma_start3A_1292 = arith.constant 0 : i32
        %dma_start3A_1293 = arith.constant 0 : i32
        %dma_start3A_1294 = tpu.memref_slice %arg17[%dma_start3A_1292, %dma_start3A_1293] : memref<10201x128xf32, #tpu.memory_space<vmem_shared>> -> memref<10201x128xf32, #tpu.memory_space<vmem_shared>>
        tpu.enqueue_indirect_dma source(%dma_start3A_1294 : memref<10201x128xf32, #tpu.memory_space<vmem_shared>>) target(%arg14 : memref<64x128xf32, #tpu.memory_space<vmem>>) offsets(%arg10 : memref<64xi32, #tpu.memory_space<vmem>>) semaphore(%arg19 : memref<!tpu.dma_semaphore, #tpu.memory_space<semaphore_mem>>)
      } else {
      }
      %dma_wait3A_1018 = arith.constant 0 : i32
      %dma_wait3A_1019 = arith.constant 0 : i32
      %dma_wait3A_1020 = tpu.memref_slice %arg5[%dma_wait3A_1018, %dma_wait3A_1019] : memref<204800x128xf32, #tpu.memory_space<hbm>> -> memref<64x128xf32, #tpu.memory_space<hbm>>
      %dma_wait3A_1021 = arith.constant 0 : i32
      %dma_wait3A_1022 = arith.constant 0 : i32
      %dma_wait3A_1023 = tpu.memref_slice %arg5[%dma_wait3A_1021, %dma_wait3A_1022] : memref<204800x128xf32, #tpu.memory_space<hbm>> -> memref<64x128xf32, #tpu.memory_space<hbm>>
      tpu.wait_dma2 semaphore(%arg21 : memref<!tpu.dma_semaphore, #tpu.memory_space<semaphore_mem>>) src(%dma_wait3A_1023 : memref<64x128xf32, #tpu.memory_space<hbm>>) dst(%arg16 : memref<64x128xf32, #tpu.memory_space<vmem>>)
      %mul3A_1024 = arith.constant 64 : i32
      %mul3A_1025 = arith.muli %add3A_1008, %mul3A_1024 : i32
      %add3A_1026 = arith.addi %mul3A_4, %mul3A_1025 : i32
      %dma_start3A_1027 = arith.constant 0 : i32
      %dma_start3A_1028 = tpu.memref_slice %arg5[%add3A_1026, %dma_start3A_1027] : memref<204800x128xf32, #tpu.memory_space<hbm>> -> memref<64x128xf32, #tpu.memory_space<hbm>>
      %dma_start3A_1029 = arith.constant 0 : i32
      %dma_start3A_1030 = tpu.memref_slice %arg5[%add3A_1026, %dma_start3A_1029] : memref<204800x128xf32, #tpu.memory_space<hbm>> -> memref<64x128xf32, #tpu.memory_space<hbm>>
      tpu.enqueue_dma source(%arg16 : memref<64x128xf32, #tpu.memory_space<vmem>>) target(%dma_start3A_1030 : memref<64x128xf32, #tpu.memory_space<hbm>>) target_semaphore(%arg25 : memref<!tpu.dma_semaphore, #tpu.memory_space<semaphore_mem>>)
    }
    %scan3A_415 = arith.constant 25 : i32
    %dma_wait3A = arith.constant 0 : i32
    %dma_wait3A_416 = arith.constant 0 : i32
    %dma_wait3A_417 = tpu.memref_slice %arg5[%dma_wait3A, %dma_wait3A_416] : memref<204800x128xf32, #tpu.memory_space<hbm>> -> memref<64x128xf32, #tpu.memory_space<hbm>>
    %dma_wait3A_418 = arith.constant 0 : i32
    %dma_wait3A_419 = arith.constant 0 : i32
    %dma_wait3A_420 = tpu.memref_slice %arg5[%dma_wait3A_418, %dma_wait3A_419] : memref<204800x128xf32, #tpu.memory_space<hbm>> -> memref<64x128xf32, #tpu.memory_space<hbm>>
    tpu.wait_dma2 semaphore(%arg24 : memref<!tpu.dma_semaphore, #tpu.memory_space<semaphore_mem>>) src(%arg15 : memref<64x128xf32, #tpu.memory_space<vmem>>) dst(%dma_wait3A_420 : memref<64x128xf32, #tpu.memory_space<hbm>>)
    %dma_wait3A_421 = arith.constant 0 : i32
    %dma_wait3A_422 = arith.constant 0 : i32
    %dma_wait3A_423 = tpu.memref_slice %arg5[%dma_wait3A_421, %dma_wait3A_422] : memref<204800x128xf32, #tpu.memory_space<hbm>> -> memref<64x128xf32, #tpu.memory_space<hbm>>
    %dma_wait3A_424 = arith.constant 0 : i32
    %dma_wait3A_425 = arith.constant 0 : i32
    %dma_wait3A_426 = tpu.memref_slice %arg5[%dma_wait3A_424, %dma_wait3A_425] : memref<204800x128xf32, #tpu.memory_space<hbm>> -> memref<64x128xf32, #tpu.memory_space<hbm>>
    tpu.wait_dma2 semaphore(%arg25 : memref<!tpu.dma_semaphore, #tpu.memory_space<semaphore_mem>>) src(%arg16 : memref<64x128xf32, #tpu.memory_space<vmem>>) dst(%dma_wait3A_426 : memref<64x128xf32, #tpu.memory_space<hbm>>)
    return
  }
}

module attributes {stable_mosaic.version = 14 : i64} {
  func.func @tck(%arg0: i32, %arg1: memref<1600x1xi32, #tpu.memory_space<vmem>>, %arg2: memref<1600x1xi32, #tpu.memory_space<vmem>>, %arg3: memref<128x64xf32, #tpu.memory_space<vmem>>, %arg4: memref<1600x64xf32, #tpu.memory_space<vmem>>) attributes {dimension_semantics = [#tpu.dimension_semantics<arbitrary>], iteration_bounds = array<i64: 256>, scalar_prefetch = 0 : i64, scratch_operands = 0 : i64, tpu.core_type = #tpu.core_type<tc>, window_params = [{transform_indices = @transform_0, window_bounds = array<i64: 1600, 1>}, {transform_indices = @transform_1, window_bounds = array<i64: 1600, 1>}, {pipeline_mode = #tpu.pipeline_mode<synchronous>, transform_indices = @transform_2, window_bounds = array<i64: 128, 64>}, {transform_indices = @transform_3, window_bounds = array<i64: 1600, 64>}]} {
    %get3A = arith.constant 0 : index
    %get3A_0 = arith.constant 0 : index
    %get3A_1 = vector.load %arg2[%get3A, %get3A_0] : memref<1600x1xi32, #tpu.memory_space<vmem>>, vector<1600x1xi32>
    %get3A_2 = arith.constant 0 : index
    %get3A_3 = arith.constant 0 : index
    %get3A_4 = vector.load %arg1[%get3A_2, %get3A_3] : memref<1600x1xi32, #tpu.memory_space<vmem>>, vector<1600x1xi32>
    %sub3A = arith.subi %get3A_1, %get3A_4 : vector<1600x1xi32>
    %convert_element_type3A = arith.sitofp %sub3A : vector<1600x1xi32> to vector<1600x1xf32>
    %div3A = arith.constant 1.000000e+04 : f32
    %div3A_5 = vector.broadcast %div3A : f32 to vector<1600x1xf32>
    %div3A_6 = arith.divf %convert_element_type3A, %div3A_5 : vector<1600x1xf32>
    %mul3A = arith.constant 1.000000e+02 : f32
    %mul3A_7 = vector.broadcast %mul3A : f32 to vector<1600x1xf32>
    %mul3A_8 = arith.mulf %div3A_6, %mul3A_7 : vector<1600x1xf32>
    %convert_element_type3A_9 = arith.fptosi %mul3A_8 : vector<1600x1xf32> to vector<1600x1xi32>
    %max3A = arith.constant 0 : i32
    %max3A_10 = vector.broadcast %max3A : i32 to vector<1600x1xi32>
    %max3A_11 = arith.maxsi %convert_element_type3A_9, %max3A_10 : vector<1600x1xi32>
    %iota3A = tpu.iota {dimensions = array<i32: 1>} : vector<1600x128xi32>
    %eq3A = vector.broadcast %max3A_11 : vector<1600x1xi32> to vector<1600x128xi32>
    %eq3A_12 = arith.cmpi eq, %eq3A, %iota3A : vector<1600x128xi32>
    %convert_element_type3A_13 = arith.extui %eq3A_12 : vector<1600x128xi1> to vector<1600x128xi32>
    %convert_element_type3A_14 = arith.sitofp %convert_element_type3A_13 : vector<1600x128xi32> to vector<1600x128xf32>
    %get3A_15 = arith.constant 0 : index
    %get3A_16 = arith.constant 0 : index
    %get3A_17 = vector.load %arg3[%get3A_15, %get3A_16] : memref<128x64xf32, #tpu.memory_space<vmem>>, vector<128x64xf32>
    %dot_general3A = arith.constant dense<0.000000e+00> : vector<1600x64xf32>
    %dot_general3A_18 = tpu.matmul %convert_element_type3A_14, %get3A_17, %dot_general3A {dimension_numbers = #tpu.dot_dimension_numbers<[1], [0], [0], [1], [0, 0, 1, 1], [], []>, transpose_lhs_hint = false} : vector<1600x128xf32>, vector<128x64xf32>, vector<1600x64xf32> -> vector<1600x64xf32>
    %swap3A = arith.constant 0 : index
    %swap3A_19 = arith.constant 0 : index
    %swap3A_20 = vector.load %arg4[%swap3A, %swap3A_19] : memref<1600x64xf32, #tpu.memory_space<vmem>>, vector<1600x64xf32>
    tpu.vector_store %arg4[%swap3A, %swap3A_19], %dot_general3A_18 {strides = array<i32>} : memref<1600x64xf32, #tpu.memory_space<vmem>>, vector<1600x64xf32>,
    return
  }
  func.func @transform_0(%arg0: i32) -> (i32, i32) {
    %c0_i32 = arith.constant 0 : i32
    %c0_i32_0 = arith.constant 0 : i32
    return %arg0, %c0_i32 : i32, i32
  }
  func.func @transform_1(%arg0: i32) -> (i32, i32) {
    %c0_i32 = arith.constant 0 : i32
    %c0_i32_0 = arith.constant 0 : i32
    return %arg0, %c0_i32 : i32, i32
  }
  func.func @transform_2(%arg0: i32) -> (i32, i32) {
    %c0_i32 = arith.constant 0 : i32
    %c0_i32_0 = arith.constant 0 : i32
    %c0_i32_1 = arith.constant 0 : i32
    return %c0_i32, %c0_i32_0 : i32, i32
  }
  func.func @transform_3(%arg0: i32) -> (i32, i32) {
    %c0_i32 = arith.constant 0 : i32
    %c0_i32_0 = arith.constant 0 : i32
    return %arg0, %c0_i32 : i32, i32
  }
}

</mosaic_0001>

<sc_bundles>
// kernel: kernel.4.cloned.1.call-start
scs
__scs_entry_jumppad:
0x0: {  	(pc) =	sbr.rel $0x88, $3  }
0x1: {  	(tag) =	ssettag $0x0;
	lr =	simm.s32 $0x1  }
0x2: {  	[smem:$0x3F9E] =	sst lr;
	_ =	strace $0xD0000000  }
0x3: {  	_ = 	snop  }
0x4: {  	_ = 	snop  }
0x5: {  	_ = 	snop  }
0x6: {  	_ = 	snop  }
0x7: {  	_ = 	snop  }
__scs_overlays_trampoline_lowered:
0x8: {  	[smem:$0x3FAD] =	sst s0  }
0x9: {  	[smem:$0x3FAE] =	sst s1  }
0xa: {  	[smem:$0x3FAF] =	sst s2  }
0xb: {  	[smem:$0x3FB0] =	sst s3  }
0xc: {  	[smem:$0x3FB1] =	sst s4  }
0xd: {  	[smem:$0x3FB2] =	sst s5  }
0xe: {  	[smem:$0x3FB3] =	sst s6  }
0xf: {  	[smem:$0x3FB4] =	sst s7  }
0x10: {  	[smem:$0x3FB5] =	sst s8  }
0x11: {  	[smem:$0x3FB6] =	sst s9;
	s0 =	simm.s32 @!p0 $0x0  }
0x12: {  	s1 =	sld [smem:$0x3F9C];
	s0 =	simm.s32 @p0 $0x1  }
0x13: {  	[smem:$0x3FB7] =	sst s0;
	s0 =	simm.s32 @!p1 $0x0  }
0x14: {  	s2 =	sld [smem:$0x3F9B];
	s0 =	simm.s32 @p1 $0x1  }
0x15: {  	[smem:$0x3FB8] =	sst s0;
	s0 =	simm.s32 @!p2 $0x0  }
0x16: {  	s3 =	sld [smem:$0x3FDB];
	s0 =	simm.s32 @p2 $0x1  }
0x17: {  	s4 =	simm.s32 $0x1BF5;
	[smem:$0x3FBA] =	sst s0  }
0x18: {  	s0 =	sld [smem:$0x3F9D];
	_ =	swait.ge [sflag:s4], $0x0  }
0x19: {  	s7 =	sld [smem:$0x3F9E]  }
0x1a: {  	s8 =	sadd.s32 $0xFFFFE003, lr  }
0x1b: {  	s9 =	sadd.s32 $0xFFFFFEF7, lr;
	s5 =	simm.s32 $0xFFFFFFFF;
	p2 =	slt.u32 s8, $0xFFFFF086  }
0x1c: {  	p1 =	slt.u32 s9, $0xF7A;
	s5 =	simm.s32 @!p2 $0x0  }
0x1d: {  	s5 =	simm.s32 @p1 $0x1;
	p0 =	seq.s32 s7, s2  }
0x1e: {  	s7 =	smul.u32 @!p0 $0xF7A, s2;
	p2 =	seq.s32 @!p0 s5, $0x0  }
0x1f: {  	s9 =	smul.u32 $0xF7A, s1;
	s8 =	simm.s32 @!p0 $0x1BF5;
	p2 =	por !p2, p0  }
0x20: {  	[sflag:s8] =	ssyncset.s32 @!p0 $0xFFFFF086;
	s6 =	sadd.s32 @!p0 s3, s7;
	s7 =	simm.s32 @!p0 $0x108  }
0x21: {  	s3 =	sadd.s32 s3, s9;
	s6 =	sadd.s32 @!p0 $0x88, s6;
	s7 =	simm.s32 @p2 $0x1082  }
0x22: {  	[simem:s7], [sflag:s8] =	dma.local @!p0 [hbm:s6], $0xF7A  }
0x23: {  	s9 =	sor.u32 $0xD0000000, s2;
	s6 =	simm.s32 $0x108;
	_ =	swait.ge @!p0 [sflag:s8], $0x0  }
0x24: {  	s3 =	sadd.s32 $0x88, s3;
	s6 =	simm.s32 @!p1 $0x1082;
	[sflag:s4] =	ssyncset.s32 $0xFFFFF086  }
0x25: {  	[simem:s6], [sflag:s4] =	dma.local [hbm:s3], $0xF7A  }
0x26: {  	[smem:$0x3F9E] =	sst s1;
	(tag) =	ssettag s2;
	_ =	strace s9  }
0x27: {  	s1 =	sld [smem:$0x3FAE]  }
0x28: {  	s2 =	sld [smem:$0x3FAF]  }
0x29: {  	s4 =	sld [smem:$0x3FB1]  }
0x2a: {  	p0 =	seq.s32 s5, $0x0;
	s5 =	sld [smem:$0x3FB2]  }
0x2b: {  	s6 =	sld [smem:$0x3FB3]  }
0x2c: {  	s7 =	sld [smem:$0x3FB4]  }
0x2d: {  	s3 =	simm.s32 $0x108;
	s8 =	sld [smem:$0x3FB5]  }
0x2e: {  	s3 =	simm.s32 @!p0 $0x1082;
	s9 =	sld [smem:$0x3FB6]  }
0x2f: {  	lr =	sadd.s32 s0, s3;
	s0 =	sld [smem:$0x3FAD]  }
0x30: {  	s3 =	sld [smem:$0x3FB0]  }
0x31: {  	[smem:$0x3FB9] =	sst s10  }
0x32: {  	s10 =	sld [smem:$0x3FB7];
	_ =	sdelay $0x3  }
0x33: {  	p0 =	seq.s32 s10, $0x1;
	s10 =	sld [smem:$0x3FB9];
	_ =	sdelay $0x3  }
0x34: {  	[smem:$0x3FB9] =	sst s10  }
0x35: {  	s10 =	sld [smem:$0x3FB8];
	_ =	sdelay $0x3  }
0x36: {  	p1 =	seq.s32 s10, $0x1;
	s10 =	sld [smem:$0x3FB9];
	_ =	sdelay $0x3  }
0x37: {  	[smem:$0x3FB9] =	sst s10  }
0x38: {  	s10 =	sld [smem:$0x3FBA]  }
0x39: {  	_ = 	snop;
	(pc) =	sbr.ind lr, $3  }
0x3a: {  	_ = 	snop  }
0x3b: {  	_ = 	snop  }
0x3c: {  	p2 =	seq.s32 s10, $0x1;
	s10 =	sld [smem:$0x3FB9]  }
0x3d: {  	_ =	shalt  }
0x3e: {  	_ =	shalt  }
0x3f: {  	_ =	shalt  }
0x40: {  	_ =	shalt  }
0x41: {  	_ =	shalt  }
0x42: {  	_ =	shalt  }
0x43: {  	_ =	shalt  }
0x44: {  	_ =	shalt  }
0x45: {  	_ =	shalt  }
0x46: {  	_ =	shalt  }
0x47: {  	_ =	shalt  }
0x48: {  	_ =	shalt  }
0x49: {  	_ =	shalt  }
0x4a: {  	_ =	shalt  }
0x4b: {  	_ =	shalt  }
0x4c: {  	_ =	shalt  }
0x4d: {  	_ =	shalt  }
0x4e: {  	_ =	shalt  }
0x4f: {  	_ =	shalt  }
0x50: {  	_ =	shalt  }
0x51: {  	_ =	shalt  }
0x52: {  	_ =	shalt  }
0x53: {  	_ =	shalt  }
0x54: {  	_ =	shalt  }
0x55: {  	_ =	shalt  }
0x56: {  	_ =	shalt  }
0x57: {  	_ =	shalt  }
0x58: {  	_ =	shalt  }
0x59: {  	_ =	shalt  }
0x5a: {  	_ =	shalt  }
0x5b: {  	_ =	shalt  }
0x5c: {  	_ =	shalt  }
0x5d: {  	_ =	shalt  }
0x5e: {  	_ =	shalt  }
0x5f: {  	_ =	shalt  }
0x60: {  	_ =	shalt  }
0x61: {  	_ =	shalt  }
0x62: {  	_ =	shalt  }
0x63: {  	_ =	shalt  }
0x64: {  	_ =	shalt  }
0x65: {  	_ =	shalt  }
0x66: {  	_ =	shalt  }
0x67: {  	_ =	shalt  }
0x68: {  	_ =	shalt  }
0x69: {  	_ =	shalt  }
0x6a: {  	_ =	shalt  }
0x6b: {  	_ =	shalt  }
0x6c: {  	_ =	shalt  }
0x6d: {  	_ =	shalt  }
0x6e: {  	_ =	shalt  }
0x6f: {  	_ =	shalt  }
0x70: {  	_ =	shalt  }
0x71: {  	_ =	shalt  }
0x72: {  	_ =	shalt  }
0x73: {  	_ =	shalt  }
0x74: {  	_ =	shalt  }
0x75: {  	_ =	shalt  }
0x76: {  	_ =	shalt  }
0x77: {  	_ =	shalt  }
0x78: {  	_ =	shalt  }
0x79: {  	_ =	shalt  }
0x7a: {  	_ =	shalt  }
0x7b: {  	_ =	shalt  }
0x7c: {  	_ =	shalt  }
0x7d: {  	_ =	shalt  }
0x7e: {  	_ =	shalt  }
0x7f: {  	_ =	shalt  }
0x80: {  	_ =	shalt  }
0x81: {  	_ =	shalt  }
0x82: {  	_ =	shalt  }
0x83: {  	_ =	shalt  }
0x84: {  	_ =	shalt  }
0x85: {  	_ =	shalt  }
0x86: {  	_ =	shalt  }
0x87: {  	_ =	shalt  }
.Lfunc_end0:
.L_simem_size_0:
called_computation.1_lowered:
.L_overlay_start_0:
0x88: {  	s2 =	sld [smem:$0x3FD9]  }
0x89: {  	s3 =	sld [smem:$0x3FFE];
	_ =	sdelay $0x1  }
0x8a: {  	s1 =	srdreg.scid  }
0x8b: {  	s0 =	sand.u32 $0x1, s1  }
0x8c: {  	s16 =	sshll.u32 s0, $0xA;
	s2 =	sadd.s32 s3, s2  }
0x8d: {  	s2 =	sadd.s32 s2, s16  }
0x8e: {  	[smem:$0x3FC5] =	sst s2  }
0x8f: {  	_ = 	snop  }
0x90: {  	(tm) =	ssettm $0x1  }
0x91: {  	s17 =	sld [smem:$0x3FFB];
	_ =	sdelay $0x3  }
0x92: {  	_ =	strace s17  }
0x93: {  	s2 =	sld [smem:$0x3FFC];
	_ =	sdelay $0x3  }
0x94: {  	_ =	strace s2  }
0x95: {  	s2 =	sld [smem:$0x3FFD];
	_ =	sdelay $0x3  }
0x96: {  	_ =	strace s2  }
0x97: {  	_ =	strace $0x8FFFFFFF  }
0x98: {  	s18 =	sld [smem:$0x3FDB];
	_ =	sdelay $0x1  }
0x99: {  	s19 =	simm.s32 $_scs_section_size  }
0x9a: {  	s4 =	simm.s32 $_size__tile_overlayer_lowered;
	s5 =	simm.s32 $_tile_overlayer_lowered  }
0x9b: {  	s22 =	simm.s32 $0x1BFF;
	s21 =	sshll.u32 s5, $0x1;
	s2 =	sadd.s32 s19, s18  }
0x9c: {  	s6 =	simm.s32 $0x0;
	s20 =	sshll.u32 s4, $0x1;
	s4 =	sadd.s32 s21, s2  }
0x9d: {  	[timem:s6], [sflag:s22] =	dma.local [hbm:s4], s20  }
0x9e: {  	_ =	swait.ge [sflag:s22], s20  }
0x9f: {  	s3 =	ssub.s32 $0x0, s20;
	[sflag:s22] =	ssyncset.done $0x0  }
0xa0: {  	[sflag:s22] =	ssyncadd.s32 s3;
	_ =	sdelay $0x1  }
0xa1: {  	s23 =	simm.s32 $0x1B8B  }
0xa2: {  	_ =	swait.ge [sflag:s23], $0x1  }
0xa3: {  	[sflag:s23] =	ssyncset.done $0x0  }
0xa4: {  	s25 =	simm.s32 $0x1B8E;
	s24 =	sld [smem:$0x3FFE];
	[sflag:s23] =	ssyncadd.s32 $0xFFFFFFFF  }
0xa5: {  	s26 =	simm.s32 $execute0_lowered;
	[smem:$0x3FD2] =	sst s25  }
0xa6: {  	s4 =	sshll.u32 s26, $0x1;
	_ =	strace $0x80000046;
	[dreg:$0x1] =	wrdreg $0xFFFFFFFF  }
0xa7: {  	s28 =	simm.s32 $_size_execute0_lowered;
	s2 =	sadd.s32 s2, s4;
	[dreg:$0x0] =	wrdreg $0x0  }
0xa8: {  	s4 =	sshll.u32 s28, $0x1;
	[dreg:$0x2] =	wrdreg s2  }
0xa9: {  	[dreg:$0x3] =	wrdreg s4  }
0xaa: {  	[dreg:$0x4] =	wrdreg $0xC0  }
0xab: {  	_ =	task [dreg:s6], $0x5FFFF  }
0xac: {  	[dreg:$0x1] =	wrdreg $0xFFFFFFFF  }
0xad: {  	[dreg:$0x0] =	wrdreg $0x60  }
0xae: {  	[dreg:$0x2] =	wrdreg s24  }
0xaf: {  	[dreg:$0x3] =	wrdreg $0x8B800  }
0xb0: {  	[dreg:$0x4] =	wrdreg $0x9  }
0xb1: {  	_ =	task.clear_ibuf [dreg:s6], $0x5FFFF;
	_ =	strace $0x90000046  }
0xb2: {  	s29 =	simm.s32 $0x9;
	_ =	strace $0x80000048  }
0xb3: {  	_ =	swait.ge [sflag:s29], $0x1  }
0xb4: {  	[sflag:s29] =	ssyncadd.s32 $0xFFFFFFFF  }
0xb5: {  	_ =	strace $0x90000048  }
0xb6: {  	_ =	sfence  }
0xb7: {  	s30 =	sld [smem:$0x0];
	_ =	sdelay $0x2  }
0xb8: {  	s31 =	sshll.u32 s1, $0xD;
	s1 =	sshrl.u32 s1, $0x2  }
0xb9: {  	s3 =	sand.u32 $0x4000, s31;
	s1 =	sadd.s32 s1, s30  }
0xba: {  	s0 =	sor.u32 s3, s0;
	s1 =	sshll.u32 s1, $0x11  }
0xbb: {  	s0 =	sor.u32 s1, s0  }
0xbc: {  	s0 =	sadd.s32 $0x8F2B, s0  }
0xbd: {  	[sflag:s0] =	ssyncadd.remote.s32 $0x1  }
0xbe: {  	_ =	sfence.sel $0xFFFF  }
0xbf: {  	[dreg:$0x0] =	wrdreg $0xFFFFFFFF;
	(pc) =	sbr.abs _section_cstart, $3  }
0xc0: {  	[dreg:$0x1] =	wrdreg $0xFFFFFFFF  }
0xc1: {  	_ =	task.clear_ibuf [dreg:s6], $0x2FFFF;
	_ =	strace $0x9FFFFFFF  }
0xc2: {  	(tm) =	ssettm $0x7FFFFFFF  }
0xc3: {  	_ =	shalt  }
tec
execute0_lowered:
.L_overlay_start_1:
0x0: {  	(tag) =	ssettag $0x1  }
0x1: {  	s0 =	srdreg.scid;
	s6 =	rddreg [dreg:$0x0]  }
0x2: {  	s1 =	rddreg [dreg:$0x1];
	s7 =	stileid.u32;
	s2 =	simm.s32 $0x0  }
0x3: {  	s17 =	simm.s32 $0xA00;
	s18 =	simm.s32 $0x40;
	s20 =	simm.s32 $0xB80  }
0x4: {  	s28 =	simm.s32 $0x6B80;
	s29 =	simm.s32 $0x2;
	s30 =	simm.s32 $0x3  }
0x5: {  	s31 =	simm.s32 $0x4;
	s0 =	sand.u32 $0x1, s0;
	[smem:$0x7FF] =	sst s2  }
0x6: {  	s4 =	sadd.s32 $0xDC00, s6;
	s5 =	sadd.s32 $0x1A400, s6;
	s21 =	smul.u32 $0x19000, s7  }
0x7: {  	s9 =	sadd.s32 $0x27400, s6;
	s6 =	sadd.s32 $0x4F200, s6;
	s13 =	smul.u32 $0xC8000, s7  }
0x8: {  	p0 =	sne.s32 s7, $0x0;
	s3 =	sshll.u32 s0, $0x4;
	_ =	strace $0x80000047  }
0x9: {  	s8 =	smul.u32 $0x190000, s0;
	[dreg:$0x3] =	wrdreg s9;
	s10 =	ssub.s32 $0x2, s0  }
0xa: {  	s0 =	smul.u32 $0xC80000, s0;
	s9 =	simm.s32 $0x0;
	s3 =	sor.u32 s7, s3  }
0xb: {  	v0 =	vimm.f32 $1.000000000e+04;
	s11 =	sshrl.u32 s10, $0x1;
	s7 =	simm.s32 $0x5;
	s3 =	smul.u32 $0x3200, s3  }
0xc: {  	(erf) = vrcp.f32 v0;
	s10 =	ssub.s32 s10, s11;
	s8 =	sadd.s32 s8, s6;
	s0 =	sadd.s32 s13, s0  }
0xd: {  	s8 =	sadd.s32 s21, s8;
	s24 =	smax.u32 s10, $0x1;
	s25 =	sshrl.u32 s0, $0x3  }
0xe: {  	s26 =	sor.u32 $0x6000, s0;
	s0 =	sor.u32 $0x4000, s0;
	s21 =	simm.s32 $0xAC0  }
0xf: {  	s12 =	sshrl.u32 s3, $0x3;
	[dreg:$0x6] =	wrdreg s24;
	s10 =	sadd.s32 $0x400, s8  }
0x10: {  	v0 =	vlaneseq.u32;
	s11 =	sadd.s32 s25, s6;
	s8 =	sshrl.u32 s26, $0x3;
	s0 =	sshrl.u32 s0, $0x3  }
.Ltmp0:
0x11: {  	v0 =	vmul.u32 $0x2, v0;
	s24 =	simm.s32 $0x4B80;
	s25 =	simm.s32 $0x1;
	(pc) =	sbr.rel .LBB2_1-.Ltmp0, $4  }
0x12: {  	s26 =	simm.s32 $0xB40;
	s22 =	sadd.s32 s4, s12;
	s23 =	sadd.s32 s5, s12  }
0x13: {  	v1 =	vor.u32 $0x1, v0;
	s12 =	sadd.s32 s8, s6;
	s13 =	sadd.s32 s0, s6;
	[dreg:$0x4] =	wrdreg s22  }
0x14: {  	v2 =	vor.u32 $0x20, v0;
	v3 =	vor.u32 $0x21, v0;
	v4 =	vor.u32 $0x40, v0;
	s0 =	sshrl.u32 @!p0 s1, $0x3;
	s6 =	simm.s32 $0x6;
	[dreg:$0x5] =	wrdreg s23  }
0x15: {  	v6 =	vor.u32 $0x41, v0;
	v7 =	vor.u32 $0x60, v0;
	v8 =	vor.u32 $0x61, v0;
	[dreg:$0x7] =	wrdreg s0;
	s22 =	simm.s32 $0x2B80;
	s23 =	simm.s32 $0xB00;
	v5 =	vpop (erf)  }
.LBB2_7:
0x16: {  	s0 =	simm.s32 $0x7  }
0x17: {  	_ =	swait.ge [sflag:s0], $0x2000  }
0x18: {  	[sflag:s0] =	ssyncset.done $0x0  }
0x19: {  	s8 =	simm.s32 $0x8;
	[sflag:s0] =	ssyncadd.s32 $0xFFFFE000  }
0x1a: {  	_ =	swait.ge [sflag:s8], $0x2000  }
0x1b: {  	s9 =	rddreg [dreg:$0x8]  }
0x1c: {  	s19 =	rddreg [dreg:$0x6];
	s9 =	sadd.s32 $0x1, s9  }
0x1d: {  	p1 =	sne.s32 s9, s19  }
.Ltmp1:
0x1e: {  	_ = 	snop;
	(pc) =	sbr.rel @!p1 .LBB2_8-.Ltmp1, $3  }
0x1f: {  	_ =	sdelay $0x1  }
0x20: {  	[sflag:s8] =	ssyncset.done $0x0  }
0x21: {  	[sflag:s8] =	ssyncadd.s32 $0xFFFFE000  }
.LBB2_1:
0x22: {  	[dreg:$0x8] =	wrdreg s9  }
0x23: {  	s8 =	rddreg [dreg:$0x3]  }
0x24: {  	s0 =	simm.s32 @!p0 $0x1C09;
	s9 =	rddreg [dreg:$0x7]  }
0x25: {  	[spmem:s9], [sflag:s0] =	dma.local @!p0 [hbm:s8], $0x27D90  }
0x26: {  	s0 =	simm.s32 @!p0 $0x9  }
0x27: {  	_ =	swait.ge @!p0 [sflag:s0], $0x27D90  }
0x28: {  	[sflag:s0] =	ssyncset.done @!p0 $0x0  }
0x29: {  	[sflag:s0] =	ssyncadd.s32 @!p0 $0xFFFD8270  }
0x2a: {  	[bflag:$0x0] =	sbarrier.arrive $0xFFFF  }
0x2b: {  	s14 =	simm.s32 $0x9;
	s9 =	rddreg [dreg:$0x4]  }
0x2c: {  	[tilespmem:s2], [sflag:$0x9] =	stream.linear.gather [hbm4b:s9+s2], $0x500, $0x38;
	[tilespmem:$0x1CA48] =	vst v63  }
0x2d: {  	_ =	swait.ge [sflag:s14], $0x500  }
0x2e: {  	[sflag:s14] =	ssyncset.done $0x0  }
0x2f: {  	s16 =	simm.s32 $0x500;
	s15 =	rddreg [dreg:$0x5];
	[sflag:s14] =	ssyncadd.s32 $0xFFFFFB00  }
0x30: {  	[tilespmem:s16], [sflag:$0x9] =	stream.linear.gather [hbm4b:s15+s2], $0x500, $0x38;
	[tilespmem:$0x1CA48] =	vst v63  }
0x31: {  	_ =	swait.ge [sflag:s14], $0x500  }
0x32: {  	[sflag:s14] =	ssyncset.done $0x0  }
0x33: {  	[sflag:s14] =	ssyncadd.s32 $0xFFFFFB00  }
0x34: {  	v9 =	vld [tilespmem:$0x500]  }
0x35: {  	v10 =	vld [tilespmem:$0x0]  }
0x36: {  	v11 =	vld [tilespmem:$0x510]  }
0x37: {  	v12 =	vld [tilespmem:$0x10]  }
0x38: {  	v13 =	vld [tilespmem:$0x520]  }
0x39: {  	v14 =	vld [tilespmem:$0x20]  }
0x3a: {  	v42 =	vld [tilespmem:$0x540]  }
0x3b: {  	v43 =	vld [tilespmem:$0x40]  }
0x3c: {  	v19 =	vld [tilespmem:$0x570]  }
0x3d: {  	v45 =	vld [tilespmem:$0x70]  }
0x3e: {  	v15 =	vld [tilespmem:$0x30]  }
0x3f: {  	v16 =	vld [tilespmem:$0x550]  }
0x40: {  	v17 =	vld [tilespmem:$0x560];
	v9 =	vsub.s32 v9, v10;
	v11 =	vsub.s32 v11, v12;
	v41 =	vsub.s32 v13, v14  }
0x41: {  	v18 =	vld [tilespmem:$0x60];
	v13 =	vsub.s32 v42, v43;
	v9 =	vcvt.s32.f32 v9;
	v11 =	vcvt.s32.f32 v11  }
0x42: {  	v10 =	vld [tilespmem:$0x530];
	v14 =	vsub.s32 v19, v45;
	v12 =	vcvt.s32.f32 v41;
	v13 =	vcvt.s32.f32 v13  }
0x43: {  	v44 =	vld [tilespmem:$0x50];
	v14 =	vcvt.s32.f32 v14;
	v9 =	vmul.f32 v9, v5  }
0x44: {  	v11 =	vmul.f32 v11, v5;
	v12 =	vmul.f32 v12, v5  }
0x45: {  	v13 =	vmul.f32 v13, v5;
	v14 =	vmul.f32 v14, v5  }
0x46: {  	v46 =	vsub.s32 v17, v18;
	v9 =	vmul.f32 $1.000000000e+02, v9;
	v11 =	vmul.f32 $1.000000000e+02, v11  }
0x47: {  	v10 =	vsub.s32 v10, v15;
	v12 =	vmul.f32 $1.000000000e+02, v12;
	v13 =	vmul.f32 $1.000000000e+02, v13  }
0x48: {  	v15 =	vsub.s32 v16, v44;
	v16 =	vcvt.s32.f32 v46;
	v14 =	vmul.f32 $1.000000000e+02, v14  }
0x49: {  	v10 =	vcvt.s32.f32 v10;
	v15 =	vcvt.s32.f32 v15  }
0x4a: {  	v9 =	vtrunc.f32 v9;
	v11 =	vtrunc.f32 v11  }
0x4b: {  	v12 =	vtrunc.f32 v12;
	v13 =	vtrunc.f32 v13  }
0x4c: {  	v16 =	vmul.f32 v16, v5;
	v47 =	vtrunc.f32 v14  }
0x4d: {  	v9 =	vcvt.f32.s32 v9;
	v10 =	vmul.f32 v10, v5  }
0x4e: {  	v11 =	vcvt.f32.s32 v11;
	v15 =	vmul.f32 v15, v5  }
0x4f: {  	v12 =	vcvt.f32.s32 v12;
	v10 =	vmul.f32 $1.000000000e+02, v10  }
0x50: {  	v13 =	vcvt.f32.s32 v13;
	vm0 =	vgt.s32 v9, $0x0;
	v15 =	vmul.f32 $1.000000000e+02, v15  }
0x51: {  	v16 =	vmul.f32 $1.000000000e+02, v16;
	v9 =	vnsel vm0, $0x0, v9;
	v10 =	vtrunc.f32 v10  }
0x52: {  	vm13 =	vgt.s32 v11, $0x0;
	[tilespmem:$0xA00] =	vst v9;
	v9 =	vtrunc.f32 v15;
	v10 =	vcvt.f32.s32 v10  }
0x53: {  	vm14 =	vgt.s32 v12, $0x0;
	v11 =	vnsel vm13, $0x0, v11;
	v9 =	vcvt.f32.s32 v9  }
0x54: {  	v12 =	vnsel vm14, $0x0, v12;
	[tilespmem:$0xA10] =	vst v11;
	v11 =	vtrunc.f32 v16;
	vm15 =	vgt.s32 v10, $0x0  }
0x55: {  	[tilespmem:$0xA20] =	vst v12;
	v11 =	vcvt.f32.s32 v11;
	vm5 =	vgt.s32 v9, $0x0;
	v10 =	vnsel vm15, $0x0, v10  }
0x56: {  	vm4 =	vgt.s32 v13, $0x0;
	v12 =	vcvt.f32.s32 v47;
	v9 =	vnsel vm5, $0x0, v9;
	[tilespmem:$0xA30] =	vst v10  }
0x57: {  	vm6 =	vgt.s32 v11, $0x0;
	v10 =	vnsel vm4, $0x0, v13;
	[tilespmem:$0xA50] =	vst v9  }
0x58: {  	vm7 =	vgt.s32 v12, $0x0;
	v9 =	vnsel vm6, $0x0, v11;
	[tilespmem:$0xA40] =	vst v10  }
0x59: {  	[tilespmem:$0xA60] =	vst v9;
	v9 =	vnsel vm7, $0x0, v12  }
0x5a: {  	[tilespmem:$0xA70] =	vst v9  }
0x5b: {  	v9 =	vld.idx.msk [tilespmem:v0+s17+$0x0], $0xffff;
	_ =	sdelay $0x1  }
0x5c: {  	v10 =	vld.idx.msk [tilespmem:v1+s17+$0x0], $0xffff;
	_ =	sdelay $0x2  }
0x5d: {  	v9 =	vmul.u32 $0x65, v9;
	_ =	sdelay $0x1  }
0x5e: {  	v9 =	vadd.s32 v10, v9  }
0x5f: {  	[tilespmem:$0xA80] =	vst v9  }
0x60: {  	v9 =	vld.idx.msk [tilespmem:v2+s17+$0x0], $0xffff;
	_ =	sdelay $0x1  }
0x61: {  	v10 =	vld.idx.msk [tilespmem:v3+s17+$0x0], $0xffff;
	_ =	sdelay $0x2  }
0x62: {  	v9 =	vmul.u32 $0x65, v9;
	_ =	sdelay $0x1  }
0x63: {  	v9 =	vadd.s32 v10, v9  }
0x64: {  	[tilespmem:$0xA90] =	vst v9  }
0x65: {  	v9 =	vld.idx.msk [tilespmem:v4+s17+$0x0], $0xffff;
	_ =	sdelay $0x1  }
0x66: {  	v10 =	vld.idx.msk [tilespmem:v6+s17+$0x0], $0xffff;
	_ =	sdelay $0x2  }
0x67: {  	v9 =	vmul.u32 $0x65, v9;
	_ =	sdelay $0x1  }
0x68: {  	v9 =	vadd.s32 v10, v9  }
0x69: {  	[tilespmem:$0xAA0] =	vst v9  }
0x6a: {  	v9 =	vld.idx.msk [tilespmem:v7+s17+$0x0], $0xffff;
	_ =	sdelay $0x1  }
0x6b: {  	v10 =	vld.idx.msk [tilespmem:v8+s17+$0x0], $0xffff;
	_ =	sdelay $0x2  }
0x6c: {  	v9 =	vmul.u32 $0x65, v9;
	_ =	sdelay $0x1  }
0x6d: {  	v9 =	vadd.s32 v10, v9  }
0x6e: {  	s19 =	simm.s32 $0xA80;
	[tilespmem:$0xAB0] =	vst v9  }
0x6f: {  	[tilespmem:s20], [sflag:$0x1] =	stream.indirect.gather [spmem:s1], $0x80, s19, s18, $0xb8;
	[tilespmem:$0x1CA48] =	vst v63  }
0x70: {  	v9 =	vld [tilespmem:$0x580]  }
0x71: {  	v10 =	vld [tilespmem:$0x80]  }
0x72: {  	v11 =	vld [tilespmem:$0x590]  }
0x73: {  	v48 =	vld [tilespmem:$0x90]  }
0x74: {  	v49 =	vld [tilespmem:$0x5A0]  }
0x75: {  	v50 =	vld [tilespmem:$0xA0]  }
0x76: {  	v52 =	vld [tilespmem:$0x5C0]  }
0x77: {  	v53 =	vld [tilespmem:$0xC0]  }
0x78: {  	v55 =	vld [tilespmem:$0x5D0]  }
0x79: {  	v56 =	vld [tilespmem:$0xD0]  }
0x7a: {  	v57 =	vld [tilespmem:$0x5E0]  }
0x7b: {  	v58 =	vld [tilespmem:$0xE0]  }
0x7c: {  	v59 =	vld [tilespmem:$0x5F0]  }
0x7d: {  	v20 =	vld [tilespmem:$0xF0]  }
0x7e: {  	v9 =	vsub.s32 v9, v10  }
0x7f: {  	v11 =	vsub.s32 v11, v48;
	v54 =	vsub.s32 v49, v50;
	v16 =	vsub.s32 v52, v53  }
0x80: {  	v13 =	vsub.s32 v55, v56;
	v9 =	vcvt.s32.f32 v9;
	v11 =	vcvt.s32.f32 v11  }
0x81: {  	v15 =	vsub.s32 v57, v58;
	v12 =	vcvt.s32.f32 v54;
	v60 =	vcvt.s32.f32 v16  }
0x82: {  	v61 =	vsub.s32 v59, v20;
	v13 =	vcvt.s32.f32 v13;
	v15 =	vcvt.s32.f32 v15  }
0x83: {  	v51 =	vld [tilespmem:$0x5B0];
	v16 =	vcvt.s32.f32 v61;
	v9 =	vmul.f32 v9, v5  }
0x84: {  	v10 =	vld [tilespmem:$0xB0];
	v11 =	vmul.f32 v11, v5;
	v12 =	vmul.f32 v12, v5  }
0x85: {  	v14 =	vmul.f32 v60, v5;
	v13 =	vmul.f32 v13, v5  }
0x86: {  	v15 =	vmul.f32 v15, v5;
	v16 =	vmul.f32 v16, v5  }
0x87: {  	v9 =	vmul.f32 $1.000000000e+02, v9;
	v11 =	vmul.f32 $1.000000000e+02, v11  }
0x88: {  	v12 =	vmul.f32 $1.000000000e+02, v12;
	v14 =	vmul.f32 $1.000000000e+02, v14  }
0x89: {  	v10 =	vsub.s32 v51, v10;
	v13 =	vmul.f32 $1.000000000e+02, v13;
	v15 =	vmul.f32 $1.000000000e+02, v15  }
0x8a: {  	v62 =	vmul.f32 $1.000000000e+02, v16;
	v10 =	vcvt.s32.f32 v10  }
0x8b: {  	v9 =	vtrunc.f32 v9;
	v11 =	vtrunc.f32 v11  }
0x8c: {  	v12 =	vtrunc.f32 v12;
	v10 =	vmul.f32 v10, v5  }
0x8d: {  	v14 =	vtrunc.f32 v14;
	v9 =	vcvt.f32.s32 v9  }
0x8e: {  	v63 =	vtrunc.f32 v62;
	v10 =	vmul.f32 $1.000000000e+02, v10  }
0x8f: {  	v11 =	vcvt.f32.s32 v11;
	v12 =	vcvt.f32.s32 v12;
	vm8 =	vgt.s32 v9, $0x0  }
0x90: {  	v14 =	vcvt.f32.s32 v14;
	v9 =	vnsel vm8, $0x0, v9;
	v10 =	vtrunc.f32 v10  }
0x91: {  	vm9 =	vgt.s32 v11, $0x0;
	[tilespmem:$0xA00] =	vst v9;
	v9 =	vtrunc.f32 v13;
	v10 =	vcvt.f32.s32 v10  }
0x92: {  	vm10 =	vgt.s32 v12, $0x0;
	v11 =	vnsel vm9, $0x0, v11;
	v9 =	vcvt.f32.s32 v9  }
0x93: {  	v12 =	vnsel vm10, $0x0, v12;
	[tilespmem:$0xA10] =	vst v11;
	v11 =	vtrunc.f32 v15;
	vm11 =	vgt.s32 v10, $0x0  }
0x94: {  	[tilespmem:$0xA20] =	vst v12;
	v11 =	vcvt.f32.s32 v11;
	vm13 =	vgt.s32 v9, $0x0;
	v10 =	vnsel vm11, $0x0, v10  }
0x95: {  	vm12 =	vgt.s32 v14, $0x0;
	v12 =	vcvt.f32.s32 v63;
	v9 =	vnsel vm13, $0x0, v9;
	[tilespmem:$0xA30] =	vst v10  }
0x96: {  	vm14 =	vgt.s32 v11, $0x0;
	v10 =	vnsel vm12, $0x0, v14;
	[tilespmem:$0xA50] =	vst v9  }
0x97: {  	vm15 =	vgt.s32 v12, $0x0;
	v9 =	vnsel vm14, $0x0, v11;
	[tilespmem:$0xA40] =	vst v10  }
0x98: {  	[tilespmem:$0xA60] =	vst v9;
	v9 =	vnsel vm15, $0x0, v12  }
0x99: {  	[tilespmem:$0xA70] =	vst v9  }
0x9a: {  	v9 =	vld.idx.msk [tilespmem:v0+s17+$0x0], $0xffff;
	_ =	sdelay $0x1  }
0x9b: {  	v10 =	vld.idx.msk [tilespmem:v1+s17+$0x0], $0xffff;
	_ =	sdelay $0x2  }
0x9c: {  	v9 =	vmul.u32 $0x65, v9;
	_ =	sdelay $0x1  }
0x9d: {  	v9 =	vadd.s32 v10, v9  }
0x9e: {  	[tilespmem:$0xAC0] =	vst v9  }
0x9f: {  	v9 =	vld.idx.msk [tilespmem:v2+s17+$0x0], $0xffff;
	_ =	sdelay $0x1  }
0xa0: {  	v10 =	vld.idx.msk [tilespmem:v3+s17+$0x0], $0xffff;
	_ =	sdelay $0x2  }
0xa1: {  	v9 =	vmul.u32 $0x65, v9;
	_ =	sdelay $0x1  }
0xa2: {  	v9 =	vadd.s32 v10, v9  }
0xa3: {  	[tilespmem:$0xAD0] =	vst v9  }
0xa4: {  	v9 =	vld.idx.msk [tilespmem:v4+s17+$0x0], $0xffff;
	_ =	sdelay $0x1  }
0xa5: {  	v10 =	vld.idx.msk [tilespmem:v6+s17+$0x0], $0xffff;
	_ =	sdelay $0x2  }
0xa6: {  	v9 =	vmul.u32 $0x65, v9;
	_ =	sdelay $0x1  }
0xa7: {  	v9 =	vadd.s32 v10, v9  }
0xa8: {  	[tilespmem:$0xAE0] =	vst v9  }
0xa9: {  	v9 =	vld.idx.msk [tilespmem:v7+s17+$0x0], $0xffff;
	_ =	sdelay $0x1  }
0xaa: {  	v10 =	vld.idx.msk [tilespmem:v8+s17+$0x0], $0xffff;
	_ =	sdelay $0x2  }
.Ltmp2:
0xab: {  	v9 =	vmul.u32 $0x65, v9;
	(pc) =	sbr.rel .LBB2_2-.Ltmp2, $4  }
0xac: {  	_ = 	snop  }
0xad: {  	v9 =	vadd.s32 v10, v9  }
0xae: {  	s9 =	simm.s32 $0x0;
	s14 =	simm.s32 $0x0;
	[tilespmem:$0xAF0] =	vst v9  }
0xaf: {  	[tilespmem:s22], [sflag:$0x2] =	stream.indirect.gather [spmem:s1], $0x80, s21, s18, $0xb8;
	[tilespmem:$0x1CA48] =	vst v63  }
.LBB2_6:
0xb0: {  	s0 =	sadd.s32 s14, s12;
	s14 =	sadd.s32 $0x1000, s14  }
0xb1: {  	p1 =	sne.s32 s14, $0x19000  }
.Ltmp3:
0xb2: {  	_ = 	snop;
	(pc) =	sbr.rel @!p1 .LBB2_7-.Ltmp3, $4  }
0xb3: {  	_ =	swait.ge [sflag:s31], $0x2000  }
0xb4: {  	[sflag:s31] =	ssyncset.done $0x0  }
0xb5: {  	s9 =	sadd.s32 $0x4, s9;
	[sflag:s31] =	ssyncadd.s32 $0xFFFFE000  }
0xb6: {  	[hbm4b:s0+s2] =	stream.linear.scatter [tilespmem:s28], [sflag:$0x8], $0x2000, $0x38;
	[tilespmem:$0x1CA48] =	vst v63  }
.LBB2_2:
0xb7: {  	s0 =	sadd.s32 $0x2, s9  }
0xb8: {  	s16 =	smul.u32 $0xCD, s0;
	_ =	sdelay $0x1  }
0xb9: {  	s16 =	sshrl.u32 s16, $0xB  }
0xba: {  	s16 =	sand.u32 $0x1F, s16  }
0xbb: {  	s16 =	smul.u32 $0xA, s16;
	_ =	sdelay $0x1  }
0xbc: {  	s16 =	ssub.s32 s0, s16  }
0xbd: {  	s16 =	sand.u32 $0xFF, s16  }
0xbe: {  	p2 =	sne.s32 s16, $0x0  }
0xbf: {  	s0 =	smul.u32 @!p2 $0xCD, s0;
	_ =	sdelay $0x1  }
0xc0: {  	s0 =	sshrl.u32 @!p2 s0, $0xB  }
0xc1: {  	s0 =	sand.u32 @!p2 $0x1F, s0  }
0xc2: {  	s0 =	smul.u32 @!p2 $0x500, s0;
	_ =	sdelay $0x1  }
0xc3: {  	s0 =	sadd.s32 @!p2 s3, s0  }
0xc4: {  	s0 =	sshrl.u32 @!p2 s0, $0x3  }
0xc5: {  	s8 =	simm.s32 @!p2 $0x0;
	s15 =	sadd.s32 @!p2 s4, s0  }
0xc6: {  	[tilespmem:s8], [sflag:$0x9] =	stream.linear.gather @!p2 [hbm4b:s15+s8], $0x500, $0x38;
	[tilespmem:$0x1CA48] =	vst v63  }
0xc7: {  	s15 =	simm.s32 @!p2 $0x9  }
0xc8: {  	_ =	swait.ge @!p2 [sflag:s15], $0x500  }
0xc9: {  	[sflag:s15] =	ssyncset.done @!p2 $0x0  }
0xca: {  	s19 =	simm.s32 @!p2 $0x500;
	s0 =	sadd.s32 @!p2 s5, s0;
	[sflag:s15] =	ssyncadd.s32 @!p2 $0xFFFFFB00  }
0xcb: {  	[tilespmem:s19], [sflag:$0x9] =	stream.linear.gather @!p2 [hbm4b:s0+s8], $0x500, $0x38;
	[tilespmem:$0x1CA48] =	vst v63  }
0xcc: {  	_ =	swait.ge @!p2 [sflag:s15], $0x500  }
0xcd: {  	p1 =	seq.s32 s14, $0x0;
	[sflag:s15] =	ssyncset.done @!p2 $0x0  }
0xce: {  	s0 =	simm.s32 @!p1 $0x7;
	[sflag:s15] =	ssyncadd.s32 @!p2 $0xFFFFFB00  }
0xcf: {  	_ =	swait.ge @!p1 [sflag:s0], $0x2000  }
0xd0: {  	[sflag:s0] =	ssyncset.done @!p1 $0x0  }
0xd1: {  	s15 =	sshll.u32 s16, $0x7;
	[sflag:s0] =	ssyncadd.s32 @!p1 $0xFFFFE000  }
0xd2: {  	v9 =	vld [tilespmem:s15+$0x500]  }
0xd3: {  	v10 =	vld [tilespmem:s15+$0x0];
	_ =	sdelay $0x4  }
0xd4: {  	v9 =	vsub.s32 v9, v10  }
0xd5: {  	v9 =	vcvt.s32.f32 v9;
	_ =	sdelay $0x1  }
0xd6: {  	v9 =	vmul.f32 v9, v5;
	_ =	sdelay $0x1  }
0xd7: {  	v9 =	vmul.f32 $1.000000000e+02, v9;
	_ =	sdelay $0x1  }
0xd8: {  	v9 =	vtrunc.f32 v9  }
0xd9: {  	v9 =	vcvt.f32.s32 v9;
	_ =	sdelay $0x1  }
0xda: {  	vm0 =	vgt.s32 v9, $0x0  }
0xdb: {  	v9 =	vnsel vm0, $0x0, v9  }
0xdc: {  	[tilespmem:$0xA00] =	vst v9  }
0xdd: {  	v9 =	vld [tilespmem:s15+$0x510]  }
0xde: {  	v10 =	vld [tilespmem:s15+$0x10];
	_ =	sdelay $0x4  }
0xdf: {  	v9 =	vsub.s32 v9, v10  }
0xe0: {  	v9 =	vcvt.s32.f32 v9;
	_ =	sdelay $0x1  }
0xe1: {  	v9 =	vmul.f32 v9, v5;
	_ =	sdelay $0x1  }
0xe2: {  	v9 =	vmul.f32 $1.000000000e+02, v9;
	_ =	sdelay $0x1  }
0xe3: {  	v9 =	vtrunc.f32 v9  }
0xe4: {  	v9 =	vcvt.f32.s32 v9;
	_ =	sdelay $0x1  }
0xe5: {  	vm13 =	vgt.s32 v9, $0x0  }
0xe6: {  	v9 =	vnsel vm13, $0x0, v9  }
0xe7: {  	[tilespmem:$0xA10] =	vst v9  }
0xe8: {  	v9 =	vld [tilespmem:s15+$0x520]  }
0xe9: {  	v10 =	vld [tilespmem:s15+$0x20];
	_ =	sdelay $0x4  }
0xea: {  	v9 =	vsub.s32 v9, v10  }
0xeb: {  	v9 =	vcvt.s32.f32 v9;
	_ =	sdelay $0x1  }
0xec: {  	v9 =	vmul.f32 v9, v5;
	_ =	sdelay $0x1  }
0xed: {  	v9 =	vmul.f32 $1.000000000e+02, v9;
	_ =	sdelay $0x1  }
0xee: {  	v9 =	vtrunc.f32 v9  }
0xef: {  	v9 =	vcvt.f32.s32 v9;
	_ =	sdelay $0x1  }
0xf0: {  	vm14 =	vgt.s32 v9, $0x0  }
0xf1: {  	v9 =	vnsel vm14, $0x0, v9  }
0xf2: {  	[tilespmem:$0xA20] =	vst v9  }
0xf3: {  	v9 =	vld [tilespmem:s15+$0x530]  }
0xf4: {  	v10 =	vld [tilespmem:s15+$0x30];
	_ =	sdelay $0x4  }
0xf5: {  	v9 =	vsub.s32 v9, v10  }
0xf6: {  	v9 =	vcvt.s32.f32 v9;
	_ =	sdelay $0x1  }
0xf7: {  	v9 =	vmul.f32 v9, v5;
	_ =	sdelay $0x1  }
0xf8: {  	v9 =	vmul.f32 $1.000000000e+02, v9;
	_ =	sdelay $0x1  }
0xf9: {  	v9 =	vtrunc.f32 v9  }
0xfa: {  	v9 =	vcvt.f32.s32 v9;
	_ =	sdelay $0x1  }
0xfb: {  	vm15 =	vgt.s32 v9, $0x0  }
0xfc: {  	v9 =	vnsel vm15, $0x0, v9  }
0xfd: {  	[tilespmem:$0xA30] =	vst v9  }
0xfe: {  	v9 =	vld [tilespmem:s15+$0x540]  }
0xff: {  	v10 =	vld [tilespmem:s15+$0x40];
	_ =	sdelay $0x4  }
0x100: {  	v9 =	vsub.s32 v9, v10  }
0x101: {  	v9 =	vcvt.s32.f32 v9;
	_ =	sdelay $0x1  }
0x102: {  	v9 =	vmul.f32 v9, v5;
	_ =	sdelay $0x1  }
0x103: {  	v9 =	vmul.f32 $1.000000000e+02, v9;
	_ =	sdelay $0x1  }
0x104: {  	v9 =	vtrunc.f32 v9  }
0x105: {  	v9 =	vcvt.f32.s32 v9;
	_ =	sdelay $0x1  }
0x106: {  	vm4 =	vgt.s32 v9, $0x0  }
0x107: {  	v9 =	vnsel vm4, $0x0, v9  }
0x108: {  	[tilespmem:$0xA40] =	vst v9  }
0x109: {  	v9 =	vld [tilespmem:s15+$0x550]  }
0x10a: {  	v10 =	vld [tilespmem:s15+$0x50];
	_ =	sdelay $0x4  }
0x10b: {  	v9 =	vsub.s32 v9, v10  }
0x10c: {  	v9 =	vcvt.s32.f32 v9;
	_ =	sdelay $0x1  }
0x10d: {  	v9 =	vmul.f32 v9, v5;
	_ =	sdelay $0x1  }
0x10e: {  	v9 =	vmul.f32 $1.000000000e+02, v9;
	_ =	sdelay $0x1  }
0x10f: {  	v9 =	vtrunc.f32 v9  }
0x110: {  	v9 =	vcvt.f32.s32 v9;
	_ =	sdelay $0x1  }
0x111: {  	vm5 =	vgt.s32 v9, $0x0  }
0x112: {  	v9 =	vnsel vm5, $0x0, v9  }
0x113: {  	[tilespmem:$0xA50] =	vst v9  }
0x114: {  	v9 =	vld [tilespmem:s15+$0x560]  }
0x115: {  	v10 =	vld [tilespmem:s15+$0x60];
	_ =	sdelay $0x4  }
0x116: {  	v9 =	vsub.s32 v9, v10  }
0x117: {  	v9 =	vcvt.s32.f32 v9;
	_ =	sdelay $0x1  }
0x118: {  	v9 =	vmul.f32 v9, v5;
	_ =	sdelay $0x1  }
0x119: {  	v9 =	vmul.f32 $1.000000000e+02, v9;
	_ =	sdelay $0x1  }
0x11a: {  	v9 =	vtrunc.f32 v9  }
0x11b: {  	v9 =	vcvt.f32.s32 v9;
	_ =	sdelay $0x1  }
0x11c: {  	vm6 =	vgt.s32 v9, $0x0  }
0x11d: {  	v9 =	vnsel vm6, $0x0, v9  }
0x11e: {  	[tilespmem:$0xA60] =	vst v9  }
0x11f: {  	v9 =	vld [tilespmem:s15+$0x570]  }
0x120: {  	v10 =	vld [tilespmem:s15+$0x70];
	_ =	sdelay $0x4  }
0x121: {  	v9 =	vsub.s32 v9, v10  }
0x122: {  	v9 =	vcvt.s32.f32 v9;
	_ =	sdelay $0x1  }
0x123: {  	v9 =	vmul.f32 v9, v5;
	_ =	sdelay $0x1  }
0x124: {  	v9 =	vmul.f32 $1.000000000e+02, v9;
	_ =	sdelay $0x1  }
0x125: {  	v9 =	vtrunc.f32 v9  }
0x126: {  	v9 =	vcvt.f32.s32 v9;
	_ =	sdelay $0x1  }
0x127: {  	vm7 =	vgt.s32 v9, $0x0  }
0x128: {  	v9 =	vnsel vm7, $0x0, v9  }
0x129: {  	[tilespmem:$0xA70] =	vst v9  }
0x12a: {  	v9 =	vld.idx.msk [tilespmem:v0+s17+$0x0], $0xffff;
	_ =	sdelay $0x1  }
0x12b: {  	v10 =	vld.idx.msk [tilespmem:v1+s17+$0x0], $0xffff;
	_ =	sdelay $0x2  }
0x12c: {  	v9 =	vmul.u32 $0x65, v9;
	_ =	sdelay $0x1  }
0x12d: {  	v9 =	vadd.s32 v10, v9  }
0x12e: {  	[tilespmem:$0xB00] =	vst v9  }
0x12f: {  	v9 =	vld.idx.msk [tilespmem:v2+s17+$0x0], $0xffff;
	_ =	sdelay $0x1  }
0x130: {  	v10 =	vld.idx.msk [tilespmem:v3+s17+$0x0], $0xffff;
	_ =	sdelay $0x2  }
0x131: {  	v9 =	vmul.u32 $0x65, v9;
	_ =	sdelay $0x1  }
0x132: {  	v9 =	vadd.s32 v10, v9  }
0x133: {  	[tilespmem:$0xB10] =	vst v9  }
0x134: {  	v9 =	vld.idx.msk [tilespmem:v4+s17+$0x0], $0xffff;
	_ =	sdelay $0x1  }
0x135: {  	v10 =	vld.idx.msk [tilespmem:v6+s17+$0x0], $0xffff;
	_ =	sdelay $0x2  }
0x136: {  	v9 =	vmul.u32 $0x65, v9;
	_ =	sdelay $0x1  }
0x137: {  	v9 =	vadd.s32 v10, v9  }
0x138: {  	[tilespmem:$0xB20] =	vst v9  }
0x139: {  	v9 =	vld.idx.msk [tilespmem:v7+s17+$0x0], $0xffff;
	_ =	sdelay $0x1  }
0x13a: {  	v10 =	vld.idx.msk [tilespmem:v8+s17+$0x0], $0xffff;
	_ =	sdelay $0x2  }
0x13b: {  	v9 =	vmul.u32 $0x65, v9;
	_ =	sdelay $0x1  }
0x13c: {  	v9 =	vadd.s32 v10, v9  }
0x13d: {  	[tilespmem:$0xB30] =	vst v9  }
0x13e: {  	[tilespmem:s24], [sflag:$0x3] =	stream.indirect.gather [spmem:s1], $0x80, s23, s18, $0xb8;
	[tilespmem:$0x1CA48] =	vst v63  }
0x13f: {  	_ =	swait.ge [sflag:s25], $0x2000  }
0x140: {  	s0 =	sadd.s32 $0x3, s9;
	[sflag:s25] =	ssyncset.done $0x0  }
0x141: {  	s16 =	sadd.s32 s14, s11;
	s19 =	smul.u32 $0xCD, s0;
	[sflag:s25] =	ssyncadd.s32 $0xFFFFE000  }
0x142: {  	[hbm4b:s16+s2] =	stream.linear.scatter [tilespmem:s20], [sflag:$0x5], $0x2000, $0x38;
	[tilespmem:$0x1CA48] =	vst v63  }
0x143: {  	s16 =	sshrl.u32 s19, $0xB  }
0x144: {  	s8 =	sand.u32 $0x1F, s16  }
0x145: {  	s8 =	smul.u32 $0xA, s8  }
0x146: {  	s15 =	simm.s32 @!p1 $0x8  }
0x147: {  	_ =	swait.ge @!p1 [sflag:s15], $0x2000;
	s0 =	ssub.s32 s0, s8  }
0x148: {  	[sflag:s15] =	ssyncset.done @!p1 $0x0;
	s0 =	sand.u32 $0xFF, s0  }
0x149: {  	[sflag:s15] =	ssyncadd.s32 @!p1 $0xFFFFE000;
	s0 =	sshll.u32 s0, $0x7  }
0x14a: {  	v9 =	vld [tilespmem:s0+$0x500]  }
0x14b: {  	v10 =	vld [tilespmem:s0+$0x0];
	_ =	sdelay $0x4  }
0x14c: {  	v9 =	vsub.s32 v9, v10  }
0x14d: {  	v9 =	vcvt.s32.f32 v9;
	_ =	sdelay $0x1  }
0x14e: {  	v9 =	vmul.f32 v9, v5;
	_ =	sdelay $0x1  }
0x14f: {  	v9 =	vmul.f32 $1.000000000e+02, v9;
	_ =	sdelay $0x1  }
0x150: {  	v9 =	vtrunc.f32 v9  }
0x151: {  	v9 =	vcvt.f32.s32 v9;
	_ =	sdelay $0x1  }
0x152: {  	vm8 =	vgt.s32 v9, $0x0  }
0x153: {  	v9 =	vnsel vm8, $0x0, v9  }
0x154: {  	[tilespmem:$0xA00] =	vst v9  }
0x155: {  	v9 =	vld [tilespmem:s0+$0x510]  }
0x156: {  	v10 =	vld [tilespmem:s0+$0x10];
	_ =	sdelay $0x4  }
0x157: {  	v9 =	vsub.s32 v9, v10  }
0x158: {  	v9 =	vcvt.s32.f32 v9;
	_ =	sdelay $0x1  }
0x159: {  	v9 =	vmul.f32 v9, v5;
	_ =	sdelay $0x1  }
0x15a: {  	v9 =	vmul.f32 $1.000000000e+02, v9;
	_ =	sdelay $0x1  }
0x15b: {  	v9 =	vtrunc.f32 v9  }
0x15c: {  	v9 =	vcvt.f32.s32 v9;
	_ =	sdelay $0x1  }
0x15d: {  	vm9 =	vgt.s32 v9, $0x0  }
0x15e: {  	v9 =	vnsel vm9, $0x0, v9  }
0x15f: {  	[tilespmem:$0xA10] =	vst v9  }
0x160: {  	v9 =	vld [tilespmem:s0+$0x520]  }
0x161: {  	v10 =	vld [tilespmem:s0+$0x20];
	_ =	sdelay $0x4  }
0x162: {  	v9 =	vsub.s32 v9, v10  }
0x163: {  	v9 =	vcvt.s32.f32 v9;
	_ =	sdelay $0x1  }
0x164: {  	v9 =	vmul.f32 v9, v5;
	_ =	sdelay $0x1  }
0x165: {  	v9 =	vmul.f32 $1.000000000e+02, v9;
	_ =	sdelay $0x1  }
0x166: {  	v9 =	vtrunc.f32 v9  }
0x167: {  	v9 =	vcvt.f32.s32 v9;
	_ =	sdelay $0x1  }
0x168: {  	vm10 =	vgt.s32 v9, $0x0  }
0x169: {  	v9 =	vnsel vm10, $0x0, v9  }
0x16a: {  	[tilespmem:$0xA20] =	vst v9  }
0x16b: {  	v9 =	vld [tilespmem:s0+$0x530]  }
0x16c: {  	v10 =	vld [tilespmem:s0+$0x30];
	_ =	sdelay $0x4  }
0x16d: {  	v9 =	vsub.s32 v9, v10  }
0x16e: {  	v9 =	vcvt.s32.f32 v9;
	_ =	sdelay $0x1  }
0x16f: {  	v9 =	vmul.f32 v9, v5;
	_ =	sdelay $0x1  }
0x170: {  	v9 =	vmul.f32 $1.000000000e+02, v9;
	_ =	sdelay $0x1  }
0x171: {  	v9 =	vtrunc.f32 v9  }
0x172: {  	v9 =	vcvt.f32.s32 v9;
	_ =	sdelay $0x1  }
0x173: {  	vm11 =	vgt.s32 v9, $0x0  }
0x174: {  	v9 =	vnsel vm11, $0x0, v9  }
0x175: {  	[tilespmem:$0xA30] =	vst v9  }
0x176: {  	v9 =	vld [tilespmem:s0+$0x540]  }
0x177: {  	v10 =	vld [tilespmem:s0+$0x40];
	_ =	sdelay $0x4  }
0x178: {  	v9 =	vsub.s32 v9, v10  }
0x179: {  	v9 =	vcvt.s32.f32 v9;
	_ =	sdelay $0x1  }
0x17a: {  	v9 =	vmul.f32 v9, v5;
	_ =	sdelay $0x1  }
0x17b: {  	v9 =	vmul.f32 $1.000000000e+02, v9;
	_ =	sdelay $0x1  }
0x17c: {  	v9 =	vtrunc.f32 v9  }
0x17d: {  	v9 =	vcvt.f32.s32 v9;
	_ =	sdelay $0x1  }
0x17e: {  	vm12 =	vgt.s32 v9, $0x0  }
0x17f: {  	v9 =	vnsel vm12, $0x0, v9  }
0x180: {  	[tilespmem:$0xA40] =	vst v9  }
0x181: {  	v9 =	vld [tilespmem:s0+$0x550]  }
0x182: {  	v10 =	vld [tilespmem:s0+$0x50];
	_ =	sdelay $0x4  }
0x183: {  	v9 =	vsub.s32 v9, v10  }
0x184: {  	v9 =	vcvt.s32.f32 v9;
	_ =	sdelay $0x1  }
0x185: {  	v9 =	vmul.f32 v9, v5;
	_ =	sdelay $0x1  }
0x186: {  	v9 =	vmul.f32 $1.000000000e+02, v9;
	_ =	sdelay $0x1  }
0x187: {  	v9 =	vtrunc.f32 v9  }
0x188: {  	v9 =	vcvt.f32.s32 v9;
	_ =	sdelay $0x1  }
0x189: {  	vm13 =	vgt.s32 v9, $0x0  }
0x18a: {  	v9 =	vnsel vm13, $0x0, v9  }
0x18b: {  	[tilespmem:$0xA50] =	vst v9  }
0x18c: {  	v9 =	vld [tilespmem:s0+$0x560]  }
0x18d: {  	v10 =	vld [tilespmem:s0+$0x60];
	_ =	sdelay $0x4  }
0x18e: {  	v9 =	vsub.s32 v9, v10  }
0x18f: {  	v9 =	vcvt.s32.f32 v9;
	_ =	sdelay $0x1  }
0x190: {  	v9 =	vmul.f32 v9, v5;
	_ =	sdelay $0x1  }
0x191: {  	v9 =	vmul.f32 $1.000000000e+02, v9;
	_ =	sdelay $0x1  }
0x192: {  	v9 =	vtrunc.f32 v9  }
0x193: {  	v9 =	vcvt.f32.s32 v9;
	_ =	sdelay $0x1  }
0x194: {  	vm14 =	vgt.s32 v9, $0x0  }
0x195: {  	v9 =	vnsel vm14, $0x0, v9  }
0x196: {  	[tilespmem:$0xA60] =	vst v9  }
0x197: {  	v9 =	vld [tilespmem:s0+$0x570]  }
0x198: {  	v10 =	vld [tilespmem:s0+$0x70];
	_ =	sdelay $0x4  }
0x199: {  	v9 =	vsub.s32 v9, v10  }
0x19a: {  	v9 =	vcvt.s32.f32 v9;
	_ =	sdelay $0x1  }
0x19b: {  	v9 =	vmul.f32 v9, v5;
	_ =	sdelay $0x1  }
0x19c: {  	v9 =	vmul.f32 $1.000000000e+02, v9;
	_ =	sdelay $0x1  }
0x19d: {  	v9 =	vtrunc.f32 v9  }
0x19e: {  	v9 =	vcvt.f32.s32 v9;
	_ =	sdelay $0x1  }
0x19f: {  	vm15 =	vgt.s32 v9, $0x0  }
0x1a0: {  	v9 =	vnsel vm15, $0x0, v9  }
0x1a1: {  	[tilespmem:$0xA70] =	vst v9  }
0x1a2: {  	v9 =	vld.idx.msk [tilespmem:v0+s17+$0x0], $0xffff;
	_ =	sdelay $0x1  }
0x1a3: {  	v10 =	vld.idx.msk [tilespmem:v1+s17+$0x0], $0xffff;
	_ =	sdelay $0x2  }
0x1a4: {  	v9 =	vmul.u32 $0x65, v9;
	_ =	sdelay $0x1  }
0x1a5: {  	v9 =	vadd.s32 v10, v9  }
0x1a6: {  	[tilespmem:$0xB40] =	vst v9  }
0x1a7: {  	v9 =	vld.idx.msk [tilespmem:v2+s17+$0x0], $0xffff;
	_ =	sdelay $0x1  }
0x1a8: {  	v10 =	vld.idx.msk [tilespmem:v3+s17+$0x0], $0xffff;
	_ =	sdelay $0x2  }
0x1a9: {  	v9 =	vmul.u32 $0x65, v9;
	_ =	sdelay $0x1  }
0x1aa: {  	v9 =	vadd.s32 v10, v9  }
0x1ab: {  	[tilespmem:$0xB50] =	vst v9  }
0x1ac: {  	v9 =	vld.idx.msk [tilespmem:v4+s17+$0x0], $0xffff;
	_ =	sdelay $0x1  }
0x1ad: {  	v10 =	vld.idx.msk [tilespmem:v6+s17+$0x0], $0xffff;
	_ =	sdelay $0x2  }
0x1ae: {  	v9 =	vmul.u32 $0x65, v9;
	_ =	sdelay $0x1  }
0x1af: {  	v9 =	vadd.s32 v10, v9  }
0x1b0: {  	[tilespmem:$0xB60] =	vst v9  }
0x1b1: {  	v9 =	vld.idx.msk [tilespmem:v7+s17+$0x0], $0xffff;
	_ =	sdelay $0x1  }
0x1b2: {  	v10 =	vld.idx.msk [tilespmem:v8+s17+$0x0], $0xffff;
	_ =	sdelay $0x2  }
0x1b3: {  	v9 =	vmul.u32 $0x65, v9;
	_ =	sdelay $0x1  }
0x1b4: {  	v9 =	vadd.s32 v10, v9  }
0x1b5: {  	p1 =	seq.s32 s14, $0x18000;
	[tilespmem:$0xB70] =	vst v9  }
0x1b6: {  	[tilespmem:s28], [sflag:$0x4] =	stream.indirect.gather [spmem:s1], $0x80, s26, s18, $0xb8;
	[tilespmem:$0x1CA48] =	vst v63  }
.Ltmp4:
0x1b7: {  	_ = 	snop;
	(pc) =	sbr.rel @p1 .LBB2_4-.Ltmp4, $4  }
0x1b8: {  	_ =	swait.ge [sflag:s29], $0x2000  }
0x1b9: {  	[sflag:s29] =	ssyncset.done $0x0  }
0x1ba: {  	s19 =	sadd.s32 s14, s10;
	[sflag:s29] =	ssyncadd.s32 $0xFFFFE000  }
0x1bb: {  	[hbm4b:s19+s2] =	stream.linear.scatter [tilespmem:s22], [sflag:$0x6], $0x2000, $0x38;
	[tilespmem:$0x1CA48] =	vst v63  }
0x1bc: {  	s0 =	sadd.s32 $0x4, s9  }
0x1bd: {  	s8 =	sand.u32 $0xFF, s0  }
0x1be: {  	s8 =	smul.u32 $0xCD, s8;
	_ =	sdelay $0x1  }
0x1bf: {  	s8 =	sshrl.u32 s8, $0xB  }
0x1c0: {  	s8 =	smul.u32 $0xA, s8;
	_ =	sdelay $0x1  }
0x1c1: {  	s8 =	ssub.s32 s0, s8  }
0x1c2: {  	s8 =	sand.u32 $0xFF, s8  }
0x1c3: {  	p2 =	sne.s32 s8, $0x0  }
0x1c4: {  	s0 =	sand.u32 @!p2 $0xFF, s0  }
0x1c5: {  	s0 =	smul.u32 @!p2 $0xCD, s0;
	_ =	sdelay $0x1  }
0x1c6: {  	s0 =	sshrl.u32 @!p2 s0, $0xB  }
0x1c7: {  	s0 =	smul.u32 @!p2 $0x500, s0;
	_ =	sdelay $0x1  }
0x1c8: {  	s0 =	sadd.s32 @!p2 s3, s0  }
0x1c9: {  	s0 =	sshrl.u32 @!p2 s0, $0x3  }
0x1ca: {  	s16 =	simm.s32 @!p2 $0x0;
	s15 =	sadd.s32 @!p2 s4, s0  }
0x1cb: {  	[tilespmem:s16], [sflag:$0x9] =	stream.linear.gather @!p2 [hbm4b:s15+s16], $0x500, $0x38;
	[tilespmem:$0x1CA48] =	vst v63  }
0x1cc: {  	s15 =	simm.s32 @!p2 $0x9  }
0x1cd: {  	_ =	swait.ge @!p2 [sflag:s15], $0x500  }
0x1ce: {  	[sflag:s15] =	ssyncset.done @!p2 $0x0  }
0x1cf: {  	s19 =	simm.s32 @!p2 $0x500;
	s0 =	sadd.s32 @!p2 s5, s0;
	[sflag:s15] =	ssyncadd.s32 @!p2 $0xFFFFFB00  }
0x1d0: {  	[tilespmem:s19], [sflag:$0x9] =	stream.linear.gather @!p2 [hbm4b:s0+s16], $0x500, $0x38;
	[tilespmem:$0x1CA48] =	vst v63  }
0x1d1: {  	_ =	swait.ge @!p2 [sflag:s15], $0x500  }
0x1d2: {  	[sflag:s15] =	ssyncset.done @!p2 $0x0  }
0x1d3: {  	[sflag:s15] =	ssyncadd.s32 @!p2 $0xFFFFFB00  }
0x1d4: {  	_ =	swait.ge [sflag:s7], $0x2000  }
0x1d5: {  	[sflag:s7] =	ssyncset.done $0x0  }
0x1d6: {  	s16 =	sshll.u32 s8, $0x7;
	[sflag:s7] =	ssyncadd.s32 $0xFFFFE000  }
0x1d7: {  	v9 =	vld [tilespmem:s16+$0x500]  }
0x1d8: {  	v10 =	vld [tilespmem:s16+$0x0];
	_ =	sdelay $0x4  }
0x1d9: {  	v9 =	vsub.s32 v9, v10  }
0x1da: {  	v9 =	vcvt.s32.f32 v9;
	_ =	sdelay $0x1  }
0x1db: {  	v9 =	vmul.f32 v9, v5;
	_ =	sdelay $0x1  }
0x1dc: {  	v9 =	vmul.f32 $1.000000000e+02, v9;
	_ =	sdelay $0x1  }
0x1dd: {  	v9 =	vtrunc.f32 v9  }
0x1de: {  	v9 =	vcvt.f32.s32 v9;
	_ =	sdelay $0x1  }
0x1df: {  	vm0 =	vgt.s32 v9, $0x0  }
0x1e0: {  	v9 =	vnsel vm0, $0x0, v9  }
0x1e1: {  	[tilespmem:$0xA00] =	vst v9  }
0x1e2: {  	v9 =	vld [tilespmem:s16+$0x510]  }
0x1e3: {  	v10 =	vld [tilespmem:s16+$0x10];
	_ =	sdelay $0x4  }
0x1e4: {  	v9 =	vsub.s32 v9, v10  }
0x1e5: {  	v9 =	vcvt.s32.f32 v9;
	_ =	sdelay $0x1  }
0x1e6: {  	v9 =	vmul.f32 v9, v5;
	_ =	sdelay $0x1  }
0x1e7: {  	v9 =	vmul.f32 $1.000000000e+02, v9;
	_ =	sdelay $0x1  }
0x1e8: {  	v9 =	vtrunc.f32 v9  }
0x1e9: {  	v9 =	vcvt.f32.s32 v9;
	_ =	sdelay $0x1  }
0x1ea: {  	vm9 =	vgt.s32 v9, $0x0  }
0x1eb: {  	v9 =	vnsel vm9, $0x0, v9  }
0x1ec: {  	[tilespmem:$0xA10] =	vst v9  }
0x1ed: {  	v9 =	vld [tilespmem:s16+$0x520]  }
0x1ee: {  	v10 =	vld [tilespmem:s16+$0x20];
	_ =	sdelay $0x4  }
0x1ef: {  	v9 =	vsub.s32 v9, v10  }
0x1f0: {  	v9 =	vcvt.s32.f32 v9;
	_ =	sdelay $0x1  }
0x1f1: {  	v9 =	vmul.f32 v9, v5;
	_ =	sdelay $0x1  }
0x1f2: {  	v9 =	vmul.f32 $1.000000000e+02, v9;
	_ =	sdelay $0x1  }
0x1f3: {  	v9 =	vtrunc.f32 v9  }
0x1f4: {  	v9 =	vcvt.f32.s32 v9;
	_ =	sdelay $0x1  }
0x1f5: {  	vm10 =	vgt.s32 v9, $0x0  }
0x1f6: {  	v9 =	vnsel vm10, $0x0, v9  }
0x1f7: {  	[tilespmem:$0xA20] =	vst v9  }
0x1f8: {  	v9 =	vld [tilespmem:s16+$0x530]  }
0x1f9: {  	v10 =	vld [tilespmem:s16+$0x30];
	_ =	sdelay $0x4  }
0x1fa: {  	v9 =	vsub.s32 v9, v10  }
0x1fb: {  	v9 =	vcvt.s32.f32 v9;
	_ =	sdelay $0x1  }
0x1fc: {  	v9 =	vmul.f32 v9, v5;
	_ =	sdelay $0x1  }
0x1fd: {  	v9 =	vmul.f32 $1.000000000e+02, v9;
	_ =	sdelay $0x1  }
0x1fe: {  	v9 =	vtrunc.f32 v9  }
0x1ff: {  	v9 =	vcvt.f32.s32 v9;
	_ =	sdelay $0x1  }
0x200: {  	vm11 =	vgt.s32 v9, $0x0  }
0x201: {  	v9 =	vnsel vm11, $0x0, v9  }
0x202: {  	[tilespmem:$0xA30] =	vst v9  }
0x203: {  	v9 =	vld [tilespmem:s16+$0x540]  }
0x204: {  	v10 =	vld [tilespmem:s16+$0x40];
	_ =	sdelay $0x4  }
0x205: {  	v9 =	vsub.s32 v9, v10  }
0x206: {  	v9 =	vcvt.s32.f32 v9;
	_ =	sdelay $0x1  }
0x207: {  	v9 =	vmul.f32 v9, v5;
	_ =	sdelay $0x1  }
0x208: {  	v9 =	vmul.f32 $1.000000000e+02, v9;
	_ =	sdelay $0x1  }
0x209: {  	v9 =	vtrunc.f32 v9  }
0x20a: {  	v9 =	vcvt.f32.s32 v9;
	_ =	sdelay $0x1  }
0x20b: {  	vm12 =	vgt.s32 v9, $0x0  }
0x20c: {  	v9 =	vnsel vm12, $0x0, v9  }
0x20d: {  	[tilespmem:$0xA40] =	vst v9  }
0x20e: {  	v9 =	vld [tilespmem:s16+$0x550]  }
0x20f: {  	v10 =	vld [tilespmem:s16+$0x50];
	_ =	sdelay $0x4  }
0x210: {  	v9 =	vsub.s32 v9, v10  }
0x211: {  	v9 =	vcvt.s32.f32 v9;
	_ =	sdelay $0x1  }
0x212: {  	v9 =	vmul.f32 v9, v5;
	_ =	sdelay $0x1  }
0x213: {  	v9 =	vmul.f32 $1.000000000e+02, v9;
	_ =	sdelay $0x1  }
0x214: {  	v9 =	vtrunc.f32 v9  }
0x215: {  	v9 =	vcvt.f32.s32 v9;
	_ =	sdelay $0x1  }
0x216: {  	vm13 =	vgt.s32 v9, $0x0  }
0x217: {  	v9 =	vnsel vm13, $0x0, v9  }
0x218: {  	[tilespmem:$0xA50] =	vst v9  }
0x219: {  	v9 =	vld [tilespmem:s16+$0x560]  }
0x21a: {  	v10 =	vld [tilespmem:s16+$0x60];
	_ =	sdelay $0x4  }
0x21b: {  	v9 =	vsub.s32 v9, v10  }
0x21c: {  	v9 =	vcvt.s32.f32 v9;
	_ =	sdelay $0x1  }
0x21d: {  	v9 =	vmul.f32 v9, v5;
	_ =	sdelay $0x1  }
0x21e: {  	v9 =	vmul.f32 $1.000000000e+02, v9;
	_ =	sdelay $0x1  }
0x21f: {  	v9 =	vtrunc.f32 v9  }
0x220: {  	v9 =	vcvt.f32.s32 v9;
	_ =	sdelay $0x1  }
0x221: {  	vm14 =	vgt.s32 v9, $0x0  }
0x222: {  	v9 =	vnsel vm14, $0x0, v9  }
0x223: {  	[tilespmem:$0xA60] =	vst v9  }
0x224: {  	v9 =	vld [tilespmem:s16+$0x570]  }
0x225: {  	v10 =	vld [tilespmem:s16+$0x70];
	_ =	sdelay $0x4  }
0x226: {  	v9 =	vsub.s32 v9, v10  }
0x227: {  	v9 =	vcvt.s32.f32 v9;
	_ =	sdelay $0x1  }
0x228: {  	v9 =	vmul.f32 v9, v5;
	_ =	sdelay $0x1  }
0x229: {  	v9 =	vmul.f32 $1.000000000e+02, v9;
	_ =	sdelay $0x1  }
0x22a: {  	v9 =	vtrunc.f32 v9  }
0x22b: {  	v9 =	vcvt.f32.s32 v9;
	_ =	sdelay $0x1  }
0x22c: {  	vm15 =	vgt.s32 v9, $0x0  }
0x22d: {  	v9 =	vnsel vm15, $0x0, v9  }
0x22e: {  	[tilespmem:$0xA70] =	vst v9  }
0x22f: {  	v9 =	vld.idx.msk [tilespmem:v0+s17+$0x0], $0xffff;
	_ =	sdelay $0x1  }
0x230: {  	v10 =	vld.idx.msk [tilespmem:v1+s17+$0x0], $0xffff;
	_ =	sdelay $0x2  }
0x231: {  	v9 =	vmul.u32 $0x65, v9;
	_ =	sdelay $0x1  }
0x232: {  	v9 =	vadd.s32 v10, v9  }
0x233: {  	[tilespmem:$0xA80] =	vst v9  }
0x234: {  	v9 =	vld.idx.msk [tilespmem:v2+s17+$0x0], $0xffff;
	_ =	sdelay $0x1  }
0x235: {  	v10 =	vld.idx.msk [tilespmem:v3+s17+$0x0], $0xffff;
	_ =	sdelay $0x2  }
0x236: {  	v9 =	vmul.u32 $0x65, v9;
	_ =	sdelay $0x1  }
0x237: {  	v9 =	vadd.s32 v10, v9  }
0x238: {  	[tilespmem:$0xA90] =	vst v9  }
0x239: {  	v9 =	vld.idx.msk [tilespmem:v4+s17+$0x0], $0xffff;
	_ =	sdelay $0x1  }
0x23a: {  	v10 =	vld.idx.msk [tilespmem:v6+s17+$0x0], $0xffff;
	_ =	sdelay $0x2  }
0x23b: {  	v9 =	vmul.u32 $0x65, v9;
	_ =	sdelay $0x1  }
0x23c: {  	v9 =	vadd.s32 v10, v9  }
0x23d: {  	[tilespmem:$0xAA0] =	vst v9  }
0x23e: {  	v9 =	vld.idx.msk [tilespmem:v7+s17+$0x0], $0xffff;
	_ =	sdelay $0x1  }
0x23f: {  	v10 =	vld.idx.msk [tilespmem:v8+s17+$0x0], $0xffff;
	_ =	sdelay $0x2  }
0x240: {  	v9 =	vmul.u32 $0x65, v9;
	_ =	sdelay $0x1  }
0x241: {  	v9 =	vadd.s32 v10, v9  }
0x242: {  	s19 =	simm.s32 $0xA80;
	[tilespmem:$0xAB0] =	vst v9  }
0x243: {  	[tilespmem:s20], [sflag:$0x1] =	stream.indirect.gather [spmem:s1], $0x80, s19, s18, $0xb8;
	[tilespmem:$0x1CA48] =	vst v63  }
.LBB2_4:
.Ltmp5:
0x244: {  	(pc) =	sbr.rel @p1 .LBB2_6-.Ltmp5, $4  }
0x245: {  	_ =	swait.ge [sflag:s30], $0x2000  }
0x246: {  	[sflag:s30] =	ssyncset.done $0x0  }
0x247: {  	s0 =	sadd.s32 s14, s13;
	[sflag:s30] =	ssyncadd.s32 $0xFFFFE000  }
0x248: {  	[hbm4b:s0+s2] =	stream.linear.scatter [tilespmem:s24], [sflag:$0x7], $0x2000, $0x38;
	[tilespmem:$0x1CA48] =	vst v63  }
0x249: {  	s0 =	sadd.s32 $0x5, s9  }
0x24a: {  	s8 =	sand.u32 $0xFF, s0  }
0x24b: {  	s8 =	smul.u32 $0xCD, s8;
	_ =	sdelay $0x1  }
0x24c: {  	s8 =	sshrl.u32 s8, $0xB  }
0x24d: {  	s8 =	smul.u32 $0xA, s8;
	_ =	sdelay $0x1  }
0x24e: {  	_ =	swait.ge [sflag:s6], $0x2000;
	s0 =	ssub.s32 s0, s8  }
0x24f: {  	[sflag:s6] =	ssyncset.done $0x0;
	s0 =	sand.u32 $0xFF, s0  }
0x250: {  	[sflag:s6] =	ssyncadd.s32 $0xFFFFE000;
	s0 =	sshll.u32 s0, $0x7  }
0x251: {  	v9 =	vld [tilespmem:s0+$0x500]  }
0x252: {  	v10 =	vld [tilespmem:s0+$0x0];
	_ =	sdelay $0x4  }
0x253: {  	v9 =	vsub.s32 v9, v10  }
0x254: {  	v9 =	vcvt.s32.f32 v9;
	_ =	sdelay $0x1  }
0x255: {  	v9 =	vmul.f32 v9, v5;
	_ =	sdelay $0x1  }
0x256: {  	v9 =	vmul.f32 $1.000000000e+02, v9;
	_ =	sdelay $0x1  }
0x257: {  	v9 =	vtrunc.f32 v9  }
0x258: {  	v9 =	vcvt.f32.s32 v9;
	_ =	sdelay $0x1  }
0x259: {  	vm0 =	vgt.s32 v9, $0x0  }
0x25a: {  	v9 =	vnsel vm0, $0x0, v9  }
0x25b: {  	[tilespmem:$0xA00] =	vst v9  }
0x25c: {  	v9 =	vld [tilespmem:s0+$0x510]  }
0x25d: {  	v10 =	vld [tilespmem:s0+$0x10];
	_ =	sdelay $0x4  }
0x25e: {  	v9 =	vsub.s32 v9, v10  }
0x25f: {  	v9 =	vcvt.s32.f32 v9;
	_ =	sdelay $0x1  }
0x260: {  	v9 =	vmul.f32 v9, v5;
	_ =	sdelay $0x1  }
0x261: {  	v9 =	vmul.f32 $1.000000000e+02, v9;
	_ =	sdelay $0x1  }
0x262: {  	v9 =	vtrunc.f32 v9  }
0x263: {  	v9 =	vcvt.f32.s32 v9;
	_ =	sdelay $0x1  }
0x264: {  	vm9 =	vgt.s32 v9, $0x0  }
0x265: {  	v9 =	vnsel vm9, $0x0, v9  }
0x266: {  	[tilespmem:$0xA10] =	vst v9  }
0x267: {  	v9 =	vld [tilespmem:s0+$0x520]  }
0x268: {  	v10 =	vld [tilespmem:s0+$0x20];
	_ =	sdelay $0x4  }
0x269: {  	v9 =	vsub.s32 v9, v10  }
0x26a: {  	v9 =	vcvt.s32.f32 v9;
	_ =	sdelay $0x1  }
0x26b: {  	v9 =	vmul.f32 v9, v5;
	_ =	sdelay $0x1  }
0x26c: {  	v9 =	vmul.f32 $1.000000000e+02, v9;
	_ =	sdelay $0x1  }
0x26d: {  	v9 =	vtrunc.f32 v9  }
0x26e: {  	v9 =	vcvt.f32.s32 v9;
	_ =	sdelay $0x1  }
0x26f: {  	vm10 =	vgt.s32 v9, $0x0  }
0x270: {  	v9 =	vnsel vm10, $0x0, v9  }
0x271: {  	[tilespmem:$0xA20] =	vst v9  }
0x272: {  	v9 =	vld [tilespmem:s0+$0x530]  }
0x273: {  	v10 =	vld [tilespmem:s0+$0x30];
	_ =	sdelay $0x4  }
0x274: {  	v9 =	vsub.s32 v9, v10  }
0x275: {  	v9 =	vcvt.s32.f32 v9;
	_ =	sdelay $0x1  }
0x276: {  	v9 =	vmul.f32 v9, v5;
	_ =	sdelay $0x1  }
0x277: {  	v9 =	vmul.f32 $1.000000000e+02, v9;
	_ =	sdelay $0x1  }
0x278: {  	v9 =	vtrunc.f32 v9  }
0x279: {  	v9 =	vcvt.f32.s32 v9;
	_ =	sdelay $0x1  }
0x27a: {  	vm11 =	vgt.s32 v9, $0x0  }
0x27b: {  	v9 =	vnsel vm11, $0x0, v9  }
0x27c: {  	[tilespmem:$0xA30] =	vst v9  }
0x27d: {  	v9 =	vld [tilespmem:s0+$0x540]  }
0x27e: {  	v10 =	vld [tilespmem:s0+$0x40];
	_ =	sdelay $0x4  }
0x27f: {  	v9 =	vsub.s32 v9, v10  }
0x280: {  	v9 =	vcvt.s32.f32 v9;
	_ =	sdelay $0x1  }
0x281: {  	v9 =	vmul.f32 v9, v5;
	_ =	sdelay $0x1  }
0x282: {  	v9 =	vmul.f32 $1.000000000e+02, v9;
	_ =	sdelay $0x1  }
0x283: {  	v9 =	vtrunc.f32 v9  }
0x284: {  	v9 =	vcvt.f32.s32 v9;
	_ =	sdelay $0x1  }
0x285: {  	vm12 =	vgt.s32 v9, $0x0  }
0x286: {  	v9 =	vnsel vm12, $0x0, v9  }
0x287: {  	[tilespmem:$0xA40] =	vst v9  }
0x288: {  	v9 =	vld [tilespmem:s0+$0x550]  }
0x289: {  	v10 =	vld [tilespmem:s0+$0x50];
	_ =	sdelay $0x4  }
0x28a: {  	v9 =	vsub.s32 v9, v10  }
0x28b: {  	v9 =	vcvt.s32.f32 v9;
	_ =	sdelay $0x1  }
0x28c: {  	v9 =	vmul.f32 v9, v5;
	_ =	sdelay $0x1  }
0x28d: {  	v9 =	vmul.f32 $1.000000000e+02, v9;
	_ =	sdelay $0x1  }
0x28e: {  	v9 =	vtrunc.f32 v9  }
0x28f: {  	v9 =	vcvt.f32.s32 v9;
	_ =	sdelay $0x1  }
0x290: {  	vm13 =	vgt.s32 v9, $0x0  }
0x291: {  	v9 =	vnsel vm13, $0x0, v9  }
0x292: {  	[tilespmem:$0xA50] =	vst v9  }
0x293: {  	v9 =	vld [tilespmem:s0+$0x560]  }
0x294: {  	v10 =	vld [tilespmem:s0+$0x60];
	_ =	sdelay $0x4  }
0x295: {  	v9 =	vsub.s32 v9, v10  }
0x296: {  	v9 =	vcvt.s32.f32 v9;
	_ =	sdelay $0x1  }
0x297: {  	v9 =	vmul.f32 v9, v5;
	_ =	sdelay $0x1  }
0x298: {  	v9 =	vmul.f32 $1.000000000e+02, v9;
	_ =	sdelay $0x1  }
0x299: {  	v9 =	vtrunc.f32 v9  }
0x29a: {  	v9 =	vcvt.f32.s32 v9;
	_ =	sdelay $0x1  }
0x29b: {  	vm14 =	vgt.s32 v9, $0x0  }
0x29c: {  	v9 =	vnsel vm14, $0x0, v9  }
0x29d: {  	[tilespmem:$0xA60] =	vst v9  }
0x29e: {  	v9 =	vld [tilespmem:s0+$0x570]  }
0x29f: {  	v10 =	vld [tilespmem:s0+$0x70];
	_ =	sdelay $0x4  }
0x2a0: {  	v9 =	vsub.s32 v9, v10  }
0x2a1: {  	v9 =	vcvt.s32.f32 v9;
	_ =	sdelay $0x1  }
0x2a2: {  	v9 =	vmul.f32 v9, v5;
	_ =	sdelay $0x1  }
0x2a3: {  	v9 =	vmul.f32 $1.000000000e+02, v9;
	_ =	sdelay $0x1  }
0x2a4: {  	v9 =	vtrunc.f32 v9  }
0x2a5: {  	v9 =	vcvt.f32.s32 v9;
	_ =	sdelay $0x1  }
0x2a6: {  	vm15 =	vgt.s32 v9, $0x0  }
0x2a7: {  	v9 =	vnsel vm15, $0x0, v9  }
0x2a8: {  	[tilespmem:$0xA70] =	vst v9  }
0x2a9: {  	v9 =	vld.idx.msk [tilespmem:v0+s17+$0x0], $0xffff;
	_ =	sdelay $0x1  }
0x2aa: {  	v10 =	vld.idx.msk [tilespmem:v1+s17+$0x0], $0xffff;
	_ =	sdelay $0x2  }
0x2ab: {  	v9 =	vmul.u32 $0x65, v9;
	_ =	sdelay $0x1  }
0x2ac: {  	v9 =	vadd.s32 v10, v9  }
0x2ad: {  	[tilespmem:$0xAC0] =	vst v9  }
0x2ae: {  	v9 =	vld.idx.msk [tilespmem:v2+s17+$0x0], $0xffff;
	_ =	sdelay $0x1  }
0x2af: {  	v10 =	vld.idx.msk [tilespmem:v3+s17+$0x0], $0xffff;
	_ =	sdelay $0x2  }
0x2b0: {  	v9 =	vmul.u32 $0x65, v9;
	_ =	sdelay $0x1  }
0x2b1: {  	v9 =	vadd.s32 v10, v9  }
0x2b2: {  	[tilespmem:$0xAD0] =	vst v9  }
0x2b3: {  	v9 =	vld.idx.msk [tilespmem:v4+s17+$0x0], $0xffff;
	_ =	sdelay $0x1  }
0x2b4: {  	v10 =	vld.idx.msk [tilespmem:v6+s17+$0x0], $0xffff;
	_ =	sdelay $0x2  }
0x2b5: {  	v9 =	vmul.u32 $0x65, v9;
	_ =	sdelay $0x1  }
0x2b6: {  	v9 =	vadd.s32 v10, v9  }
0x2b7: {  	[tilespmem:$0xAE0] =	vst v9  }
0x2b8: {  	v9 =	vld.idx.msk [tilespmem:v7+s17+$0x0], $0xffff;
	_ =	sdelay $0x1  }
0x2b9: {  	v10 =	vld.idx.msk [tilespmem:v8+s17+$0x0], $0xffff;
	_ =	sdelay $0x2  }
.Ltmp6:
0x2ba: {  	v9 =	vmul.u32 $0x65, v9;
	(pc) =	sbr.rel .LBB2_6-.Ltmp6, $4  }
0x2bb: {  	_ = 	snop  }
0x2bc: {  	v9 =	vadd.s32 v10, v9  }
0x2bd: {  	[tilespmem:$0xAF0] =	vst v9  }
0x2be: {  	[tilespmem:s22], [sflag:$0x2] =	stream.indirect.gather [spmem:s1], $0x80, s21, s18, $0xb8;
	[tilespmem:$0x1CA48] =	vst v63  }
.LBB2_8:
0x2bf: {  	_ =	sfence.sel $0x180000  }
0x2c0: {  	[bflag:$0x0] =	sbarrier.arrive $0xFFFF  }
0x2c1: {  	_ =	strace $0x90000047  }
0x2c2: {  	[bflag:$0x2] =	sbarrier.arrive $0xFFFF  }
0x2c3: {  	s0 =	rddreg [dreg:$0x2]  }
0x2c4: {  	s0 =	sadd.s32 @!p0 $0x100000, s0  }
0x2c5: {  	[sflag:s0] =	ssyncadd.tile.s32 @!p0 $0x1;
	_ =	shalt  }
.Lfunc_end2:
_tile_overlayer_lowered:
.L_overlay_start_2:
0x2c6: {  	(tag) =	ssettag $0x2  }
0x2c7: {  	s0 =	rddreg [dreg:$0x0];
	s2 =	stileid.u32  }
0x2c8: {  	s1 =	rddreg [dreg:$0x1];
	p0 =	sne.s32 s2, $0x0  }
0x2c9: {  	s3 =	rddreg [dreg:$0x2];
	[bflag:$0x3] =	sbarrier.arrive $0xFFFF;
	s2 =	simm.s32 @!p0 $0x1C09  }
0x2ca: {  	[timem:s3], [sflag:s2] =	dma.local @!p0 [hbm:s0], s1  }
0x2cb: {  	s0 =	simm.s32 @!p0 $0x9  }
0x2cc: {  	_ =	swait.ge @!p0 [sflag:s0], s1  }
0x2cd: {  	s1 =	ssub.s32 @!p0 $0x0, s1;
	[sflag:s0] =	ssyncset.done @!p0 $0x0  }
0x2ce: {  	[sflag:s0] =	ssyncadd.s32 @!p0 s1  }
0x2cf: {  	[bflag:$0x3] =	sbarrier.arrive $0xFFFF  }
0x2d0: {  	_ =	shalt  }

// kernel: sparse-core-data-format-call.cloned.1.call-start
scs
called_computation_lowered:
.L_overlay_start_0:
0x0: {  	s2 =	sld [smem:$0x3FD9]  }
0x1: {  	s3 =	sld [smem:$0x3FFE];
	_ =	sdelay $0x1  }
0x2: {  	s1 =	srdreg.scid  }
0x3: {  	s0 =	sand.u32 $0x1, s1  }
0x4: {  	s18 =	sshll.u32 s0, $0xA;
	s2 =	sadd.s32 s3, s2  }
0x5: {  	s2 =	sadd.s32 s2, s18  }
0x6: {  	[smem:$0x3FC5] =	sst s2  }
0x7: {  	_ = 	snop  }
0x8: {  	s2 =	sld [smem:$0x3FD0];
	(tm) =	ssettm $0x1  }
0x9: {  	s19 =	sld [smem:$0x3FFB];
	_ =	sdelay $0x3  }
0xa: {  	_ =	strace s19  }
0xb: {  	s3 =	sld [smem:$0x3FFC];
	_ =	sdelay $0x3  }
0xc: {  	_ =	strace s3  }
0xd: {  	s3 =	sld [smem:$0x3FFD];
	_ =	sdelay $0x3  }
0xe: {  	_ =	strace s3  }
0xf: {  	_ =	strace $0x8FFFFFFF  }
0x10: {  	s20 =	sld [smem:$0x3FDB];
	_ =	sdelay $0x1  }
0x11: {  	s4 =	simm.s32 $_scs_section_size  }
0x12: {  	s5 =	simm.s32 $_size__tile_overlayer_lowered;
	s6 =	simm.s32 $_tile_overlayer_lowered  }
0x13: {  	s23 =	simm.s32 $0x1BFF;
	s22 =	sshll.u32 s6, $0x1;
	s3 =	sadd.s32 s4, s20  }
0x14: {  	s7 =	simm.s32 $0x0;
	s21 =	sshll.u32 s5, $0x1;
	s5 =	sadd.s32 s22, s3  }
0x15: {  	[timem:s7], [sflag:s23] =	dma.local [hbm:s5], s21  }
0x16: {  	_ =	swait.ge [sflag:s23], s21  }
0x17: {  	s4 =	ssub.s32 $0x0, s21;
	[sflag:s23] =	ssyncset.done $0x0  }
0x18: {  	[sflag:s23] =	ssyncadd.s32 s4;
	_ =	sdelay $0x1  }
0x19: {  	s24 =	simm.s32 $0x1B8B  }
0x1a: {  	_ =	swait.ge [sflag:s24], $0x1  }
0x1b: {  	[sflag:s24] =	ssyncset.done $0x0  }
0x1c: {  	s26 =	simm.s32 $0x1B8E;
	s25 =	sld [smem:$0x3FFE];
	[sflag:s24] =	ssyncadd.s32 $0xFFFFFFFF  }
0x1d: {  	s27 =	simm.s32 $execute0_lowered;
	[smem:$0x3FD2] =	sst s26  }
0x1e: {  	s5 =	sshll.u32 s27, $0x1;
	_ =	strace $0x80000049;
	[dreg:$0x1] =	wrdreg $0xFFFFFFFF  }
0x1f: {  	s28 =	simm.s32 $_size_execute0_lowered;
	s3 =	sadd.s32 s3, s5;
	[dreg:$0x0] =	wrdreg $0x0  }
0x20: {  	s5 =	sshll.u32 s28, $0x1;
	[dreg:$0x2] =	wrdreg s3  }
0x21: {  	[dreg:$0x3] =	wrdreg s5  }
0x22: {  	[dreg:$0x4] =	wrdreg $0xC0  }
0x23: {  	_ =	task [dreg:s7], $0x5FFFF  }
0x24: {  	[dreg:$0x1] =	wrdreg $0xFFFFFFFF  }
0x25: {  	[dreg:$0x0] =	wrdreg $0x60  }
0x26: {  	[dreg:$0x2] =	wrdreg s25  }
0x27: {  	[dreg:$0x3] =	wrdreg s2  }
0x28: {  	[dreg:$0x4] =	wrdreg $0x9  }
0x29: {  	_ =	task.clear_ibuf [dreg:s7], $0x5FFFF;
	_ =	strace $0x90000049  }
0x2a: {  	s29 =	simm.s32 $0x9;
	_ =	strace $0x8000004B  }
0x2b: {  	_ =	swait.ge [sflag:s29], $0x1  }
0x2c: {  	[sflag:s29] =	ssyncadd.s32 $0xFFFFFFFF  }
0x2d: {  	_ =	strace $0x9000004B  }
0x2e: {  	_ =	sfence  }
0x2f: {  	s30 =	sld [smem:$0x0];
	_ =	sdelay $0x2  }
0x30: {  	s31 =	sshll.u32 s1, $0xD;
	s1 =	sshrl.u32 s1, $0x2  }
0x31: {  	s3 =	sand.u32 $0x4000, s31;
	s1 =	sadd.s32 s1, s30  }
0x32: {  	s0 =	sor.u32 s3, s0;
	s1 =	sshll.u32 s1, $0x11  }
0x33: {  	s0 =	sor.u32 s1, s0  }
0x34: {  	s0 =	sadd.s32 $0x8F2B, s0  }
0x35: {  	[sflag:s0] =	ssyncadd.remote.s32 $0x1  }
0x36: {  	_ =	sfence.sel $0xFFFF  }
0x37: {  	[dreg:$0x0] =	wrdreg $0xFFFFFFFF;
	(pc) =	sbr.abs _section_cstart, $3  }
0x38: {  	[dreg:$0x1] =	wrdreg $0xFFFFFFFF  }
0x39: {  	_ =	task.clear_ibuf [dreg:s7], $0x2FFFF;
	_ =	strace $0x9FFFFFFF  }
0x3a: {  	(tm) =	ssettm $0x7FFFFFFF  }
0x3b: {  	_ =	shalt  }
tec
execute0_lowered:
.L_overlay_start_1:
0x0: {  	(tag) =	ssettag $0x1  }
0x1: {  	s0 =	srdreg.scid  }
0x2: {  	s1 =	sshll.u32 s0, $0x4  }
0x3: {  	s0 =	stileid.u32;
	s1 =	sand.u32 $0x10, s1  }
0x4: {  	s1 =	sor.u32 s0, s1  }
0x5: {  	s6 =	rddreg [dreg:$0x0];
	s4 =	simm.s32 $0x1;
	s2 =	sshll.u32 s1, $0x7  }
0x6: {  	s7 =	simm.s32 $0x2;
	s12 =	simm.s32 $0x0;
	s1 =	ssub.s32 $0x1000, s2  }
0x7: {  	s8 =	simm.s32 $0x8000;
	s13 =	simm.s32 $0x0;
	s3 =	sand.u32 $0xF80, s1  }
0x8: {  	s9 =	simm.s32 $0x0;
	s5 =	sshrl.u32 s1, $0xC;
	p0 =	sne.s32 s3, $0x0  }
.Ltmp0:
0x9: {  	s1 =	rddreg [dreg:$0x2];
	s4 =	simm.s32 @!p0 $0x0;
	(pc) =	sbr.rel .LBB1_1-.Ltmp0, $4  }
0xa: {  	s11 =	simm.s32 $0x0;
	s3 =	rddreg [dreg:$0x1];
	s5 =	sadd.s32 s4, s5  }
0xb: {  	_ =	strace $0x8000004A;
	s4 =	simm.s32 $0x1;
	s5 =	smul.u32 $0xC8, s5  }
0xc: {  	s6 =	sadd.s32 $0xFEF200, s6;
	s10 =	smov.u32 s2;
	[sflag:s4] =	ssyncpa.u1 $0x0  }
0xd: {  	p0 =	por $0x0, $0x0;
	[sflag:s7] =	ssyncpa.u1 $0x0;
	s7 =	sor.u32 $0x1, s5  }
.LBB1_4:
0xe: {  	s16 =	sshll.u32 s13, $0x3;
	s17 =	sand.u32 $0x78, s13  }
0xf: {  	s30 =	sand.u32 $0x7E00, s13;
	s12 =	sshll.u32 s12, $0xF;
	s16 =	sand.u32 $0xC00, s16  }
0x10: {  	[tilespmem:s15+$0x810 ss:$0x81] =	vst.msk $0xffff, v2;
	s31 =	sand.u32 $0x7, s13;
	s16 =	sor.u32 s17, s16;
	s17 =	sadd.s32 s3, s30  }
0x11: {  	[tilespmem:s15+$0x1020 ss:$0x81] =	vst.msk $0xffff, v0;
	s13 =	sshll.u32 s31, $0x12;
	s12 =	sadd.s32 s12, s17;
	s16 =	sshrl.u32 s16, $0x3  }
0x12: {  	[tilespmem:s15+$0x0 ss:$0x81] =	vst.msk $0xffff, v1;
	s13 =	sor.u32 $0x400, s13;
	s12 =	sadd.s32 s16, s12  }
0x13: {  	[hbm4b:s12+s13] =	stream.strided.scatter [tilespmem:s14], [sflag:$0x2], $0x2000, s8, s13, $0x20;
	[tilespmem:$0x8080] =	vst v63  }
.LBB1_5:
0x14: {  	s14 =	sadd.s32 $0x1, s9  }
0x15: {  	s12 =	sadd.s32 $0x1000, s10;
	s16 =	smov.u32 s10;
	p2 =	sgt.s32 s14, $0xC7  }
0x16: {  	s16 =	smov.u32 @p2 s12  }
0x17: {  	s14 =	simm.s32 @p2 $0x0;
	p2 =	sgt.s32 s16, $0xFFF  }
0x18: {  	s16 =	smov.u32 @p2 s2;
	p2 =	sne.s32 s11, s7  }
.Ltmp1:
0x19: {  	p1 =	slt.u32 s11, $0x2;
	(pc) =	sbr.rel @!p2 .LBB1_6-.Ltmp1, $4  }
0x1a: {  	s15 =	simm.s32 @!p1 $0x2  }
0x1b: {  	s13 =	smov.u32 s10;
	p0 =	por !p0, !p0;
	_ =	swait.ge @!p1 [sflag:s15], $0x2000  }
0x1c: {  	s12 =	smov.u32 s9;
	[sflag:s15] =	ssyncset.done @!p1 $0x0;
	s9 =	smov.u32 s14  }
0x1d: {  	s11 =	sadd.s32 $0x1, s11;
	[sflag:s15] =	ssyncadd.s32 @!p1 $0xFFFFE000;
	s10 =	smov.u32 s16  }
.LBB1_1:
0x1e: {  	p1 =	sge.u32 s11, s5  }
0x1f: {  	s14 =	sand.u32 @!p1 $0x1FFFFFF, s9  }
0x20: {  	s15 =	smulhi.u32 @!p1 $0x147AE15, s14;
	_ =	sdelay $0x1  }
0x21: {  	s15 =	smul.u32 @!p1 $0xC8, s15  }
0x22: {  	s16 =	sxor.u32 @!p1 $0xFFFFFFFF, s11;
	s17 =	smul.u32 @!p1 $0xC80, s10  }
0x23: {  	s31 =	sadd.s32 $0xFFFFFFFF, s11;
	s16 =	sshll.u32 @!p1 s16, $0xD;
	s14 =	ssub.s32 @!p1 s14, s15  }
0x24: {  	s15 =	sand.u32 @!p1 $0x2000, s16;
	s16 =	sadd.s32 @!p1 s6, s17;
	s14 =	sshll.u32 @!p1 s14, $0x4  }
0x25: {  	s17 =	simm.s32 @!p1 $0x6400;
	s14 =	sadd.s32 @!p1 s14, s16;
	s16 =	simm.s32 @!p1 $0x40  }
0x26: {  	[tilespmem:s15], [sflag:$0x1] =	stream.strided.gather @!p1 [hbm4b:s14+s16], $0x2000, s17, s16, $0x38;
	[tilespmem:$0x8080] =	vst v63  }
0x27: {  	p1 =	sge.u32 s31, s5  }
.Ltmp2:
0x28: {  	_ = 	snop;
	(pc) =	sbr.rel @p1 .LBB1_5-.Ltmp2, $1  }
0x29: {  	_ =	sdelay $0x3  }
0x2a: {  	s14 =	simm.s32 $0x1  }
0x2b: {  	_ =	swait.ge [sflag:s4], $0x2000;
	s14 =	simm.s32 @!p0 $0x0  }
0x2c: {  	[sflag:s4] =	ssyncset.done $0x0;
	s15 =	sshll.u32 s14, $0xD  }
0x2d: {  	[sflag:s4] =	ssyncadd.s32 $0xFFFFE000;
	s18 =	sor.u32 $0x20, s15  }
0x2e: {  	s14 =	smul.u32 $0x8100, s14;
	v3 =	vld [tilespmem:s18+$0x10]  }
0x2f: {  	s30 =	sand.u32 $0x1, s11;
	v2 =	vld [tilespmem:s18+$0xFFFFFFF0]  }
0x30: {  	s15 =	smul.u32 $0x8100, s30;
	s14 =	sshrl.u32 s14, $0x2;
	v0 =	vld [tilespmem:s18+$0x0]  }
0x31: {  	v1 =	vld [tilespmem:s18+$0xFFFFFFE0];
	s16 =	sor.u32 $0x4000, s14  }
0x32: {  	s31 =	sshrl.u32 s15, $0x2;
	s15 =	sadd.s32 $0x0, s16  }
0x33: {  	s17 =	simm.s32 $0x4;
	s18 =	sadd.s32 $0x40, s18;
	s14 =	sor.u32 $0x4000, s31;
	[tilespmem:s15+$0x1830 ss:$0x81] =	vst.msk $0xffff, v3  }
.LBB1_3:
0x34: {  	v3 =	vld [tilespmem:s18+$0x10];
	p1 =	sne.s32 s17, $0x1FC;
	[tilespmem:s15+$0x810 ss:$0x81] =	vst.msk $0xffff, v2;
	s19 =	smov.u32 s17;
	s17 =	sadd.s32 $0x4, s17  }
.Ltmp3:
0x35: {  	v2 =	vld [tilespmem:s18+$0xFFFFFFF0];
	[tilespmem:s15+$0x1020 ss:$0x81] =	vst.msk $0xffff, v0;
	(pc) =	sbr.rel @p1 .LBB1_3-.Ltmp3, $4  }
0x36: {  	v0 =	vld [tilespmem:s18+$0x0];
	[tilespmem:s15+$0x0 ss:$0x81] =	vst.msk $0xffff, v1  }
0x37: {  	s15 =	sshra.s32 s19, $0x2;
	v1 =	vld [tilespmem:s18+$0xFFFFFFE0]  }
0x38: {  	s15 =	sadd.s32 s15, s16  }
0x39: {  	s18 =	sadd.s32 $0x40, s18;
	[tilespmem:s15+$0x1830 ss:$0x81] =	vst.msk $0xffff, v3  }
.Ltmp4:
0x3a: {  	_ = 	snop;
	(pc) =	sbr.rel .LBB1_4-.Ltmp4, $1  }
0x3b: {  	_ =	sdelay $0x3  }
.LBB1_6:
0x3c: {  	_ =	sfence.sel $0x180000  }
0x3d: {  	s2 =	simm.s32 $0x1;
	[bflag:$0x0] =	sbarrier.arrive $0xFFFF  }
0x3e: {  	s31 =	simm.s32 $0x2;
	[sflag:s2] =	ssyncpa.u1 $0x1  }
0x3f: {  	[sflag:s31] =	ssyncpa.u1 $0x1  }
0x40: {  	p0 =	sne.s32 s0, $0x0;
	_ =	strace $0x9000004A  }
0x41: {  	s0 =	sadd.s32 @!p0 $0x100000, s1;
	[bflag:$0x2] =	sbarrier.arrive $0xFFFF  }
0x42: {  	[sflag:s0] =	ssyncadd.tile.s32 @!p0 $0x1;
	_ =	shalt  }
.Lfunc_end1:
_tile_overlayer_lowered:
.L_overlay_start_2:
0x43: {  	(tag) =	ssettag $0x2  }
0x44: {  	s0 =	rddreg [dreg:$0x0];
	s2 =	stileid.u32  }
0x45: {  	s1 =	rddreg [dreg:$0x1];
	p0 =	sne.s32 s2, $0x0  }
0x46: {  	s3 =	rddreg [dreg:$0x2];
	[bflag:$0x3] =	sbarrier.arrive $0xFFFF;
	s2 =	simm.s32 @!p0 $0x1C01  }
0x47: {  	[timem:s3], [sflag:s2] =	dma.local @!p0 [hbm:s0], s1  }
0x48: {  	s0 =	simm.s32 @!p0 $0x1  }
0x49: {  	_ =	swait.ge @!p0 [sflag:s0], s1  }
0x4a: {  	s1 =	ssub.s32 @!p0 $0x0, s1;
	[sflag:s0] =	ssyncset.done @!p0 $0x0  }
0x4b: {  	[sflag:s0] =	ssyncadd.s32 @!p0 s1  }
0x4c: {  	[bflag:$0x3] =	sbarrier.arrive $0xFFFF  }
0x4d: {  	_ =	shalt  }

</sc_bundles>
